<compile_context>
chip_gen: v7x
topology: tpu7x:2x2x1
jax: 0.10.2.dev20260603
libtpu: 0.0.44.dev20260713+nightly
codegen_flags: <defaults>
</compile_context>

<pallas_src>
import functools

import jax
import jax.numpy as jnp
from jax import lax
from jax.experimental import pallas as pl
from jax.experimental.pallas import tpu as pltpu
from jax.experimental.pallas import tpu_sc as plsc

B = 16384
D = 64
NREL = 500
NC = 2
NS = 16
NW = NC * NS
NPW = B // NW
NGROUP = NPW // 16
ROW_BYTES = D * 4


def _body(bh_ref, bt_ref, br_ref, ent_ref, rd_ref, out_ref,
          idx_hv, idx_tv, idx_rv,
          hrows, trows, rel_tab, scores_v, sem):
    c = lax.axis_index("c")
    s = lax.axis_index("s")
    wid = s * NC + c
    base = wid * NPW

    pltpu.sync_copy(bh_ref.at[pl.ds(base, NPW)], idx_hv)
    pltpu.sync_copy(bt_ref.at[pl.ds(base, NPW)], idx_tv)
    pltpu.sync_copy(br_ref.at[pl.ds(base, NPW)], idx_rv)
    def fire(ci, carry):
        off = ci * 16
        ehv = idx_hv[pl.ds(off, 16)]
        etv = idx_tv[pl.ds(off, 16)]
        for j in range(16):
            i = off + j
            pltpu.async_copy(
                ent_ref.at[ehv[j]],
                hrows.at[i >> 1, pl.ds((i & 1) * D, D)], sem)
            pltpu.async_copy(
                ent_ref.at[etv[j]],
                trows.at[i >> 1, pl.ds((i & 1) * D, D)], sem)
        return carry

    lax.fori_loop(0, NPW // 16, fire, 0)

    pltpu.sync_copy(rd_ref, rel_tab)
    pltpu.make_async_copy(rd_ref, hrows, sem).wait()
    pltpu.make_async_copy(rd_ref, trows, sem).wait()

    lvec = lax.iota(jnp.int32, 16)

    def group(g, carry):
        g16 = g * 16
        items = g16 + lvec
        iq = items >> 1
        ic = (items & 1) << 6
        r16 = idx_rv[pl.ds(g16, 16)]
        rq = r16 >> 1
        rc = (r16 & 1) << 6
        acc0 = jnp.zeros((16,), jnp.float32)
        acc1 = jnp.zeros((16,), jnp.float32)
        for step in range(D):
            rot = (lvec + step) & (D - 1)
            col = ic + rot
            hd = plsc.load_gather(hrows, [iq, col])
            td = plsc.load_gather(trows, [iq, col])
            rd = plsc.load_gather(rel_tab, [rq, rc + rot])
            if step % 2 == 0:
                acc0 = acc0 + hd * rd * td
            else:
                acc1 = acc1 + hd * rd * td
        acc = acc0 + acc1
        scores_v[pl.ds(g16, 16)] = 1.0 / (1.0 + jnp.exp(-acc))
        return carry

    lax.fori_loop(0, NGROUP, group, 0)

    pltpu.sync_copy(scores_v, out_ref.at[pl.ds(base, NPW)])


def _detile_body(x_ref, o_ref):
    eye = (lax.broadcasted_iota(jnp.int32, (D, D), 0) ==
           lax.broadcasted_iota(jnp.int32, (D, D), 1)).astype(jnp.float32)
    o_ref[...] = lax.dot_general(
        x_ref[...], eye, (((0,), (0,)), ((), ())),
        preferred_element_type=jnp.float32)


def _tc_detile(entT):
    n = entT.shape[1]
    blk = 32768
    grid = (n + blk - 1) // blk
    return pl.pallas_call(
        _detile_body,
        grid=(grid,),
        in_specs=[pl.BlockSpec((D, blk), lambda i: (0, i))],
        out_specs=pl.BlockSpec((blk, D), lambda i: (i, 0)),
        out_shape=jax.ShapeDtypeStruct((n, D), jnp.float32),
        compiler_params=pltpu.CompilerParams(
            dimension_semantics=("parallel",)),
    )(entT)


@functools.partial(jax.jit, static_argnames=())
def _distmul_sc(batch_h, batch_t, batch_r, ent_emb, rel_diag2):
    mesh = plsc.VectorSubcoreMesh(core_axis_name="c", subcore_axis_name="s")
    return pl.kernel(
        _body,
        out_type=jax.ShapeDtypeStruct((B,), jnp.float32),
        mesh=mesh,
        compiler_params=pltpu.CompilerParams(needs_layout_passes=False),
        scratch_types=[
            pltpu.VMEM((NPW,), jnp.int32),
            pltpu.VMEM((NPW,), jnp.int32),
            pltpu.VMEM((NPW,), jnp.int32),
            pltpu.VMEM((NPW // 2, 2 * D), jnp.float32),
            pltpu.VMEM((NPW // 2, 2 * D), jnp.float32),
            pltpu.VMEM((NPW // 2, 2 * D), jnp.float32),
            pltpu.VMEM((NPW,), jnp.float32),
            pltpu.SemaphoreType.DMA,
        ],
    )(batch_h, batch_t, batch_r, ent_emb, rel_diag2)


def kernel(batch_h, batch_t, batch_r, ent_emb, rel_emb):
    rel_diag = jnp.diagonal(rel_emb, axis1=1, axis2=2)
    rel_diag2 = jnp.concatenate(
        [rel_diag, jnp.zeros((NPW - NREL, D), jnp.float32)]).reshape(
            NPW // 2, 2 * D)
    ent_lin = _tc_detile(ent_emb.T)
    return _distmul_sc(batch_h, batch_t, batch_r, ent_lin, rel_diag2)

# --- scband reference (transcript-rebuilt; emitter-appended) ---
"""Pipeline reference for scband-dist-mul-88519275970866 (READ-ONLY COPY).

The authoritative reference and input builder live on the scoring server;
editing this copy changes nothing except your own understanding.
"""

import jax, jax.numpy as jnp
import numpy as np

TOTAL_REL = 500
EMB_DIM = 64
N_ENT = 1000000
BATCH = 16384


def setup_inputs(seed: int = 0) -> dict:
    key = jax.random.key(seed)
    k1, k2, k3, k4, k5 = jax.random.split(key, 5)
    batch_h = jax.random.randint(k1, (BATCH,), 0, N_ENT, dtype=jnp.int64 if jax.config.read('jax_enable_x64') else jnp.int32).astype(jnp.int32)
    batch_t = jax.random.randint(k2, (BATCH,), 0, N_ENT).astype(jnp.int32)
    batch_r = jax.random.randint(k3, (BATCH,), 0, TOTAL_REL).astype(jnp.int32)
    ent_emb = jax.random.normal(k4, (N_ENT, EMB_DIM), dtype=jnp.float32)
    # rel_emb parameter: diag_embed of uniform [0,1) values -> (TOTAL_REL, EMB_DIM, EMB_DIM)
    diag_vals = jax.random.uniform(k5, (TOTAL_REL, EMB_DIM), dtype=jnp.float32)
    rel_emb = jax.vmap(jnp.diag)(diag_vals)
    return {"batch_h": batch_h, "batch_t": batch_t, "batch_r": batch_r, "ent_emb": ent_emb, "rel_emb": rel_emb}


def reference(batch_h, batch_t, batch_r, ent_emb, rel_emb):
    # heads: (B, d, 1), tails: (B, d, 1), rels: (B, d, d)
    heads = jnp.take(ent_emb, batch_h, axis=0)[:, :, None]
    tails = jnp.take(ent_emb, batch_t, axis=0)[:, :, None]
    rels = jnp.take(rel_emb, batch_r, axis=0)
    # score = sigmoid(h^T R t), squeezed to (B,)
    ht = jnp.transpose(heads, (0, 2, 1))  # (B, 1, d)
    score = jax.nn.sigmoid(jnp.matmul(jnp.matmul(ht, rels), tails))
    return jnp.squeeze(score)

if __name__ == "__main__":
    import jax
    _d = setup_inputs()
    print(jax.jit(kernel)(*tuple(_d.values())))

</pallas_src>

<mosaic_0001>
#map = affine_map<(d0, d1) -> (0)>
#map1 = affine_map<(d0, d1) -> (0, 0)>
module attributes {stable_mosaic.version = 14 : i64} {
  func.func @_body(%arg0: i32, %arg1: i32, %arg2: memref<16384xi32, #tpu.memory_space<hbm>>, %arg3: memref<16384xi32, #tpu.memory_space<hbm>>, %arg4: memref<16384xi32, #tpu.memory_space<hbm>>, %arg5: memref<1000000x64xf32, #tpu.memory_space<hbm>>, %arg6: memref<256x128xf32, #tpu.memory_space<hbm>>, %arg7: memref<16384xf32, #tpu.memory_space<hbm>>, %arg8: memref<512xi32, #tpu.memory_space<vmem>>, %arg9: memref<512xi32, #tpu.memory_space<vmem>>, %arg10: memref<512xi32, #tpu.memory_space<vmem>>, %arg11: memref<256x128xf32, #tpu.memory_space<vmem>>, %arg12: memref<256x128xf32, #tpu.memory_space<vmem>>, %arg13: memref<256x128xf32, #tpu.memory_space<vmem>>, %arg14: memref<512xf32, #tpu.memory_space<vmem>>, %arg15: memref<!tpu.dma_semaphore, #tpu.memory_space<semaphore_mem>>) attributes {dimension_semantics = [#tpu.dimension_semantics<core_parallel>, #tpu.dimension_semantics<subcore_parallel>], iteration_bounds = array<i64: 2, 16>, scalar_prefetch = 0 : i64, scratch_operands = 8 : i64, tpu.core_type = #tpu.core_type<sc_vector_subcore>, window_params = [{transform_indices = #map}, {transform_indices = #map}, {transform_indices = #map}, {transform_indices = #map1}, {transform_indices = #map1}, {transform_indices = #map}]} {
    %mul3A = arith.constant 2 : i32
    %mul3A_0 = arith.muli %arg1, %mul3A : i32
    %add3A = arith.addi %mul3A_0, %arg0 : i32
    %mul3A_1 = arith.constant 512 : i32
    %mul3A_2 = arith.muli %add3A, %mul3A_1 : i32
    "tpu.region"() ({
      %run_scoped3A = tpu.sem_alloc : memref<!tpu.dma_semaphore, #tpu.memory_space<semaphore_mem>>
      %dma_start3A = tpu.memref_slice %arg2[%mul3A_2] : memref<16384xi32, #tpu.memory_space<hbm>> -> memref<512xi32, #tpu.memory_space<hbm>>
      %dma_start3A_14 = tpu.memref_slice %arg2[%mul3A_2] : memref<16384xi32, #tpu.memory_space<hbm>> -> memref<512xi32, #tpu.memory_space<hbm>>
      tpu.enqueue_dma source(%dma_start3A_14 : memref<512xi32, #tpu.memory_space<hbm>>) target(%arg8 : memref<512xi32, #tpu.memory_space<vmem>>) target_semaphore(%run_scoped3A : memref<!tpu.dma_semaphore, #tpu.memory_space<semaphore_mem>>)
      %dma_wait3A = tpu.memref_slice %arg2[%mul3A_2] : memref<16384xi32, #tpu.memory_space<hbm>> -> memref<512xi32, #tpu.memory_space<hbm>>
      %dma_wait3A_15 = tpu.memref_slice %arg2[%mul3A_2] : memref<16384xi32, #tpu.memory_space<hbm>> -> memref<512xi32, #tpu.memory_space<hbm>>
      tpu.wait_dma2 semaphore(%run_scoped3A : memref<!tpu.dma_semaphore, #tpu.memory_space<semaphore_mem>>) src(%dma_wait3A_15 : memref<512xi32, #tpu.memory_space<hbm>>) dst(%arg8 : memref<512xi32, #tpu.memory_space<vmem>>)
      tpu.yield
    }) : () -> ()
    "tpu.region"() ({
      %run_scoped3A = tpu.sem_alloc : memref<!tpu.dma_semaphore, #tpu.memory_space<semaphore_mem>>
      %dma_start3A = tpu.memref_slice %arg3[%mul3A_2] : memref<16384xi32, #tpu.memory_space<hbm>> -> memref<512xi32, #tpu.memory_space<hbm>>
      %dma_start3A_14 = tpu.memref_slice %arg3[%mul3A_2] : memref<16384xi32, #tpu.memory_space<hbm>> -> memref<512xi32, #tpu.memory_space<hbm>>
      tpu.enqueue_dma source(%dma_start3A_14 : memref<512xi32, #tpu.memory_space<hbm>>) target(%arg9 : memref<512xi32, #tpu.memory_space<vmem>>) target_semaphore(%run_scoped3A : memref<!tpu.dma_semaphore, #tpu.memory_space<semaphore_mem>>)
      %dma_wait3A = tpu.memref_slice %arg3[%mul3A_2] : memref<16384xi32, #tpu.memory_space<hbm>> -> memref<512xi32, #tpu.memory_space<hbm>>
      %dma_wait3A_15 = tpu.memref_slice %arg3[%mul3A_2] : memref<16384xi32, #tpu.memory_space<hbm>> -> memref<512xi32, #tpu.memory_space<hbm>>
      tpu.wait_dma2 semaphore(%run_scoped3A : memref<!tpu.dma_semaphore, #tpu.memory_space<semaphore_mem>>) src(%dma_wait3A_15 : memref<512xi32, #tpu.memory_space<hbm>>) dst(%arg9 : memref<512xi32, #tpu.memory_space<vmem>>)
      tpu.yield
    }) : () -> ()
    "tpu.region"() ({
      %run_scoped3A = tpu.sem_alloc : memref<!tpu.dma_semaphore, #tpu.memory_space<semaphore_mem>>
      %dma_start3A = tpu.memref_slice %arg4[%mul3A_2] : memref<16384xi32, #tpu.memory_space<hbm>> -> memref<512xi32, #tpu.memory_space<hbm>>
      %dma_start3A_14 = tpu.memref_slice %arg4[%mul3A_2] : memref<16384xi32, #tpu.memory_space<hbm>> -> memref<512xi32, #tpu.memory_space<hbm>>
      tpu.enqueue_dma source(%dma_start3A_14 : memref<512xi32, #tpu.memory_space<hbm>>) target(%arg10 : memref<512xi32, #tpu.memory_space<vmem>>) target_semaphore(%run_scoped3A : memref<!tpu.dma_semaphore, #tpu.memory_space<semaphore_mem>>)
      %dma_wait3A = tpu.memref_slice %arg4[%mul3A_2] : memref<16384xi32, #tpu.memory_space<hbm>> -> memref<512xi32, #tpu.memory_space<hbm>>
      %dma_wait3A_15 = tpu.memref_slice %arg4[%mul3A_2] : memref<16384xi32, #tpu.memory_space<hbm>> -> memref<512xi32, #tpu.memory_space<hbm>>
      tpu.wait_dma2 semaphore(%run_scoped3A : memref<!tpu.dma_semaphore, #tpu.memory_space<semaphore_mem>>) src(%dma_wait3A_15 : memref<512xi32, #tpu.memory_space<hbm>>) dst(%arg10 : memref<512xi32, #tpu.memory_space<vmem>>)
      tpu.yield
    }) : () -> ()
    %scan3A = arith.constant 0 : i32
    %scan3A_3 = arith.constant 0 : i32
    %scan3A_4 = arith.constant 32 : i32
    %scan3A_5 = arith.addi %scan3A_3, %scan3A_4 : i32
    %scan3A_6 = arith.constant 1 : i32
    scf.for %scan3A_14 = %scan3A_3 to %scan3A_5 step %scan3A_6  : i32 {
      %mul3A_15 = arith.constant 16 : i32
      %mul3A_16 = arith.muli %scan3A_14, %mul3A_15 : i32
      %get3A = arith.index_cast %mul3A_16 : i32 to index
      %get3A_17 = tpu.vector_load %arg8[%get3A] {strides = array<i32>} : memref<512xi32, #tpu.memory_space<vmem>>, vector<16xi32>,
      %get3A_18 = arith.index_cast %mul3A_16 : i32 to index
      %get3A_19 = tpu.vector_load %arg9[%get3A_18] {strides = array<i32>} : memref<512xi32, #tpu.memory_space<vmem>>, vector<16xi32>,
      %add3A_20 = arith.constant 0 : i32
      %add3A_21 = arith.addi %mul3A_16, %add3A_20 : i32
      %slice3A = vector.extract_strided_slice %get3A_17 {offsets = [0], sizes = [1], strides = [1]} : vector<16xi32> to vector<1xi32>
      %squeeze3A = vector.extract %slice3A[0] : i32 from vector<1xi32>
      %shift_right_arithmetic3A = arith.constant 1 : i32
      %shift_right_arithmetic3A_22 = arith.shrsi %add3A_21, %shift_right_arithmetic3A : i32
      %and3A = arith.constant 1 : i32
      %and3A_23 = arith.andi %add3A_21, %and3A : i32
      %mul3A_24 = arith.constant 64 : i32
      %mul3A_25 = arith.muli %and3A_23, %mul3A_24 : i32
      %dma_start3A = tpu.memref_slice %arg11[%shift_right_arithmetic3A_22, %mul3A_25] : memref<256x128xf32, #tpu.memory_space<vmem>> -> memref<1x64xf32, #tpu.memory_space<vmem>>
      %dma_start3A_26 = tpu.memref_squeeze %dma_start3A : memref<1x64xf32, #tpu.memory_space<vmem>> -> memref<64xf32, #tpu.memory_space<vmem>>
      %dma_start3A_27 = arith.constant 0 : i32
      %dma_start3A_28 = tpu.memref_slice %arg5[%squeeze3A, %dma_start3A_27] : memref<1000000x64xf32, #tpu.memory_space<hbm>> -> memref<1x64xf32, #tpu.memory_space<hbm>>
      %dma_start3A_29 = tpu.memref_squeeze %dma_start3A_28 : memref<1x64xf32, #tpu.memory_space<hbm>> -> memref<64xf32, #tpu.memory_space<hbm>>
      %dma_start3A_30 = tpu.memref_slice %arg11[%shift_right_arithmetic3A_22, %mul3A_25] : memref<256x128xf32, #tpu.memory_space<vmem>> -> memref<1x64xf32, #tpu.memory_space<vmem>>
      %dma_start3A_31 = tpu.memref_squeeze %dma_start3A_30 : memref<1x64xf32, #tpu.memory_space<vmem>> -> memref<64xf32, #tpu.memory_space<vmem>>
      %dma_start3A_32 = arith.constant 0 : i32
      %dma_start3A_33 = tpu.memref_slice %arg5[%squeeze3A, %dma_start3A_32] : memref<1000000x64xf32, #tpu.memory_space<hbm>> -> memref<1x64xf32, #tpu.memory_space<hbm>>
      %dma_start3A_34 = tpu.memref_squeeze %dma_start3A_33 : memref<1x64xf32, #tpu.memory_space<hbm>> -> memref<64xf32, #tpu.memory_space<hbm>>
      tpu.enqueue_dma source(%dma_start3A_34 : memref<64xf32, #tpu.memory_space<hbm>>) target(%dma_start3A_31 : memref<64xf32, #tpu.memory_space<vmem>>) target_semaphore(%arg15 : memref<!tpu.dma_semaphore, #tpu.memory_space<semaphore_mem>>)
      %slice3A_35 = vector.extract_strided_slice %get3A_19 {offsets = [0], sizes = [1], strides = [1]} : vector<16xi32> to vector<1xi32>
      %squeeze3A_36 = vector.extract %slice3A_35[0] : i32 from vector<1xi32>
      %shift_right_arithmetic3A_37 = arith.constant 1 : i32
      %shift_right_arithmetic3A_38 = arith.shrsi %add3A_21, %shift_right_arithmetic3A_37 : i32
      %and3A_39 = arith.constant 1 : i32
      %and3A_40 = arith.andi %add3A_21, %and3A_39 : i32
      %mul3A_41 = arith.constant 64 : i32
      %mul3A_42 = arith.muli %and3A_40, %mul3A_41 : i32
      %dma_start3A_43 = tpu.memref_slice %arg12[%shift_right_arithmetic3A_38, %mul3A_42] : memref<256x128xf32, #tpu.memory_space<vmem>> -> memref<1x64xf32, #tpu.memory_space<vmem>>
      %dma_start3A_44 = tpu.memref_squeeze %dma_start3A_43 : memref<1x64xf32, #tpu.memory_space<vmem>> -> memref<64xf32, #tpu.memory_space<vmem>>
      %dma_start3A_45 = arith.constant 0 : i32
      %dma_start3A_46 = tpu.memref_slice %arg5[%squeeze3A_36, %dma_start3A_45] : memref<1000000x64xf32, #tpu.memory_space<hbm>> -> memref<1x64xf32, #tpu.memory_space<hbm>>
      %dma_start3A_47 = tpu.memref_squeeze %dma_start3A_46 : memref<1x64xf32, #tpu.memory_space<hbm>> -> memref<64xf32, #tpu.memory_space<hbm>>
      %dma_start3A_48 = tpu.memref_slice %arg12[%shift_right_arithmetic3A_38, %mul3A_42] : memref<256x128xf32, #tpu.memory_space<vmem>> -> memref<1x64xf32, #tpu.memory_space<vmem>>
      %dma_start3A_49 = tpu.memref_squeeze %dma_start3A_48 : memref<1x64xf32, #tpu.memory_space<vmem>> -> memref<64xf32, #tpu.memory_space<vmem>>
      %dma_start3A_50 = arith.constant 0 : i32
      %dma_start3A_51 = tpu.memref_slice %arg5[%squeeze3A_36, %dma_start3A_50] : memref<1000000x64xf32, #tpu.memory_space<hbm>> -> memref<1x64xf32, #tpu.memory_space<hbm>>
      %dma_start3A_52 = tpu.memref_squeeze %dma_start3A_51 : memref<1x64xf32, #tpu.memory_space<hbm>> -> memref<64xf32, #tpu.memory_space<hbm>>
      tpu.enqueue_dma source(%dma_start3A_52 : memref<64xf32, #tpu.memory_space<hbm>>) target(%dma_start3A_49 : memref<64xf32, #tpu.memory_space<vmem>>) target_semaphore(%arg15 : memref<!tpu.dma_semaphore, #tpu.memory_space<semaphore_mem>>)
      %add3A_53 = arith.constant 1 : i32
      %add3A_54 = arith.addi %mul3A_16, %add3A_53 : i32
      %slice3A_55 = vector.extract_strided_slice %get3A_17 {offsets = [1], sizes = [1], strides = [1]} : vector<16xi32> to vector<1xi32>
      %squeeze3A_56 = vector.extract %slice3A_55[0] : i32 from vector<1xi32>
      %shift_right_arithmetic3A_57 = arith.constant 1 : i32
      %shift_right_arithmetic3A_58 = arith.shrsi %add3A_54, %shift_right_arithmetic3A_57 : i32
      %and3A_59 = arith.constant 1 : i32
      %and3A_60 = arith.andi %add3A_54, %and3A_59 : i32
      %mul3A_61 = arith.constant 64 : i32
      %mul3A_62 = arith.muli %and3A_60, %mul3A_61 : i32
      %dma_start3A_63 = tpu.memref_slice %arg11[%shift_right_arithmetic3A_58, %mul3A_62] : memref<256x128xf32, #tpu.memory_space<vmem>> -> memref<1x64xf32, #tpu.memory_space<vmem>>
      %dma_start3A_64 = tpu.memref_squeeze %dma_start3A_63 : memref<1x64xf32, #tpu.memory_space<vmem>> -> memref<64xf32, #tpu.memory_space<vmem>>
      %dma_start3A_65 = arith.constant 0 : i32
      %dma_start3A_66 = tpu.memref_slice %arg5[%squeeze3A_56, %dma_start3A_65] : memref<1000000x64xf32, #tpu.memory_space<hbm>> -> memref<1x64xf32, #tpu.memory_space<hbm>>
      %dma_start3A_67 = tpu.memref_squeeze %dma_start3A_66 : memref<1x64xf32, #tpu.memory_space<hbm>> -> memref<64xf32, #tpu.memory_space<hbm>>
      %dma_start3A_68 = tpu.memref_slice %arg11[%shift_right_arithmetic3A_58, %mul3A_62] : memref<256x128xf32, #tpu.memory_space<vmem>> -> memref<1x64xf32, #tpu.memory_space<vmem>>
      %dma_start3A_69 = tpu.memref_squeeze %dma_start3A_68 : memref<1x64xf32, #tpu.memory_space<vmem>> -> memref<64xf32, #tpu.memory_space<vmem>>
      %dma_start3A_70 = arith.constant 0 : i32
      %dma_start3A_71 = tpu.memref_slice %arg5[%squeeze3A_56, %dma_start3A_70] : memref<1000000x64xf32, #tpu.memory_space<hbm>> -> memref<1x64xf32, #tpu.memory_space<hbm>>
      %dma_start3A_72 = tpu.memref_squeeze %dma_start3A_71 : memref<1x64xf32, #tpu.memory_space<hbm>> -> memref<64xf32, #tpu.memory_space<hbm>>
      tpu.enqueue_dma source(%dma_start3A_72 : memref<64xf32, #tpu.memory_space<hbm>>) target(%dma_start3A_69 : memref<64xf32, #tpu.memory_space<vmem>>) target_semaphore(%arg15 : memref<!tpu.dma_semaphore, #tpu.memory_space<semaphore_mem>>)
      %slice3A_73 = vector.extract_strided_slice %get3A_19 {offsets = [1], sizes = [1], strides = [1]} : vector<16xi32> to vector<1xi32>
      %squeeze3A_74 = vector.extract %slice3A_73[0] : i32 from vector<1xi32>
      %shift_right_arithmetic3A_75 = arith.constant 1 : i32
      %shift_right_arithmetic3A_76 = arith.shrsi %add3A_54, %shift_right_arithmetic3A_75 : i32
      %and3A_77 = arith.constant 1 : i32
      %and3A_78 = arith.andi %add3A_54, %and3A_77 : i32
      %mul3A_79 = arith.constant 64 : i32
      %mul3A_80 = arith.muli %and3A_78, %mul3A_79 : i32
      %dma_start3A_81 = tpu.memref_slice %arg12[%shift_right_arithmetic3A_76, %mul3A_80] : memref<256x128xf32, #tpu.memory_space<vmem>> -> memref<1x64xf32, #tpu.memory_space<vmem>>
      %dma_start3A_82 = tpu.memref_squeeze %dma_start3A_81 : memref<1x64xf32, #tpu.memory_space<vmem>> -> memref<64xf32, #tpu.memory_space<vmem>>
      %dma_start3A_83 = arith.constant 0 : i32
      %dma_start3A_84 = tpu.memref_slice %arg5[%squeeze3A_74, %dma_start3A_83] : memref<1000000x64xf32, #tpu.memory_space<hbm>> -> memref<1x64xf32, #tpu.memory_space<hbm>>
      %dma_start3A_85 = tpu.memref_squeeze %dma_start3A_84 : memref<1x64xf32, #tpu.memory_space<hbm>> -> memref<64xf32, #tpu.memory_space<hbm>>
      %dma_start3A_86 = tpu.memref_slice %arg12[%shift_right_arithmetic3A_76, %mul3A_80] : memref<256x128xf32, #tpu.memory_space<vmem>> -> memref<1x64xf32, #tpu.memory_space<vmem>>
      %dma_start3A_87 = tpu.memref_squeeze %dma_start3A_86 : memref<1x64xf32, #tpu.memory_space<vmem>> -> memref<64xf32, #tpu.memory_space<vmem>>
      %dma_start3A_88 = arith.constant 0 : i32
      %dma_start3A_89 = tpu.memref_slice %arg5[%squeeze3A_74, %dma_start3A_88] : memref<1000000x64xf32, #tpu.memory_space<hbm>> -> memref<1x64xf32, #tpu.memory_space<hbm>>
      %dma_start3A_90 = tpu.memref_squeeze %dma_start3A_89 : memref<1x64xf32, #tpu.memory_space<hbm>> -> memref<64xf32, #tpu.memory_space<hbm>>
      tpu.enqueue_dma source(%dma_start3A_90 : memref<64xf32, #tpu.memory_space<hbm>>) target(%dma_start3A_87 : memref<64xf32, #tpu.memory_space<vmem>>) target_semaphore(%arg15 : memref<!tpu.dma_semaphore, #tpu.memory_space<semaphore_mem>>)
      %add3A_91 = arith.constant 2 : i32
      %add3A_92 = arith.addi %mul3A_16, %add3A_91 : i32
      %slice3A_93 = vector.extract_strided_slice %get3A_17 {offsets = [2], sizes = [1], strides = [1]} : vector<16xi32> to vector<1xi32>
      %squeeze3A_94 = vector.extract %slice3A_93[0] : i32 from vector<1xi32>
      %shift_right_arithmetic3A_95 = arith.constant 1 : i32
      %shift_right_arithmetic3A_96 = arith.shrsi %add3A_92, %shift_right_arithmetic3A_95 : i32
      %and3A_97 = arith.constant 1 : i32
      %and3A_98 = arith.andi %add3A_92, %and3A_97 : i32
      %mul3A_99 = arith.constant 64 : i32
      %mul3A_100 = arith.muli %and3A_98, %mul3A_99 : i32
      %dma_start3A_101 = tpu.memref_slice %arg11[%shift_right_arithmetic3A_96, %mul3A_100] : memref<256x128xf32, #tpu.memory_space<vmem>> -> memref<1x64xf32, #tpu.memory_space<vmem>>
      %dma_start3A_102 = tpu.memref_squeeze %dma_start3A_101 : memref<1x64xf32, #tpu.memory_space<vmem>> -> memref<64xf32, #tpu.memory_space<vmem>>
      %dma_start3A_103 = arith.constant 0 : i32
      %dma_start3A_104 = tpu.memref_slice %arg5[%squeeze3A_94, %dma_start3A_103] : memref<1000000x64xf32, #tpu.memory_space<hbm>> -> memref<1x64xf32, #tpu.memory_space<hbm>>
      %dma_start3A_105 = tpu.memref_squeeze %dma_start3A_104 : memref<1x64xf32, #tpu.memory_space<hbm>> -> memref<64xf32, #tpu.memory_space<hbm>>
      %dma_start3A_106 = tpu.memref_slice %arg11[%shift_right_arithmetic3A_96, %mul3A_100] : memref<256x128xf32, #tpu.memory_space<vmem>> -> memref<1x64xf32, #tpu.memory_space<vmem>>
      %dma_start3A_107 = tpu.memref_squeeze %dma_start3A_106 : memref<1x64xf32, #tpu.memory_space<vmem>> -> memref<64xf32, #tpu.memory_space<vmem>>
      %dma_start3A_108 = arith.constant 0 : i32
      %dma_start3A_109 = tpu.memref_slice %arg5[%squeeze3A_94, %dma_start3A_108] : memref<1000000x64xf32, #tpu.memory_space<hbm>> -> memref<1x64xf32, #tpu.memory_space<hbm>>
      %dma_start3A_110 = tpu.memref_squeeze %dma_start3A_109 : memref<1x64xf32, #tpu.memory_space<hbm>> -> memref<64xf32, #tpu.memory_space<hbm>>
      tpu.enqueue_dma source(%dma_start3A_110 : memref<64xf32, #tpu.memory_space<hbm>>) target(%dma_start3A_107 : memref<64xf32, #tpu.memory_space<vmem>>) target_semaphore(%arg15 : memref<!tpu.dma_semaphore, #tpu.memory_space<semaphore_mem>>)
      %slice3A_111 = vector.extract_strided_slice %get3A_19 {offsets = [2], sizes = [1], strides = [1]} : vector<16xi32> to vector<1xi32>
      %squeeze3A_112 = vector.extract %slice3A_111[0] : i32 from vector<1xi32>
      %shift_right_arithmetic3A_113 = arith.constant 1 : i32
      %shift_right_arithmetic3A_114 = arith.shrsi %add3A_92, %shift_right_arithmetic3A_113 : i32
      %and3A_115 = arith.constant 1 : i32
      %and3A_116 = arith.andi %add3A_92, %and3A_115 : i32
      %mul3A_117 = arith.constant 64 : i32
      %mul3A_118 = arith.muli %and3A_116, %mul3A_117 : i32
      %dma_start3A_119 = tpu.memref_slice %arg12[%shift_right_arithmetic3A_114, %mul3A_118] : memref<256x128xf32, #tpu.memory_space<vmem>> -> memref<1x64xf32, #tpu.memory_space<vmem>>
      %dma_start3A_120 = tpu.memref_squeeze %dma_start3A_119 : memref<1x64xf32, #tpu.memory_space<vmem>> -> memref<64xf32, #tpu.memory_space<vmem>>
      %dma_start3A_121 = arith.constant 0 : i32
      %dma_start3A_122 = tpu.memref_slice %arg5[%squeeze3A_112, %dma_start3A_121] : memref<1000000x64xf32, #tpu.memory_space<hbm>> -> memref<1x64xf32, #tpu.memory_space<hbm>>
      %dma_start3A_123 = tpu.memref_squeeze %dma_start3A_122 : memref<1x64xf32, #tpu.memory_space<hbm>> -> memref<64xf32, #tpu.memory_space<hbm>>
      %dma_start3A_124 = tpu.memref_slice %arg12[%shift_right_arithmetic3A_114, %mul3A_118] : memref<256x128xf32, #tpu.memory_space<vmem>> -> memref<1x64xf32, #tpu.memory_space<vmem>>
      %dma_start3A_125 = tpu.memref_squeeze %dma_start3A_124 : memref<1x64xf32, #tpu.memory_space<vmem>> -> memref<64xf32, #tpu.memory_space<vmem>>
      %dma_start3A_126 = arith.constant 0 : i32
      %dma_start3A_127 = tpu.memref_slice %arg5[%squeeze3A_112, %dma_start3A_126] : memref<1000000x64xf32, #tpu.memory_space<hbm>> -> memref<1x64xf32, #tpu.memory_space<hbm>>
      %dma_start3A_128 = tpu.memref_squeeze %dma_start3A_127 : memref<1x64xf32, #tpu.memory_space<hbm>> -> memref<64xf32, #tpu.memory_space<hbm>>
      tpu.enqueue_dma source(%dma_start3A_128 : memref<64xf32, #tpu.memory_space<hbm>>) target(%dma_start3A_125 : memref<64xf32, #tpu.memory_space<vmem>>) target_semaphore(%arg15 : memref<!tpu.dma_semaphore, #tpu.memory_space<semaphore_mem>>)
      %add3A_129 = arith.constant 3 : i32
      %add3A_130 = arith.addi %mul3A_16, %add3A_129 : i32
      %slice3A_131 = vector.extract_strided_slice %get3A_17 {offsets = [3], sizes = [1], strides = [1]} : vector<16xi32> to vector<1xi32>
      %squeeze3A_132 = vector.extract %slice3A_131[0] : i32 from vector<1xi32>
      %shift_right_arithmetic3A_133 = arith.constant 1 : i32
      %shift_right_arithmetic3A_134 = arith.shrsi %add3A_130, %shift_right_arithmetic3A_133 : i32
      %and3A_135 = arith.constant 1 : i32
      %and3A_136 = arith.andi %add3A_130, %and3A_135 : i32
      %mul3A_137 = arith.constant 64 : i32
      %mul3A_138 = arith.muli %and3A_136, %mul3A_137 : i32
      %dma_start3A_139 = tpu.memref_slice %arg11[%shift_right_arithmetic3A_134, %mul3A_138] : memref<256x128xf32, #tpu.memory_space<vmem>> -> memref<1x64xf32, #tpu.memory_space<vmem>>
      %dma_start3A_140 = tpu.memref_squeeze %dma_start3A_139 : memref<1x64xf32, #tpu.memory_space<vmem>> -> memref<64xf32, #tpu.memory_space<vmem>>
      %dma_start3A_141 = arith.constant 0 : i32
      %dma_start3A_142 = tpu.memref_slice %arg5[%squeeze3A_132, %dma_start3A_141] : memref<1000000x64xf32, #tpu.memory_space<hbm>> -> memref<1x64xf32, #tpu.memory_space<hbm>>
      %dma_start3A_143 = tpu.memref_squeeze %dma_start3A_142 : memref<1x64xf32, #tpu.memory_space<hbm>> -> memref<64xf32, #tpu.memory_space<hbm>>
      %dma_start3A_144 = tpu.memref_slice %arg11[%shift_right_arithmetic3A_134, %mul3A_138] : memref<256x128xf32, #tpu.memory_space<vmem>> -> memref<1x64xf32, #tpu.memory_space<vmem>>
      %dma_start3A_145 = tpu.memref_squeeze %dma_start3A_144 : memref<1x64xf32, #tpu.memory_space<vmem>> -> memref<64xf32, #tpu.memory_space<vmem>>
      %dma_start3A_146 = arith.constant 0 : i32
      %dma_start3A_147 = tpu.memref_slice %arg5[%squeeze3A_132, %dma_start3A_146] : memref<1000000x64xf32, #tpu.memory_space<hbm>> -> memref<1x64xf32, #tpu.memory_space<hbm>>
      %dma_start3A_148 = tpu.memref_squeeze %dma_start3A_147 : memref<1x64xf32, #tpu.memory_space<hbm>> -> memref<64xf32, #tpu.memory_space<hbm>>
      tpu.enqueue_dma source(%dma_start3A_148 : memref<64xf32, #tpu.memory_space<hbm>>) target(%dma_start3A_145 : memref<64xf32, #tpu.memory_space<vmem>>) target_semaphore(%arg15 : memref<!tpu.dma_semaphore, #tpu.memory_space<semaphore_mem>>)
      %slice3A_149 = vector.extract_strided_slice %get3A_19 {offsets = [3], sizes = [1], strides = [1]} : vector<16xi32> to vector<1xi32>
      %squeeze3A_150 = vector.extract %slice3A_149[0] : i32 from vector<1xi32>
      %shift_right_arithmetic3A_151 = arith.constant 1 : i32
      %shift_right_arithmetic3A_152 = arith.shrsi %add3A_130, %shift_right_arithmetic3A_151 : i32
      %and3A_153 = arith.constant 1 : i32
      %and3A_154 = arith.andi %add3A_130, %and3A_153 : i32
      %mul3A_155 = arith.constant 64 : i32
      %mul3A_156 = arith.muli %and3A_154, %mul3A_155 : i32
      %dma_start3A_157 = tpu.memref_slice %arg12[%shift_right_arithmetic3A_152, %mul3A_156] : memref<256x128xf32, #tpu.memory_space<vmem>> -> memref<1x64xf32, #tpu.memory_space<vmem>>
      %dma_start3A_158 = tpu.memref_squeeze %dma_start3A_157 : memref<1x64xf32, #tpu.memory_space<vmem>> -> memref<64xf32, #tpu.memory_space<vmem>>
      %dma_start3A_159 = arith.constant 0 : i32
      %dma_start3A_160 = tpu.memref_slice %arg5[%squeeze3A_150, %dma_start3A_159] : memref<1000000x64xf32, #tpu.memory_space<hbm>> -> memref<1x64xf32, #tpu.memory_space<hbm>>
      %dma_start3A_161 = tpu.memref_squeeze %dma_start3A_160 : memref<1x64xf32, #tpu.memory_space<hbm>> -> memref<64xf32, #tpu.memory_space<hbm>>
      %dma_start3A_162 = tpu.memref_slice %arg12[%shift_right_arithmetic3A_152, %mul3A_156] : memref<256x128xf32, #tpu.memory_space<vmem>> -> memref<1x64xf32, #tpu.memory_space<vmem>>
      %dma_start3A_163 = tpu.memref_squeeze %dma_start3A_162 : memref<1x64xf32, #tpu.memory_space<vmem>> -> memref<64xf32, #tpu.memory_space<vmem>>
      %dma_start3A_164 = arith.constant 0 : i32
      %dma_start3A_165 = tpu.memref_slice %arg5[%squeeze3A_150, %dma_start3A_164] : memref<1000000x64xf32, #tpu.memory_space<hbm>> -> memref<1x64xf32, #tpu.memory_space<hbm>>
      %dma_start3A_166 = tpu.memref_squeeze %dma_start3A_165 : memref<1x64xf32, #tpu.memory_space<hbm>> -> memref<64xf32, #tpu.memory_space<hbm>>
      tpu.enqueue_dma source(%dma_start3A_166 : memref<64xf32, #tpu.memory_space<hbm>>) target(%dma_start3A_163 : memref<64xf32, #tpu.memory_space<vmem>>) target_semaphore(%arg15 : memref<!tpu.dma_semaphore, #tpu.memory_space<semaphore_mem>>)
      %add3A_167 = arith.constant 4 : i32
      %add3A_168 = arith.addi %mul3A_16, %add3A_167 : i32
      %slice3A_169 = vector.extract_strided_slice %get3A_17 {offsets = [4], sizes = [1], strides = [1]} : vector<16xi32> to vector<1xi32>
      %squeeze3A_170 = vector.extract %slice3A_169[0] : i32 from vector<1xi32>
      %shift_right_arithmetic3A_171 = arith.constant 1 : i32
      %shift_right_arithmetic3A_172 = arith.shrsi %add3A_168, %shift_right_arithmetic3A_171 : i32
      %and3A_173 = arith.constant 1 : i32
      %and3A_174 = arith.andi %add3A_168, %and3A_173 : i32
      %mul3A_175 = arith.constant 64 : i32
      %mul3A_176 = arith.muli %and3A_174, %mul3A_175 : i32
      %dma_start3A_177 = tpu.memref_slice %arg11[%shift_right_arithmetic3A_172, %mul3A_176] : memref<256x128xf32, #tpu.memory_space<vmem>> -> memref<1x64xf32, #tpu.memory_space<vmem>>
      %dma_start3A_178 = tpu.memref_squeeze %dma_start3A_177 : memref<1x64xf32, #tpu.memory_space<vmem>> -> memref<64xf32, #tpu.memory_space<vmem>>
      %dma_start3A_179 = arith.constant 0 : i32
      %dma_start3A_180 = tpu.memref_slice %arg5[%squeeze3A_170, %dma_start3A_179] : memref<1000000x64xf32, #tpu.memory_space<hbm>> -> memref<1x64xf32, #tpu.memory_space<hbm>>
      %dma_start3A_181 = tpu.memref_squeeze %dma_start3A_180 : memref<1x64xf32, #tpu.memory_space<hbm>> -> memref<64xf32, #tpu.memory_space<hbm>>
      %dma_start3A_182 = tpu.memref_slice %arg11[%shift_right_arithmetic3A_172, %mul3A_176] : memref<256x128xf32, #tpu.memory_space<vmem>> -> memref<1x64xf32, #tpu.memory_space<vmem>>
      %dma_start3A_183 = tpu.memref_squeeze %dma_start3A_182 : memref<1x64xf32, #tpu.memory_space<vmem>> -> memref<64xf32, #tpu.memory_space<vmem>>
      %dma_start3A_184 = arith.constant 0 : i32
      %dma_start3A_185 = tpu.memref_slice %arg5[%squeeze3A_170, %dma_start3A_184] : memref<1000000x64xf32, #tpu.memory_space<hbm>> -> memref<1x64xf32, #tpu.memory_space<hbm>>
      %dma_start3A_186 = tpu.memref_squeeze %dma_start3A_185 : memref<1x64xf32, #tpu.memory_space<hbm>> -> memref<64xf32, #tpu.memory_space<hbm>>
      tpu.enqueue_dma source(%dma_start3A_186 : memref<64xf32, #tpu.memory_space<hbm>>) target(%dma_start3A_183 : memref<64xf32, #tpu.memory_space<vmem>>) target_semaphore(%arg15 : memref<!tpu.dma_semaphore, #tpu.memory_space<semaphore_mem>>)
      %slice3A_187 = vector.extract_strided_slice %get3A_19 {offsets = [4], sizes = [1], strides = [1]} : vector<16xi32> to vector<1xi32>
      %squeeze3A_188 = vector.extract %slice3A_187[0] : i32 from vector<1xi32>
      %shift_right_arithmetic3A_189 = arith.constant 1 : i32
      %shift_right_arithmetic3A_190 = arith.shrsi %add3A_168, %shift_right_arithmetic3A_189 : i32
      %and3A_191 = arith.constant 1 : i32
      %and3A_192 = arith.andi %add3A_168, %and3A_191 : i32
      %mul3A_193 = arith.constant 64 : i32
      %mul3A_194 = arith.muli %and3A_192, %mul3A_193 : i32
      %dma_start3A_195 = tpu.memref_slice %arg12[%shift_right_arithmetic3A_190, %mul3A_194] : memref<256x128xf32, #tpu.memory_space<vmem>> -> memref<1x64xf32, #tpu.memory_space<vmem>>
      %dma_start3A_196 = tpu.memref_squeeze %dma_start3A_195 : memref<1x64xf32, #tpu.memory_space<vmem>> -> memref<64xf32, #tpu.memory_space<vmem>>
      %dma_start3A_197 = arith.constant 0 : i32
      %dma_start3A_198 = tpu.memref_slice %arg5[%squeeze3A_188, %dma_start3A_197] : memref<1000000x64xf32, #tpu.memory_space<hbm>> -> memref<1x64xf32, #tpu.memory_space<hbm>>
      %dma_start3A_199 = tpu.memref_squeeze %dma_start3A_198 : memref<1x64xf32, #tpu.memory_space<hbm>> -> memref<64xf32, #tpu.memory_space<hbm>>
      %dma_start3A_200 = tpu.memref_slice %arg12[%shift_right_arithmetic3A_190, %mul3A_194] : memref<256x128xf32, #tpu.memory_space<vmem>> -> memref<1x64xf32, #tpu.memory_space<vmem>>
      %dma_start3A_201 = tpu.memref_squeeze %dma_start3A_200 : memref<1x64xf32, #tpu.memory_space<vmem>> -> memref<64xf32, #tpu.memory_space<vmem>>
      %dma_start3A_202 = arith.constant 0 : i32
      %dma_start3A_203 = tpu.memref_slice %arg5[%squeeze3A_188, %dma_start3A_202] : memref<1000000x64xf32, #tpu.memory_space<hbm>> -> memref<1x64xf32, #tpu.memory_space<hbm>>
      %dma_start3A_204 = tpu.memref_squeeze %dma_start3A_203 : memref<1x64xf32, #tpu.memory_space<hbm>> -> memref<64xf32, #tpu.memory_space<hbm>>
      tpu.enqueue_dma source(%dma_start3A_204 : memref<64xf32, #tpu.memory_space<hbm>>) target(%dma_start3A_201 : memref<64xf32, #tpu.memory_space<vmem>>) target_semaphore(%arg15 : memref<!tpu.dma_semaphore, #tpu.memory_space<semaphore_mem>>)
      %add3A_205 = arith.constant 5 : i32
      %add3A_206 = arith.addi %mul3A_16, %add3A_205 : i32
      %slice3A_207 = vector.extract_strided_slice %get3A_17 {offsets = [5], sizes = [1], strides = [1]} : vector<16xi32> to vector<1xi32>
      %squeeze3A_208 = vector.extract %slice3A_207[0] : i32 from vector<1xi32>
      %shift_right_arithmetic3A_209 = arith.constant 1 : i32
      %shift_right_arithmetic3A_210 = arith.shrsi %add3A_206, %shift_right_arithmetic3A_209 : i32
      %and3A_211 = arith.constant 1 : i32
      %and3A_212 = arith.andi %add3A_206, %and3A_211 : i32
      %mul3A_213 = arith.constant 64 : i32
      %mul3A_214 = arith.muli %and3A_212, %mul3A_213 : i32
      %dma_start3A_215 = tpu.memref_slice %arg11[%shift_right_arithmetic3A_210, %mul3A_214] : memref<256x128xf32, #tpu.memory_space<vmem>> -> memref<1x64xf32, #tpu.memory_space<vmem>>
      %dma_start3A_216 = tpu.memref_squeeze %dma_start3A_215 : memref<1x64xf32, #tpu.memory_space<vmem>> -> memref<64xf32, #tpu.memory_space<vmem>>
      %dma_start3A_217 = arith.constant 0 : i32
      %dma_start3A_218 = tpu.memref_slice %arg5[%squeeze3A_208, %dma_start3A_217] : memref<1000000x64xf32, #tpu.memory_space<hbm>> -> memref<1x64xf32, #tpu.memory_space<hbm>>
      %dma_start3A_219 = tpu.memref_squeeze %dma_start3A_218 : memref<1x64xf32, #tpu.memory_space<hbm>> -> memref<64xf32, #tpu.memory_space<hbm>>
      %dma_start3A_220 = tpu.memref_slice %arg11[%shift_right_arithmetic3A_210, %mul3A_214] : memref<256x128xf32, #tpu.memory_space<vmem>> -> memref<1x64xf32, #tpu.memory_space<vmem>>
      %dma_start3A_221 = tpu.memref_squeeze %dma_start3A_220 : memref<1x64xf32, #tpu.memory_space<vmem>> -> memref<64xf32, #tpu.memory_space<vmem>>
      %dma_start3A_222 = arith.constant 0 : i32
      %dma_start3A_223 = tpu.memref_slice %arg5[%squeeze3A_208, %dma_start3A_222] : memref<1000000x64xf32, #tpu.memory_space<hbm>> -> memref<1x64xf32, #tpu.memory_space<hbm>>
      %dma_start3A_224 = tpu.memref_squeeze %dma_start3A_223 : memref<1x64xf32, #tpu.memory_space<hbm>> -> memref<64xf32, #tpu.memory_space<hbm>>
      tpu.enqueue_dma source(%dma_start3A_224 : memref<64xf32, #tpu.memory_space<hbm>>) target(%dma_start3A_221 : memref<64xf32, #tpu.memory_space<vmem>>) target_semaphore(%arg15 : memref<!tpu.dma_semaphore, #tpu.memory_space<semaphore_mem>>)
      %slice3A_225 = vector.extract_strided_slice %get3A_19 {offsets = [5], sizes = [1], strides = [1]} : vector<16xi32> to vector<1xi32>
      %squeeze3A_226 = vector.extract %slice3A_225[0] : i32 from vector<1xi32>
      %shift_right_arithmetic3A_227 = arith.constant 1 : i32
      %shift_right_arithmetic3A_228 = arith.shrsi %add3A_206, %shift_right_arithmetic3A_227 : i32
      %and3A_229 = arith.constant 1 : i32
      %and3A_230 = arith.andi %add3A_206, %and3A_229 : i32
      %mul3A_231 = arith.constant 64 : i32
      %mul3A_232 = arith.muli %and3A_230, %mul3A_231 : i32
      %dma_start3A_233 = tpu.memref_slice %arg12[%shift_right_arithmetic3A_228, %mul3A_232] : memref<256x128xf32, #tpu.memory_space<vmem>> -> memref<1x64xf32, #tpu.memory_space<vmem>>
      %dma_start3A_234 = tpu.memref_squeeze %dma_start3A_233 : memref<1x64xf32, #tpu.memory_space<vmem>> -> memref<64xf32, #tpu.memory_space<vmem>>
      %dma_start3A_235 = arith.constant 0 : i32
      %dma_start3A_236 = tpu.memref_slice %arg5[%squeeze3A_226, %dma_start3A_235] : memref<1000000x64xf32, #tpu.memory_space<hbm>> -> memref<1x64xf32, #tpu.memory_space<hbm>>
      %dma_start3A_237 = tpu.memref_squeeze %dma_start3A_236 : memref<1x64xf32, #tpu.memory_space<hbm>> -> memref<64xf32, #tpu.memory_space<hbm>>
      %dma_start3A_238 = tpu.memref_slice %arg12[%shift_right_arithmetic3A_228, %mul3A_232] : memref<256x128xf32, #tpu.memory_space<vmem>> -> memref<1x64xf32, #tpu.memory_space<vmem>>
      %dma_start3A_239 = tpu.memref_squeeze %dma_start3A_238 : memref<1x64xf32, #tpu.memory_space<vmem>> -> memref<64xf32, #tpu.memory_space<vmem>>
      %dma_start3A_240 = arith.constant 0 : i32
      %dma_start3A_241 = tpu.memref_slice %arg5[%squeeze3A_226, %dma_start3A_240] : memref<1000000x64xf32, #tpu.memory_space<hbm>> -> memref<1x64xf32, #tpu.memory_space<hbm>>
      %dma_start3A_242 = tpu.memref_squeeze %dma_start3A_241 : memref<1x64xf32, #tpu.memory_space<hbm>> -> memref<64xf32, #tpu.memory_space<hbm>>
      tpu.enqueue_dma source(%dma_start3A_242 : memref<64xf32, #tpu.memory_space<hbm>>) target(%dma_start3A_239 : memref<64xf32, #tpu.memory_space<vmem>>) target_semaphore(%arg15 : memref<!tpu.dma_semaphore, #tpu.memory_space<semaphore_mem>>)
      %add3A_243 = arith.constant 6 : i32
      %add3A_244 = arith.addi %mul3A_16, %add3A_243 : i32
      %slice3A_245 = vector.extract_strided_slice %get3A_17 {offsets = [6], sizes = [1], strides = [1]} : vector<16xi32> to vector<1xi32>
      %squeeze3A_246 = vector.extract %slice3A_245[0] : i32 from vector<1xi32>
      %shift_right_arithmetic3A_247 = arith.constant 1 : i32
      %shift_right_arithmetic3A_248 = arith.shrsi %add3A_244, %shift_right_arithmetic3A_247 : i32
      %and3A_249 = arith.constant 1 : i32
      %and3A_250 = arith.andi %add3A_244, %and3A_249 : i32
      %mul3A_251 = arith.constant 64 : i32
      %mul3A_252 = arith.muli %and3A_250, %mul3A_251 : i32
      %dma_start3A_253 = tpu.memref_slice %arg11[%shift_right_arithmetic3A_248, %mul3A_252] : memref<256x128xf32, #tpu.memory_space<vmem>> -> memref<1x64xf32, #tpu.memory_space<vmem>>
      %dma_start3A_254 = tpu.memref_squeeze %dma_start3A_253 : memref<1x64xf32, #tpu.memory_space<vmem>> -> memref<64xf32, #tpu.memory_space<vmem>>
      %dma_start3A_255 = arith.constant 0 : i32
      %dma_start3A_256 = tpu.memref_slice %arg5[%squeeze3A_246, %dma_start3A_255] : memref<1000000x64xf32, #tpu.memory_space<hbm>> -> memref<1x64xf32, #tpu.memory_space<hbm>>
      %dma_start3A_257 = tpu.memref_squeeze %dma_start3A_256 : memref<1x64xf32, #tpu.memory_space<hbm>> -> memref<64xf32, #tpu.memory_space<hbm>>
      %dma_start3A_258 = tpu.memref_slice %arg11[%shift_right_arithmetic3A_248, %mul3A_252] : memref<256x128xf32, #tpu.memory_space<vmem>> -> memref<1x64xf32, #tpu.memory_space<vmem>>
      %dma_start3A_259 = tpu.memref_squeeze %dma_start3A_258 : memref<1x64xf32, #tpu.memory_space<vmem>> -> memref<64xf32, #tpu.memory_space<vmem>>
      %dma_start3A_260 = arith.constant 0 : i32
      %dma_start3A_261 = tpu.memref_slice %arg5[%squeeze3A_246, %dma_start3A_260] : memref<1000000x64xf32, #tpu.memory_space<hbm>> -> memref<1x64xf32, #tpu.memory_space<hbm>>
      %dma_start3A_262 = tpu.memref_squeeze %dma_start3A_261 : memref<1x64xf32, #tpu.memory_space<hbm>> -> memref<64xf32, #tpu.memory_space<hbm>>
      tpu.enqueue_dma source(%dma_start3A_262 : memref<64xf32, #tpu.memory_space<hbm>>) target(%dma_start3A_259 : memref<64xf32, #tpu.memory_space<vmem>>) target_semaphore(%arg15 : memref<!tpu.dma_semaphore, #tpu.memory_space<semaphore_mem>>)
      %slice3A_263 = vector.extract_strided_slice %get3A_19 {offsets = [6], sizes = [1], strides = [1]} : vector<16xi32> to vector<1xi32>
      %squeeze3A_264 = vector.extract %slice3A_263[0] : i32 from vector<1xi32>
      %shift_right_arithmetic3A_265 = arith.constant 1 : i32
      %shift_right_arithmetic3A_266 = arith.shrsi %add3A_244, %shift_right_arithmetic3A_265 : i32
      %and3A_267 = arith.constant 1 : i32
      %and3A_268 = arith.andi %add3A_244, %and3A_267 : i32
      %mul3A_269 = arith.constant 64 : i32
      %mul3A_270 = arith.muli %and3A_268, %mul3A_269 : i32
      %dma_start3A_271 = tpu.memref_slice %arg12[%shift_right_arithmetic3A_266, %mul3A_270] : memref<256x128xf32, #tpu.memory_space<vmem>> -> memref<1x64xf32, #tpu.memory_space<vmem>>
      %dma_start3A_272 = tpu.memref_squeeze %dma_start3A_271 : memref<1x64xf32, #tpu.memory_space<vmem>> -> memref<64xf32, #tpu.memory_space<vmem>>
      %dma_start3A_273 = arith.constant 0 : i32
      %dma_start3A_274 = tpu.memref_slice %arg5[%squeeze3A_264, %dma_start3A_273] : memref<1000000x64xf32, #tpu.memory_space<hbm>> -> memref<1x64xf32, #tpu.memory_space<hbm>>
      %dma_start3A_275 = tpu.memref_squeeze %dma_start3A_274 : memref<1x64xf32, #tpu.memory_space<hbm>> -> memref<64xf32, #tpu.memory_space<hbm>>
      %dma_start3A_276 = tpu.memref_slice %arg12[%shift_right_arithmetic3A_266, %mul3A_270] : memref<256x128xf32, #tpu.memory_space<vmem>> -> memref<1x64xf32, #tpu.memory_space<vmem>>
      %dma_start3A_277 = tpu.memref_squeeze %dma_start3A_276 : memref<1x64xf32, #tpu.memory_space<vmem>> -> memref<64xf32, #tpu.memory_space<vmem>>
      %dma_start3A_278 = arith.constant 0 : i32
      %dma_start3A_279 = tpu.memref_slice %arg5[%squeeze3A_264, %dma_start3A_278] : memref<1000000x64xf32, #tpu.memory_space<hbm>> -> memref<1x64xf32, #tpu.memory_space<hbm>>
      %dma_start3A_280 = tpu.memref_squeeze %dma_start3A_279 : memref<1x64xf32, #tpu.memory_space<hbm>> -> memref<64xf32, #tpu.memory_space<hbm>>
      tpu.enqueue_dma source(%dma_start3A_280 : memref<64xf32, #tpu.memory_space<hbm>>) target(%dma_start3A_277 : memref<64xf32, #tpu.memory_space<vmem>>) target_semaphore(%arg15 : memref<!tpu.dma_semaphore, #tpu.memory_space<semaphore_mem>>)
      %add3A_281 = arith.constant 7 : i32
      %add3A_282 = arith.addi %mul3A_16, %add3A_281 : i32
      %slice3A_283 = vector.extract_strided_slice %get3A_17 {offsets = [7], sizes = [1], strides = [1]} : vector<16xi32> to vector<1xi32>
      %squeeze3A_284 = vector.extract %slice3A_283[0] : i32 from vector<1xi32>
      %shift_right_arithmetic3A_285 = arith.constant 1 : i32
      %shift_right_arithmetic3A_286 = arith.shrsi %add3A_282, %shift_right_arithmetic3A_285 : i32
      %and3A_287 = arith.constant 1 : i32
      %and3A_288 = arith.andi %add3A_282, %and3A_287 : i32
      %mul3A_289 = arith.constant 64 : i32
      %mul3A_290 = arith.muli %and3A_288, %mul3A_289 : i32
      %dma_start3A_291 = tpu.memref_slice %arg11[%shift_right_arithmetic3A_286, %mul3A_290] : memref<256x128xf32, #tpu.memory_space<vmem>> -> memref<1x64xf32, #tpu.memory_space<vmem>>
      %dma_start3A_292 = tpu.memref_squeeze %dma_start3A_291 : memref<1x64xf32, #tpu.memory_space<vmem>> -> memref<64xf32, #tpu.memory_space<vmem>>
      %dma_start3A_293 = arith.constant 0 : i32
      %dma_start3A_294 = tpu.memref_slice %arg5[%squeeze3A_284, %dma_start3A_293] : memref<1000000x64xf32, #tpu.memory_space<hbm>> -> memref<1x64xf32, #tpu.memory_space<hbm>>
      %dma_start3A_295 = tpu.memref_squeeze %dma_start3A_294 : memref<1x64xf32, #tpu.memory_space<hbm>> -> memref<64xf32, #tpu.memory_space<hbm>>
      %dma_start3A_296 = tpu.memref_slice %arg11[%shift_right_arithmetic3A_286, %mul3A_290] : memref<256x128xf32, #tpu.memory_space<vmem>> -> memref<1x64xf32, #tpu.memory_space<vmem>>
      %dma_start3A_297 = tpu.memref_squeeze %dma_start3A_296 : memref<1x64xf32, #tpu.memory_space<vmem>> -> memref<64xf32, #tpu.memory_space<vmem>>
      %dma_start3A_298 = arith.constant 0 : i32
      %dma_start3A_299 = tpu.memref_slice %arg5[%squeeze3A_284, %dma_start3A_298] : memref<1000000x64xf32, #tpu.memory_space<hbm>> -> memref<1x64xf32, #tpu.memory_space<hbm>>
      %dma_start3A_300 = tpu.memref_squeeze %dma_start3A_299 : memref<1x64xf32, #tpu.memory_space<hbm>> -> memref<64xf32, #tpu.memory_space<hbm>>
      tpu.enqueue_dma source(%dma_start3A_300 : memref<64xf32, #tpu.memory_space<hbm>>) target(%dma_start3A_297 : memref<64xf32, #tpu.memory_space<vmem>>) target_semaphore(%arg15 : memref<!tpu.dma_semaphore, #tpu.memory_space<semaphore_mem>>)
      %slice3A_301 = vector.extract_strided_slice %get3A_19 {offsets = [7], sizes = [1], strides = [1]} : vector<16xi32> to vector<1xi32>
      %squeeze3A_302 = vector.extract %slice3A_301[0] : i32 from vector<1xi32>
      %shift_right_arithmetic3A_303 = arith.constant 1 : i32
      %shift_right_arithmetic3A_304 = arith.shrsi %add3A_282, %shift_right_arithmetic3A_303 : i32
      %and3A_305 = arith.constant 1 : i32
      %and3A_306 = arith.andi %add3A_282, %and3A_305 : i32
      %mul3A_307 = arith.constant 64 : i32
      %mul3A_308 = arith.muli %and3A_306, %mul3A_307 : i32
      %dma_start3A_309 = tpu.memref_slice %arg12[%shift_right_arithmetic3A_304, %mul3A_308] : memref<256x128xf32, #tpu.memory_space<vmem>> -> memref<1x64xf32, #tpu.memory_space<vmem>>
      %dma_start3A_310 = tpu.memref_squeeze %dma_start3A_309 : memref<1x64xf32, #tpu.memory_space<vmem>> -> memref<64xf32, #tpu.memory_space<vmem>>
      %dma_start3A_311 = arith.constant 0 : i32
      %dma_start3A_312 = tpu.memref_slice %arg5[%squeeze3A_302, %dma_start3A_311] : memref<1000000x64xf32, #tpu.memory_space<hbm>> -> memref<1x64xf32, #tpu.memory_space<hbm>>
      %dma_start3A_313 = tpu.memref_squeeze %dma_start3A_312 : memref<1x64xf32, #tpu.memory_space<hbm>> -> memref<64xf32, #tpu.memory_space<hbm>>
      %dma_start3A_314 = tpu.memref_slice %arg12[%shift_right_arithmetic3A_304, %mul3A_308] : memref<256x128xf32, #tpu.memory_space<vmem>> -> memref<1x64xf32, #tpu.memory_space<vmem>>
      %dma_start3A_315 = tpu.memref_squeeze %dma_start3A_314 : memref<1x64xf32, #tpu.memory_space<vmem>> -> memref<64xf32, #tpu.memory_space<vmem>>
      %dma_start3A_316 = arith.constant 0 : i32
      %dma_start3A_317 = tpu.memref_slice %arg5[%squeeze3A_302, %dma_start3A_316] : memref<1000000x64xf32, #tpu.memory_space<hbm>> -> memref<1x64xf32, #tpu.memory_space<hbm>>
      %dma_start3A_318 = tpu.memref_squeeze %dma_start3A_317 : memref<1x64xf32, #tpu.memory_space<hbm>> -> memref<64xf32, #tpu.memory_space<hbm>>
      tpu.enqueue_dma source(%dma_start3A_318 : memref<64xf32, #tpu.memory_space<hbm>>) target(%dma_start3A_315 : memref<64xf32, #tpu.memory_space<vmem>>) target_semaphore(%arg15 : memref<!tpu.dma_semaphore, #tpu.memory_space<semaphore_mem>>)
      %add3A_319 = arith.constant 8 : i32
      %add3A_320 = arith.addi %mul3A_16, %add3A_319 : i32
      %slice3A_321 = vector.extract_strided_slice %get3A_17 {offsets = [8], sizes = [1], strides = [1]} : vector<16xi32> to vector<1xi32>
      %squeeze3A_322 = vector.extract %slice3A_321[0] : i32 from vector<1xi32>
      %shift_right_arithmetic3A_323 = arith.constant 1 : i32
      %shift_right_arithmetic3A_324 = arith.shrsi %add3A_320, %shift_right_arithmetic3A_323 : i32
      %and3A_325 = arith.constant 1 : i32
      %and3A_326 = arith.andi %add3A_320, %and3A_325 : i32
      %mul3A_327 = arith.constant 64 : i32
      %mul3A_328 = arith.muli %and3A_326, %mul3A_327 : i32
      %dma_start3A_329 = tpu.memref_slice %arg11[%shift_right_arithmetic3A_324, %mul3A_328] : memref<256x128xf32, #tpu.memory_space<vmem>> -> memref<1x64xf32, #tpu.memory_space<vmem>>
      %dma_start3A_330 = tpu.memref_squeeze %dma_start3A_329 : memref<1x64xf32, #tpu.memory_space<vmem>> -> memref<64xf32, #tpu.memory_space<vmem>>
      %dma_start3A_331 = arith.constant 0 : i32
      %dma_start3A_332 = tpu.memref_slice %arg5[%squeeze3A_322, %dma_start3A_331] : memref<1000000x64xf32, #tpu.memory_space<hbm>> -> memref<1x64xf32, #tpu.memory_space<hbm>>
      %dma_start3A_333 = tpu.memref_squeeze %dma_start3A_332 : memref<1x64xf32, #tpu.memory_space<hbm>> -> memref<64xf32, #tpu.memory_space<hbm>>
      %dma_start3A_334 = tpu.memref_slice %arg11[%shift_right_arithmetic3A_324, %mul3A_328] : memref<256x128xf32, #tpu.memory_space<vmem>> -> memref<1x64xf32, #tpu.memory_space<vmem>>
      %dma_start3A_335 = tpu.memref_squeeze %dma_start3A_334 : memref<1x64xf32, #tpu.memory_space<vmem>> -> memref<64xf32, #tpu.memory_space<vmem>>
      %dma_start3A_336 = arith.constant 0 : i32
      %dma_start3A_337 = tpu.memref_slice %arg5[%squeeze3A_322, %dma_start3A_336] : memref<1000000x64xf32, #tpu.memory_space<hbm>> -> memref<1x64xf32, #tpu.memory_space<hbm>>
      %dma_start3A_338 = tpu.memref_squeeze %dma_start3A_337 : memref<1x64xf32, #tpu.memory_space<hbm>> -> memref<64xf32, #tpu.memory_space<hbm>>
      tpu.enqueue_dma source(%dma_start3A_338 : memref<64xf32, #tpu.memory_space<hbm>>) target(%dma_start3A_335 : memref<64xf32, #tpu.memory_space<vmem>>) target_semaphore(%arg15 : memref<!tpu.dma_semaphore, #tpu.memory_space<semaphore_mem>>)
      %slice3A_339 = vector.extract_strided_slice %get3A_19 {offsets = [8], sizes = [1], strides = [1]} : vector<16xi32> to vector<1xi32>
      %squeeze3A_340 = vector.extract %slice3A_339[0] : i32 from vector<1xi32>
      %shift_right_arithmetic3A_341 = arith.constant 1 : i32
      %shift_right_arithmetic3A_342 = arith.shrsi %add3A_320, %shift_right_arithmetic3A_341 : i32
      %and3A_343 = arith.constant 1 : i32
      %and3A_344 = arith.andi %add3A_320, %and3A_343 : i32
      %mul3A_345 = arith.constant 64 : i32
      %mul3A_346 = arith.muli %and3A_344, %mul3A_345 : i32
      %dma_start3A_347 = tpu.memref_slice %arg12[%shift_right_arithmetic3A_342, %mul3A_346] : memref<256x128xf32, #tpu.memory_space<vmem>> -> memref<1x64xf32, #tpu.memory_space<vmem>>
      %dma_start3A_348 = tpu.memref_squeeze %dma_start3A_347 : memref<1x64xf32, #tpu.memory_space<vmem>> -> memref<64xf32, #tpu.memory_space<vmem>>
      %dma_start3A_349 = arith.constant 0 : i32
      %dma_start3A_350 = tpu.memref_slice %arg5[%squeeze3A_340, %dma_start3A_349] : memref<1000000x64xf32, #tpu.memory_space<hbm>> -> memref<1x64xf32, #tpu.memory_space<hbm>>
      %dma_start3A_351 = tpu.memref_squeeze %dma_start3A_350 : memref<1x64xf32, #tpu.memory_space<hbm>> -> memref<64xf32, #tpu.memory_space<hbm>>
      %dma_start3A_352 = tpu.memref_slice %arg12[%shift_right_arithmetic3A_342, %mul3A_346] : memref<256x128xf32, #tpu.memory_space<vmem>> -> memref<1x64xf32, #tpu.memory_space<vmem>>
      %dma_start3A_353 = tpu.memref_squeeze %dma_start3A_352 : memref<1x64xf32, #tpu.memory_space<vmem>> -> memref<64xf32, #tpu.memory_space<vmem>>
      %dma_start3A_354 = arith.constant 0 : i32
      %dma_start3A_355 = tpu.memref_slice %arg5[%squeeze3A_340, %dma_start3A_354] : memref<1000000x64xf32, #tpu.memory_space<hbm>> -> memref<1x64xf32, #tpu.memory_space<hbm>>
      %dma_start3A_356 = tpu.memref_squeeze %dma_start3A_355 : memref<1x64xf32, #tpu.memory_space<hbm>> -> memref<64xf32, #tpu.memory_space<hbm>>
      tpu.enqueue_dma source(%dma_start3A_356 : memref<64xf32, #tpu.memory_space<hbm>>) target(%dma_start3A_353 : memref<64xf32, #tpu.memory_space<vmem>>) target_semaphore(%arg15 : memref<!tpu.dma_semaphore, #tpu.memory_space<semaphore_mem>>)
      %add3A_357 = arith.constant 9 : i32
      %add3A_358 = arith.addi %mul3A_16, %add3A_357 : i32
      %slice3A_359 = vector.extract_strided_slice %get3A_17 {offsets = [9], sizes = [1], strides = [1]} : vector<16xi32> to vector<1xi32>
      %squeeze3A_360 = vector.extract %slice3A_359[0] : i32 from vector<1xi32>
      %shift_right_arithmetic3A_361 = arith.constant 1 : i32
      %shift_right_arithmetic3A_362 = arith.shrsi %add3A_358, %shift_right_arithmetic3A_361 : i32
      %and3A_363 = arith.constant 1 : i32
      %and3A_364 = arith.andi %add3A_358, %and3A_363 : i32
      %mul3A_365 = arith.constant 64 : i32
      %mul3A_366 = arith.muli %and3A_364, %mul3A_365 : i32
      %dma_start3A_367 = tpu.memref_slice %arg11[%shift_right_arithmetic3A_362, %mul3A_366] : memref<256x128xf32, #tpu.memory_space<vmem>> -> memref<1x64xf32, #tpu.memory_space<vmem>>
      %dma_start3A_368 = tpu.memref_squeeze %dma_start3A_367 : memref<1x64xf32, #tpu.memory_space<vmem>> -> memref<64xf32, #tpu.memory_space<vmem>>
      %dma_start3A_369 = arith.constant 0 : i32
      %dma_start3A_370 = tpu.memref_slice %arg5[%squeeze3A_360, %dma_start3A_369] : memref<1000000x64xf32, #tpu.memory_space<hbm>> -> memref<1x64xf32, #tpu.memory_space<hbm>>
      %dma_start3A_371 = tpu.memref_squeeze %dma_start3A_370 : memref<1x64xf32, #tpu.memory_space<hbm>> -> memref<64xf32, #tpu.memory_space<hbm>>
      %dma_start3A_372 = tpu.memref_slice %arg11[%shift_right_arithmetic3A_362, %mul3A_366] : memref<256x128xf32, #tpu.memory_space<vmem>> -> memref<1x64xf32, #tpu.memory_space<vmem>>
      %dma_start3A_373 = tpu.memref_squeeze %dma_start3A_372 : memref<1x64xf32, #tpu.memory_space<vmem>> -> memref<64xf32, #tpu.memory_space<vmem>>
      %dma_start3A_374 = arith.constant 0 : i32
      %dma_start3A_375 = tpu.memref_slice %arg5[%squeeze3A_360, %dma_start3A_374] : memref<1000000x64xf32, #tpu.memory_space<hbm>> -> memref<1x64xf32, #tpu.memory_space<hbm>>
      %dma_start3A_376 = tpu.memref_squeeze %dma_start3A_375 : memref<1x64xf32, #tpu.memory_space<hbm>> -> memref<64xf32, #tpu.memory_space<hbm>>
      tpu.enqueue_dma source(%dma_start3A_376 : memref<64xf32, #tpu.memory_space<hbm>>) target(%dma_start3A_373 : memref<64xf32, #tpu.memory_space<vmem>>) target_semaphore(%arg15 : memref<!tpu.dma_semaphore, #tpu.memory_space<semaphore_mem>>)
      %slice3A_377 = vector.extract_strided_slice %get3A_19 {offsets = [9], sizes = [1], strides = [1]} : vector<16xi32> to vector<1xi32>
      %squeeze3A_378 = vector.extract %slice3A_377[0] : i32 from vector<1xi32>
      %shift_right_arithmetic3A_379 = arith.constant 1 : i32
      %shift_right_arithmetic3A_380 = arith.shrsi %add3A_358, %shift_right_arithmetic3A_379 : i32
      %and3A_381 = arith.constant 1 : i32
      %and3A_382 = arith.andi %add3A_358, %and3A_381 : i32
      %mul3A_383 = arith.constant 64 : i32
      %mul3A_384 = arith.muli %and3A_382, %mul3A_383 : i32
      %dma_start3A_385 = tpu.memref_slice %arg12[%shift_right_arithmetic3A_380, %mul3A_384] : memref<256x128xf32, #tpu.memory_space<vmem>> -> memref<1x64xf32, #tpu.memory_space<vmem>>
      %dma_start3A_386 = tpu.memref_squeeze %dma_start3A_385 : memref<1x64xf32, #tpu.memory_space<vmem>> -> memref<64xf32, #tpu.memory_space<vmem>>
      %dma_start3A_387 = arith.constant 0 : i32
      %dma_start3A_388 = tpu.memref_slice %arg5[%squeeze3A_378, %dma_start3A_387] : memref<1000000x64xf32, #tpu.memory_space<hbm>> -> memref<1x64xf32, #tpu.memory_space<hbm>>
      %dma_start3A_389 = tpu.memref_squeeze %dma_start3A_388 : memref<1x64xf32, #tpu.memory_space<hbm>> -> memref<64xf32, #tpu.memory_space<hbm>>
      %dma_start3A_390 = tpu.memref_slice %arg12[%shift_right_arithmetic3A_380, %mul3A_384] : memref<256x128xf32, #tpu.memory_space<vmem>> -> memref<1x64xf32, #tpu.memory_space<vmem>>
      %dma_start3A_391 = tpu.memref_squeeze %dma_start3A_390 : memref<1x64xf32, #tpu.memory_space<vmem>> -> memref<64xf32, #tpu.memory_space<vmem>>
      %dma_start3A_392 = arith.constant 0 : i32
      %dma_start3A_393 = tpu.memref_slice %arg5[%squeeze3A_378, %dma_start3A_392] : memref<1000000x64xf32, #tpu.memory_space<hbm>> -> memref<1x64xf32, #tpu.memory_space<hbm>>
      %dma_start3A_394 = tpu.memref_squeeze %dma_start3A_393 : memref<1x64xf32, #tpu.memory_space<hbm>> -> memref<64xf32, #tpu.memory_space<hbm>>
      tpu.enqueue_dma source(%dma_start3A_394 : memref<64xf32, #tpu.memory_space<hbm>>) target(%dma_start3A_391 : memref<64xf32, #tpu.memory_space<vmem>>) target_semaphore(%arg15 : memref<!tpu.dma_semaphore, #tpu.memory_space<semaphore_mem>>)
      %add3A_395 = arith.constant 10 : i32
      %add3A_396 = arith.addi %mul3A_16, %add3A_395 : i32
      %slice3A_397 = vector.extract_strided_slice %get3A_17 {offsets = [10], sizes = [1], strides = [1]} : vector<16xi32> to vector<1xi32>
      %squeeze3A_398 = vector.extract %slice3A_397[0] : i32 from vector<1xi32>
      %shift_right_arithmetic3A_399 = arith.constant 1 : i32
      %shift_right_arithmetic3A_400 = arith.shrsi %add3A_396, %shift_right_arithmetic3A_399 : i32
      %and3A_401 = arith.constant 1 : i32
      %and3A_402 = arith.andi %add3A_396, %and3A_401 : i32
      %mul3A_403 = arith.constant 64 : i32
      %mul3A_404 = arith.muli %and3A_402, %mul3A_403 : i32
      %dma_start3A_405 = tpu.memref_slice %arg11[%shift_right_arithmetic3A_400, %mul3A_404] : memref<256x128xf32, #tpu.memory_space<vmem>> -> memref<1x64xf32, #tpu.memory_space<vmem>>
      %dma_start3A_406 = tpu.memref_squeeze %dma_start3A_405 : memref<1x64xf32, #tpu.memory_space<vmem>> -> memref<64xf32, #tpu.memory_space<vmem>>
      %dma_start3A_407 = arith.constant 0 : i32
      %dma_start3A_408 = tpu.memref_slice %arg5[%squeeze3A_398, %dma_start3A_407] : memref<1000000x64xf32, #tpu.memory_space<hbm>> -> memref<1x64xf32, #tpu.memory_space<hbm>>
      %dma_start3A_409 = tpu.memref_squeeze %dma_start3A_408 : memref<1x64xf32, #tpu.memory_space<hbm>> -> memref<64xf32, #tpu.memory_space<hbm>>
      %dma_start3A_410 = tpu.memref_slice %arg11[%shift_right_arithmetic3A_400, %mul3A_404] : memref<256x128xf32, #tpu.memory_space<vmem>> -> memref<1x64xf32, #tpu.memory_space<vmem>>
      %dma_start3A_411 = tpu.memref_squeeze %dma_start3A_410 : memref<1x64xf32, #tpu.memory_space<vmem>> -> memref<64xf32, #tpu.memory_space<vmem>>
      %dma_start3A_412 = arith.constant 0 : i32
      %dma_start3A_413 = tpu.memref_slice %arg5[%squeeze3A_398, %dma_start3A_412] : memref<1000000x64xf32, #tpu.memory_space<hbm>> -> memref<1x64xf32, #tpu.memory_space<hbm>>
      %dma_start3A_414 = tpu.memref_squeeze %dma_start3A_413 : memref<1x64xf32, #tpu.memory_space<hbm>> -> memref<64xf32, #tpu.memory_space<hbm>>
      tpu.enqueue_dma source(%dma_start3A_414 : memref<64xf32, #tpu.memory_space<hbm>>) target(%dma_start3A_411 : memref<64xf32, #tpu.memory_space<vmem>>) target_semaphore(%arg15 : memref<!tpu.dma_semaphore, #tpu.memory_space<semaphore_mem>>)
      %slice3A_415 = vector.extract_strided_slice %get3A_19 {offsets = [10], sizes = [1], strides = [1]} : vector<16xi32> to vector<1xi32>
      %squeeze3A_416 = vector.extract %slice3A_415[0] : i32 from vector<1xi32>
      %shift_right_arithmetic3A_417 = arith.constant 1 : i32
      %shift_right_arithmetic3A_418 = arith.shrsi %add3A_396, %shift_right_arithmetic3A_417 : i32
      %and3A_419 = arith.constant 1 : i32
      %and3A_420 = arith.andi %add3A_396, %and3A_419 : i32
      %mul3A_421 = arith.constant 64 : i32
      %mul3A_422 = arith.muli %and3A_420, %mul3A_421 : i32
      %dma_start3A_423 = tpu.memref_slice %arg12[%shift_right_arithmetic3A_418, %mul3A_422] : memref<256x128xf32, #tpu.memory_space<vmem>> -> memref<1x64xf32, #tpu.memory_space<vmem>>
      %dma_start3A_424 = tpu.memref_squeeze %dma_start3A_423 : memref<1x64xf32, #tpu.memory_space<vmem>> -> memref<64xf32, #tpu.memory_space<vmem>>
      %dma_start3A_425 = arith.constant 0 : i32
      %dma_start3A_426 = tpu.memref_slice %arg5[%squeeze3A_416, %dma_start3A_425] : memref<1000000x64xf32, #tpu.memory_space<hbm>> -> memref<1x64xf32, #tpu.memory_space<hbm>>
      %dma_start3A_427 = tpu.memref_squeeze %dma_start3A_426 : memref<1x64xf32, #tpu.memory_space<hbm>> -> memref<64xf32, #tpu.memory_space<hbm>>
      %dma_start3A_428 = tpu.memref_slice %arg12[%shift_right_arithmetic3A_418, %mul3A_422] : memref<256x128xf32, #tpu.memory_space<vmem>> -> memref<1x64xf32, #tpu.memory_space<vmem>>
      %dma_start3A_429 = tpu.memref_squeeze %dma_start3A_428 : memref<1x64xf32, #tpu.memory_space<vmem>> -> memref<64xf32, #tpu.memory_space<vmem>>
      %dma_start3A_430 = arith.constant 0 : i32
      %dma_start3A_431 = tpu.memref_slice %arg5[%squeeze3A_416, %dma_start3A_430] : memref<1000000x64xf32, #tpu.memory_space<hbm>> -> memref<1x64xf32, #tpu.memory_space<hbm>>
      %dma_start3A_432 = tpu.memref_squeeze %dma_start3A_431 : memref<1x64xf32, #tpu.memory_space<hbm>> -> memref<64xf32, #tpu.memory_space<hbm>>
      tpu.enqueue_dma source(%dma_start3A_432 : memref<64xf32, #tpu.memory_space<hbm>>) target(%dma_start3A_429 : memref<64xf32, #tpu.memory_space<vmem>>) target_semaphore(%arg15 : memref<!tpu.dma_semaphore, #tpu.memory_space<semaphore_mem>>)
      %add3A_433 = arith.constant 11 : i32
      %add3A_434 = arith.addi %mul3A_16, %add3A_433 : i32
      %slice3A_435 = vector.extract_strided_slice %get3A_17 {offsets = [11], sizes = [1], strides = [1]} : vector<16xi32> to vector<1xi32>
      %squeeze3A_436 = vector.extract %slice3A_435[0] : i32 from vector<1xi32>
      %shift_right_arithmetic3A_437 = arith.constant 1 : i32
      %shift_right_arithmetic3A_438 = arith.shrsi %add3A_434, %shift_right_arithmetic3A_437 : i32
      %and3A_439 = arith.constant 1 : i32
      %and3A_440 = arith.andi %add3A_434, %and3A_439 : i32
      %mul3A_441 = arith.constant 64 : i32
      %mul3A_442 = arith.muli %and3A_440, %mul3A_441 : i32
      %dma_start3A_443 = tpu.memref_slice %arg11[%shift_right_arithmetic3A_438, %mul3A_442] : memref<256x128xf32, #tpu.memory_space<vmem>> -> memref<1x64xf32, #tpu.memory_space<vmem>>
      %dma_start3A_444 = tpu.memref_squeeze %dma_start3A_443 : memref<1x64xf32, #tpu.memory_space<vmem>> -> memref<64xf32, #tpu.memory_space<vmem>>
      %dma_start3A_445 = arith.constant 0 : i32
      %dma_start3A_446 = tpu.memref_slice %arg5[%squeeze3A_436, %dma_start3A_445] : memref<1000000x64xf32, #tpu.memory_space<hbm>> -> memref<1x64xf32, #tpu.memory_space<hbm>>
      %dma_start3A_447 = tpu.memref_squeeze %dma_start3A_446 : memref<1x64xf32, #tpu.memory_space<hbm>> -> memref<64xf32, #tpu.memory_space<hbm>>
      %dma_start3A_448 = tpu.memref_slice %arg11[%shift_right_arithmetic3A_438, %mul3A_442] : memref<256x128xf32, #tpu.memory_space<vmem>> -> memref<1x64xf32, #tpu.memory_space<vmem>>
      %dma_start3A_449 = tpu.memref_squeeze %dma_start3A_448 : memref<1x64xf32, #tpu.memory_space<vmem>> -> memref<64xf32, #tpu.memory_space<vmem>>
      %dma_start3A_450 = arith.constant 0 : i32
      %dma_start3A_451 = tpu.memref_slice %arg5[%squeeze3A_436, %dma_start3A_450] : memref<1000000x64xf32, #tpu.memory_space<hbm>> -> memref<1x64xf32, #tpu.memory_space<hbm>>
      %dma_start3A_452 = tpu.memref_squeeze %dma_start3A_451 : memref<1x64xf32, #tpu.memory_space<hbm>> -> memref<64xf32, #tpu.memory_space<hbm>>
      tpu.enqueue_dma source(%dma_start3A_452 : memref<64xf32, #tpu.memory_space<hbm>>) target(%dma_start3A_449 : memref<64xf32, #tpu.memory_space<vmem>>) target_semaphore(%arg15 : memref<!tpu.dma_semaphore, #tpu.memory_space<semaphore_mem>>)
      %slice3A_453 = vector.extract_strided_slice %get3A_19 {offsets = [11], sizes = [1], strides = [1]} : vector<16xi32> to vector<1xi32>
      %squeeze3A_454 = vector.extract %slice3A_453[0] : i32 from vector<1xi32>
      %shift_right_arithmetic3A_455 = arith.constant 1 : i32
      %shift_right_arithmetic3A_456 = arith.shrsi %add3A_434, %shift_right_arithmetic3A_455 : i32
      %and3A_457 = arith.constant 1 : i32
      %and3A_458 = arith.andi %add3A_434, %and3A_457 : i32
      %mul3A_459 = arith.constant 64 : i32
      %mul3A_460 = arith.muli %and3A_458, %mul3A_459 : i32
      %dma_start3A_461 = tpu.memref_slice %arg12[%shift_right_arithmetic3A_456, %mul3A_460] : memref<256x128xf32, #tpu.memory_space<vmem>> -> memref<1x64xf32, #tpu.memory_space<vmem>>
      %dma_start3A_462 = tpu.memref_squeeze %dma_start3A_461 : memref<1x64xf32, #tpu.memory_space<vmem>> -> memref<64xf32, #tpu.memory_space<vmem>>
      %dma_start3A_463 = arith.constant 0 : i32
      %dma_start3A_464 = tpu.memref_slice %arg5[%squeeze3A_454, %dma_start3A_463] : memref<1000000x64xf32, #tpu.memory_space<hbm>> -> memref<1x64xf32, #tpu.memory_space<hbm>>
      %dma_start3A_465 = tpu.memref_squeeze %dma_start3A_464 : memref<1x64xf32, #tpu.memory_space<hbm>> -> memref<64xf32, #tpu.memory_space<hbm>>
      %dma_start3A_466 = tpu.memref_slice %arg12[%shift_right_arithmetic3A_456, %mul3A_460] : memref<256x128xf32, #tpu.memory_space<vmem>> -> memref<1x64xf32, #tpu.memory_space<vmem>>
      %dma_start3A_467 = tpu.memref_squeeze %dma_start3A_466 : memref<1x64xf32, #tpu.memory_space<vmem>> -> memref<64xf32, #tpu.memory_space<vmem>>
      %dma_start3A_468 = arith.constant 0 : i32
      %dma_start3A_469 = tpu.memref_slice %arg5[%squeeze3A_454, %dma_start3A_468] : memref<1000000x64xf32, #tpu.memory_space<hbm>> -> memref<1x64xf32, #tpu.memory_space<hbm>>
      %dma_start3A_470 = tpu.memref_squeeze %dma_start3A_469 : memref<1x64xf32, #tpu.memory_space<hbm>> -> memref<64xf32, #tpu.memory_space<hbm>>
      tpu.enqueue_dma source(%dma_start3A_470 : memref<64xf32, #tpu.memory_space<hbm>>) target(%dma_start3A_467 : memref<64xf32, #tpu.memory_space<vmem>>) target_semaphore(%arg15 : memref<!tpu.dma_semaphore, #tpu.memory_space<semaphore_mem>>)
      %add3A_471 = arith.constant 12 : i32
      %add3A_472 = arith.addi %mul3A_16, %add3A_471 : i32
      %slice3A_473 = vector.extract_strided_slice %get3A_17 {offsets = [12], sizes = [1], strides = [1]} : vector<16xi32> to vector<1xi32>
      %squeeze3A_474 = vector.extract %slice3A_473[0] : i32 from vector<1xi32>
      %shift_right_arithmetic3A_475 = arith.constant 1 : i32
      %shift_right_arithmetic3A_476 = arith.shrsi %add3A_472, %shift_right_arithmetic3A_475 : i32
      %and3A_477 = arith.constant 1 : i32
      %and3A_478 = arith.andi %add3A_472, %and3A_477 : i32
      %mul3A_479 = arith.constant 64 : i32
      %mul3A_480 = arith.muli %and3A_478, %mul3A_479 : i32
      %dma_start3A_481 = tpu.memref_slice %arg11[%shift_right_arithmetic3A_476, %mul3A_480] : memref<256x128xf32, #tpu.memory_space<vmem>> -> memref<1x64xf32, #tpu.memory_space<vmem>>
      %dma_start3A_482 = tpu.memref_squeeze %dma_start3A_481 : memref<1x64xf32, #tpu.memory_space<vmem>> -> memref<64xf32, #tpu.memory_space<vmem>>
      %dma_start3A_483 = arith.constant 0 : i32
      %dma_start3A_484 = tpu.memref_slice %arg5[%squeeze3A_474, %dma_start3A_483] : memref<1000000x64xf32, #tpu.memory_space<hbm>> -> memref<1x64xf32, #tpu.memory_space<hbm>>
      %dma_start3A_485 = tpu.memref_squeeze %dma_start3A_484 : memref<1x64xf32, #tpu.memory_space<hbm>> -> memref<64xf32, #tpu.memory_space<hbm>>
      %dma_start3A_486 = tpu.memref_slice %arg11[%shift_right_arithmetic3A_476, %mul3A_480] : memref<256x128xf32, #tpu.memory_space<vmem>> -> memref<1x64xf32, #tpu.memory_space<vmem>>
      %dma_start3A_487 = tpu.memref_squeeze %dma_start3A_486 : memref<1x64xf32, #tpu.memory_space<vmem>> -> memref<64xf32, #tpu.memory_space<vmem>>
      %dma_start3A_488 = arith.constant 0 : i32
      %dma_start3A_489 = tpu.memref_slice %arg5[%squeeze3A_474, %dma_start3A_488] : memref<1000000x64xf32, #tpu.memory_space<hbm>> -> memref<1x64xf32, #tpu.memory_space<hbm>>
      %dma_start3A_490 = tpu.memref_squeeze %dma_start3A_489 : memref<1x64xf32, #tpu.memory_space<hbm>> -> memref<64xf32, #tpu.memory_space<hbm>>
      tpu.enqueue_dma source(%dma_start3A_490 : memref<64xf32, #tpu.memory_space<hbm>>) target(%dma_start3A_487 : memref<64xf32, #tpu.memory_space<vmem>>) target_semaphore(%arg15 : memref<!tpu.dma_semaphore, #tpu.memory_space<semaphore_mem>>)
      %slice3A_491 = vector.extract_strided_slice %get3A_19 {offsets = [12], sizes = [1], strides = [1]} : vector<16xi32> to vector<1xi32>
      %squeeze3A_492 = vector.extract %slice3A_491[0] : i32 from vector<1xi32>
      %shift_right_arithmetic3A_493 = arith.constant 1 : i32
      %shift_right_arithmetic3A_494 = arith.shrsi %add3A_472, %shift_right_arithmetic3A_493 : i32
      %and3A_495 = arith.constant 1 : i32
      %and3A_496 = arith.andi %add3A_472, %and3A_495 : i32
      %mul3A_497 = arith.constant 64 : i32
      %mul3A_498 = arith.muli %and3A_496, %mul3A_497 : i32
      %dma_start3A_499 = tpu.memref_slice %arg12[%shift_right_arithmetic3A_494, %mul3A_498] : memref<256x128xf32, #tpu.memory_space<vmem>> -> memref<1x64xf32, #tpu.memory_space<vmem>>
      %dma_start3A_500 = tpu.memref_squeeze %dma_start3A_499 : memref<1x64xf32, #tpu.memory_space<vmem>> -> memref<64xf32, #tpu.memory_space<vmem>>
      %dma_start3A_501 = arith.constant 0 : i32
      %dma_start3A_502 = tpu.memref_slice %arg5[%squeeze3A_492, %dma_start3A_501] : memref<1000000x64xf32, #tpu.memory_space<hbm>> -> memref<1x64xf32, #tpu.memory_space<hbm>>
      %dma_start3A_503 = tpu.memref_squeeze %dma_start3A_502 : memref<1x64xf32, #tpu.memory_space<hbm>> -> memref<64xf32, #tpu.memory_space<hbm>>
      %dma_start3A_504 = tpu.memref_slice %arg12[%shift_right_arithmetic3A_494, %mul3A_498] : memref<256x128xf32, #tpu.memory_space<vmem>> -> memref<1x64xf32, #tpu.memory_space<vmem>>
      %dma_start3A_505 = tpu.memref_squeeze %dma_start3A_504 : memref<1x64xf32, #tpu.memory_space<vmem>> -> memref<64xf32, #tpu.memory_space<vmem>>
      %dma_start3A_506 = arith.constant 0 : i32
      %dma_start3A_507 = tpu.memref_slice %arg5[%squeeze3A_492, %dma_start3A_506] : memref<1000000x64xf32, #tpu.memory_space<hbm>> -> memref<1x64xf32, #tpu.memory_space<hbm>>
      %dma_start3A_508 = tpu.memref_squeeze %dma_start3A_507 : memref<1x64xf32, #tpu.memory_space<hbm>> -> memref<64xf32, #tpu.memory_space<hbm>>
      tpu.enqueue_dma source(%dma_start3A_508 : memref<64xf32, #tpu.memory_space<hbm>>) target(%dma_start3A_505 : memref<64xf32, #tpu.memory_space<vmem>>) target_semaphore(%arg15 : memref<!tpu.dma_semaphore, #tpu.memory_space<semaphore_mem>>)
      %add3A_509 = arith.constant 13 : i32
      %add3A_510 = arith.addi %mul3A_16, %add3A_509 : i32
      %slice3A_511 = vector.extract_strided_slice %get3A_17 {offsets = [13], sizes = [1], strides = [1]} : vector<16xi32> to vector<1xi32>
      %squeeze3A_512 = vector.extract %slice3A_511[0] : i32 from vector<1xi32>
      %shift_right_arithmetic3A_513 = arith.constant 1 : i32
      %shift_right_arithmetic3A_514 = arith.shrsi %add3A_510, %shift_right_arithmetic3A_513 : i32
      %and3A_515 = arith.constant 1 : i32
      %and3A_516 = arith.andi %add3A_510, %and3A_515 : i32
      %mul3A_517 = arith.constant 64 : i32
      %mul3A_518 = arith.muli %and3A_516, %mul3A_517 : i32
      %dma_start3A_519 = tpu.memref_slice %arg11[%shift_right_arithmetic3A_514, %mul3A_518] : memref<256x128xf32, #tpu.memory_space<vmem>> -> memref<1x64xf32, #tpu.memory_space<vmem>>
      %dma_start3A_520 = tpu.memref_squeeze %dma_start3A_519 : memref<1x64xf32, #tpu.memory_space<vmem>> -> memref<64xf32, #tpu.memory_space<vmem>>
      %dma_start3A_521 = arith.constant 0 : i32
      %dma_start3A_522 = tpu.memref_slice %arg5[%squeeze3A_512, %dma_start3A_521] : memref<1000000x64xf32, #tpu.memory_space<hbm>> -> memref<1x64xf32, #tpu.memory_space<hbm>>
      %dma_start3A_523 = tpu.memref_squeeze %dma_start3A_522 : memref<1x64xf32, #tpu.memory_space<hbm>> -> memref<64xf32, #tpu.memory_space<hbm>>
      %dma_start3A_524 = tpu.memref_slice %arg11[%shift_right_arithmetic3A_514, %mul3A_518] : memref<256x128xf32, #tpu.memory_space<vmem>> -> memref<1x64xf32, #tpu.memory_space<vmem>>
      %dma_start3A_525 = tpu.memref_squeeze %dma_start3A_524 : memref<1x64xf32, #tpu.memory_space<vmem>> -> memref<64xf32, #tpu.memory_space<vmem>>
      %dma_start3A_526 = arith.constant 0 : i32
      %dma_start3A_527 = tpu.memref_slice %arg5[%squeeze3A_512, %dma_start3A_526] : memref<1000000x64xf32, #tpu.memory_space<hbm>> -> memref<1x64xf32, #tpu.memory_space<hbm>>
      %dma_start3A_528 = tpu.memref_squeeze %dma_start3A_527 : memref<1x64xf32, #tpu.memory_space<hbm>> -> memref<64xf32, #tpu.memory_space<hbm>>
      tpu.enqueue_dma source(%dma_start3A_528 : memref<64xf32, #tpu.memory_space<hbm>>) target(%dma_start3A_525 : memref<64xf32, #tpu.memory_space<vmem>>) target_semaphore(%arg15 : memref<!tpu.dma_semaphore, #tpu.memory_space<semaphore_mem>>)
      %slice3A_529 = vector.extract_strided_slice %get3A_19 {offsets = [13], sizes = [1], strides = [1]} : vector<16xi32> to vector<1xi32>
      %squeeze3A_530 = vector.extract %slice3A_529[0] : i32 from vector<1xi32>
      %shift_right_arithmetic3A_531 = arith.constant 1 : i32
      %shift_right_arithmetic3A_532 = arith.shrsi %add3A_510, %shift_right_arithmetic3A_531 : i32
      %and3A_533 = arith.constant 1 : i32
      %and3A_534 = arith.andi %add3A_510, %and3A_533 : i32
      %mul3A_535 = arith.constant 64 : i32
      %mul3A_536 = arith.muli %and3A_534, %mul3A_535 : i32
      %dma_start3A_537 = tpu.memref_slice %arg12[%shift_right_arithmetic3A_532, %mul3A_536] : memref<256x128xf32, #tpu.memory_space<vmem>> -> memref<1x64xf32, #tpu.memory_space<vmem>>
      %dma_start3A_538 = tpu.memref_squeeze %dma_start3A_537 : memref<1x64xf32, #tpu.memory_space<vmem>> -> memref<64xf32, #tpu.memory_space<vmem>>
      %dma_start3A_539 = arith.constant 0 : i32
      %dma_start3A_540 = tpu.memref_slice %arg5[%squeeze3A_530, %dma_start3A_539] : memref<1000000x64xf32, #tpu.memory_space<hbm>> -> memref<1x64xf32, #tpu.memory_space<hbm>>
      %dma_start3A_541 = tpu.memref_squeeze %dma_start3A_540 : memref<1x64xf32, #tpu.memory_space<hbm>> -> memref<64xf32, #tpu.memory_space<hbm>>
      %dma_start3A_542 = tpu.memref_slice %arg12[%shift_right_arithmetic3A_532, %mul3A_536] : memref<256x128xf32, #tpu.memory_space<vmem>> -> memref<1x64xf32, #tpu.memory_space<vmem>>
      %dma_start3A_543 = tpu.memref_squeeze %dma_start3A_542 : memref<1x64xf32, #tpu.memory_space<vmem>> -> memref<64xf32, #tpu.memory_space<vmem>>
      %dma_start3A_544 = arith.constant 0 : i32
      %dma_start3A_545 = tpu.memref_slice %arg5[%squeeze3A_530, %dma_start3A_544] : memref<1000000x64xf32, #tpu.memory_space<hbm>> -> memref<1x64xf32, #tpu.memory_space<hbm>>
      %dma_start3A_546 = tpu.memref_squeeze %dma_start3A_545 : memref<1x64xf32, #tpu.memory_space<hbm>> -> memref<64xf32, #tpu.memory_space<hbm>>
      tpu.enqueue_dma source(%dma_start3A_546 : memref<64xf32, #tpu.memory_space<hbm>>) target(%dma_start3A_543 : memref<64xf32, #tpu.memory_space<vmem>>) target_semaphore(%arg15 : memref<!tpu.dma_semaphore, #tpu.memory_space<semaphore_mem>>)
      %add3A_547 = arith.constant 14 : i32
      %add3A_548 = arith.addi %mul3A_16, %add3A_547 : i32
      %slice3A_549 = vector.extract_strided_slice %get3A_17 {offsets = [14], sizes = [1], strides = [1]} : vector<16xi32> to vector<1xi32>
      %squeeze3A_550 = vector.extract %slice3A_549[0] : i32 from vector<1xi32>
      %shift_right_arithmetic3A_551 = arith.constant 1 : i32
      %shift_right_arithmetic3A_552 = arith.shrsi %add3A_548, %shift_right_arithmetic3A_551 : i32
      %and3A_553 = arith.constant 1 : i32
      %and3A_554 = arith.andi %add3A_548, %and3A_553 : i32
      %mul3A_555 = arith.constant 64 : i32
      %mul3A_556 = arith.muli %and3A_554, %mul3A_555 : i32
      %dma_start3A_557 = tpu.memref_slice %arg11[%shift_right_arithmetic3A_552, %mul3A_556] : memref<256x128xf32, #tpu.memory_space<vmem>> -> memref<1x64xf32, #tpu.memory_space<vmem>>
      %dma_start3A_558 = tpu.memref_squeeze %dma_start3A_557 : memref<1x64xf32, #tpu.memory_space<vmem>> -> memref<64xf32, #tpu.memory_space<vmem>>
      %dma_start3A_559 = arith.constant 0 : i32
      %dma_start3A_560 = tpu.memref_slice %arg5[%squeeze3A_550, %dma_start3A_559] : memref<1000000x64xf32, #tpu.memory_space<hbm>> -> memref<1x64xf32, #tpu.memory_space<hbm>>
      %dma_start3A_561 = tpu.memref_squeeze %dma_start3A_560 : memref<1x64xf32, #tpu.memory_space<hbm>> -> memref<64xf32, #tpu.memory_space<hbm>>
      %dma_start3A_562 = tpu.memref_slice %arg11[%shift_right_arithmetic3A_552, %mul3A_556] : memref<256x128xf32, #tpu.memory_space<vmem>> -> memref<1x64xf32, #tpu.memory_space<vmem>>
      %dma_start3A_563 = tpu.memref_squeeze %dma_start3A_562 : memref<1x64xf32, #tpu.memory_space<vmem>> -> memref<64xf32, #tpu.memory_space<vmem>>
      %dma_start3A_564 = arith.constant 0 : i32
      %dma_start3A_565 = tpu.memref_slice %arg5[%squeeze3A_550, %dma_start3A_564] : memref<1000000x64xf32, #tpu.memory_space<hbm>> -> memref<1x64xf32, #tpu.memory_space<hbm>>
      %dma_start3A_566 = tpu.memref_squeeze %dma_start3A_565 : memref<1x64xf32, #tpu.memory_space<hbm>> -> memref<64xf32, #tpu.memory_space<hbm>>
      tpu.enqueue_dma source(%dma_start3A_566 : memref<64xf32, #tpu.memory_space<hbm>>) target(%dma_start3A_563 : memref<64xf32, #tpu.memory_space<vmem>>) target_semaphore(%arg15 : memref<!tpu.dma_semaphore, #tpu.memory_space<semaphore_mem>>)
      %slice3A_567 = vector.extract_strided_slice %get3A_19 {offsets = [14], sizes = [1], strides = [1]} : vector<16xi32> to vector<1xi32>
      %squeeze3A_568 = vector.extract %slice3A_567[0] : i32 from vector<1xi32>
      %shift_right_arithmetic3A_569 = arith.constant 1 : i32
      %shift_right_arithmetic3A_570 = arith.shrsi %add3A_548, %shift_right_arithmetic3A_569 : i32
      %and3A_571 = arith.constant 1 : i32
      %and3A_572 = arith.andi %add3A_548, %and3A_571 : i32
      %mul3A_573 = arith.constant 64 : i32
      %mul3A_574 = arith.muli %and3A_572, %mul3A_573 : i32
      %dma_start3A_575 = tpu.memref_slice %arg12[%shift_right_arithmetic3A_570, %mul3A_574] : memref<256x128xf32, #tpu.memory_space<vmem>> -> memref<1x64xf32, #tpu.memory_space<vmem>>
      %dma_start3A_576 = tpu.memref_squeeze %dma_start3A_575 : memref<1x64xf32, #tpu.memory_space<vmem>> -> memref<64xf32, #tpu.memory_space<vmem>>
      %dma_start3A_577 = arith.constant 0 : i32
      %dma_start3A_578 = tpu.memref_slice %arg5[%squeeze3A_568, %dma_start3A_577] : memref<1000000x64xf32, #tpu.memory_space<hbm>> -> memref<1x64xf32, #tpu.memory_space<hbm>>
      %dma_start3A_579 = tpu.memref_squeeze %dma_start3A_578 : memref<1x64xf32, #tpu.memory_space<hbm>> -> memref<64xf32, #tpu.memory_space<hbm>>
      %dma_start3A_580 = tpu.memref_slice %arg12[%shift_right_arithmetic3A_570, %mul3A_574] : memref<256x128xf32, #tpu.memory_space<vmem>> -> memref<1x64xf32, #tpu.memory_space<vmem>>
      %dma_start3A_581 = tpu.memref_squeeze %dma_start3A_580 : memref<1x64xf32, #tpu.memory_space<vmem>> -> memref<64xf32, #tpu.memory_space<vmem>>
      %dma_start3A_582 = arith.constant 0 : i32
      %dma_start3A_583 = tpu.memref_slice %arg5[%squeeze3A_568, %dma_start3A_582] : memref<1000000x64xf32, #tpu.memory_space<hbm>> -> memref<1x64xf32, #tpu.memory_space<hbm>>
      %dma_start3A_584 = tpu.memref_squeeze %dma_start3A_583 : memref<1x64xf32, #tpu.memory_space<hbm>> -> memref<64xf32, #tpu.memory_space<hbm>>
      tpu.enqueue_dma source(%dma_start3A_584 : memref<64xf32, #tpu.memory_space<hbm>>) target(%dma_start3A_581 : memref<64xf32, #tpu.memory_space<vmem>>) target_semaphore(%arg15 : memref<!tpu.dma_semaphore, #tpu.memory_space<semaphore_mem>>)
      %add3A_585 = arith.constant 15 : i32
      %add3A_586 = arith.addi %mul3A_16, %add3A_585 : i32
      %slice3A_587 = vector.extract_strided_slice %get3A_17 {offsets = [15], sizes = [1], strides = [1]} : vector<16xi32> to vector<1xi32>
      %squeeze3A_588 = vector.extract %slice3A_587[0] : i32 from vector<1xi32>
      %shift_right_arithmetic3A_589 = arith.constant 1 : i32
      %shift_right_arithmetic3A_590 = arith.shrsi %add3A_586, %shift_right_arithmetic3A_589 : i32
      %and3A_591 = arith.constant 1 : i32
      %and3A_592 = arith.andi %add3A_586, %and3A_591 : i32
      %mul3A_593 = arith.constant 64 : i32
      %mul3A_594 = arith.muli %and3A_592, %mul3A_593 : i32
      %dma_start3A_595 = tpu.memref_slice %arg11[%shift_right_arithmetic3A_590, %mul3A_594] : memref<256x128xf32, #tpu.memory_space<vmem>> -> memref<1x64xf32, #tpu.memory_space<vmem>>
      %dma_start3A_596 = tpu.memref_squeeze %dma_start3A_595 : memref<1x64xf32, #tpu.memory_space<vmem>> -> memref<64xf32, #tpu.memory_space<vmem>>
      %dma_start3A_597 = arith.constant 0 : i32
      %dma_start3A_598 = tpu.memref_slice %arg5[%squeeze3A_588, %dma_start3A_597] : memref<1000000x64xf32, #tpu.memory_space<hbm>> -> memref<1x64xf32, #tpu.memory_space<hbm>>
      %dma_start3A_599 = tpu.memref_squeeze %dma_start3A_598 : memref<1x64xf32, #tpu.memory_space<hbm>> -> memref<64xf32, #tpu.memory_space<hbm>>
      %dma_start3A_600 = tpu.memref_slice %arg11[%shift_right_arithmetic3A_590, %mul3A_594] : memref<256x128xf32, #tpu.memory_space<vmem>> -> memref<1x64xf32, #tpu.memory_space<vmem>>
      %dma_start3A_601 = tpu.memref_squeeze %dma_start3A_600 : memref<1x64xf32, #tpu.memory_space<vmem>> -> memref<64xf32, #tpu.memory_space<vmem>>
      %dma_start3A_602 = arith.constant 0 : i32
      %dma_start3A_603 = tpu.memref_slice %arg5[%squeeze3A_588, %dma_start3A_602] : memref<1000000x64xf32, #tpu.memory_space<hbm>> -> memref<1x64xf32, #tpu.memory_space<hbm>>
      %dma_start3A_604 = tpu.memref_squeeze %dma_start3A_603 : memref<1x64xf32, #tpu.memory_space<hbm>> -> memref<64xf32, #tpu.memory_space<hbm>>
      tpu.enqueue_dma source(%dma_start3A_604 : memref<64xf32, #tpu.memory_space<hbm>>) target(%dma_start3A_601 : memref<64xf32, #tpu.memory_space<vmem>>) target_semaphore(%arg15 : memref<!tpu.dma_semaphore, #tpu.memory_space<semaphore_mem>>)
      %slice3A_605 = vector.extract_strided_slice %get3A_19 {offsets = [15], sizes = [1], strides = [1]} : vector<16xi32> to vector<1xi32>
      %squeeze3A_606 = vector.extract %slice3A_605[0] : i32 from vector<1xi32>
      %shift_right_arithmetic3A_607 = arith.constant 1 : i32
      %shift_right_arithmetic3A_608 = arith.shrsi %add3A_586, %shift_right_arithmetic3A_607 : i32
      %and3A_609 = arith.constant 1 : i32
      %and3A_610 = arith.andi %add3A_586, %and3A_609 : i32
      %mul3A_611 = arith.constant 64 : i32
      %mul3A_612 = arith.muli %and3A_610, %mul3A_611 : i32
      %dma_start3A_613 = tpu.memref_slice %arg12[%shift_right_arithmetic3A_608, %mul3A_612] : memref<256x128xf32, #tpu.memory_space<vmem>> -> memref<1x64xf32, #tpu.memory_space<vmem>>
      %dma_start3A_614 = tpu.memref_squeeze %dma_start3A_613 : memref<1x64xf32, #tpu.memory_space<vmem>> -> memref<64xf32, #tpu.memory_space<vmem>>
      %dma_start3A_615 = arith.constant 0 : i32
      %dma_start3A_616 = tpu.memref_slice %arg5[%squeeze3A_606, %dma_start3A_615] : memref<1000000x64xf32, #tpu.memory_space<hbm>> -> memref<1x64xf32, #tpu.memory_space<hbm>>
      %dma_start3A_617 = tpu.memref_squeeze %dma_start3A_616 : memref<1x64xf32, #tpu.memory_space<hbm>> -> memref<64xf32, #tpu.memory_space<hbm>>
      %dma_start3A_618 = tpu.memref_slice %arg12[%shift_right_arithmetic3A_608, %mul3A_612] : memref<256x128xf32, #tpu.memory_space<vmem>> -> memref<1x64xf32, #tpu.memory_space<vmem>>
      %dma_start3A_619 = tpu.memref_squeeze %dma_start3A_618 : memref<1x64xf32, #tpu.memory_space<vmem>> -> memref<64xf32, #tpu.memory_space<vmem>>
      %dma_start3A_620 = arith.constant 0 : i32
      %dma_start3A_621 = tpu.memref_slice %arg5[%squeeze3A_606, %dma_start3A_620] : memref<1000000x64xf32, #tpu.memory_space<hbm>> -> memref<1x64xf32, #tpu.memory_space<hbm>>
      %dma_start3A_622 = tpu.memref_squeeze %dma_start3A_621 : memref<1x64xf32, #tpu.memory_space<hbm>> -> memref<64xf32, #tpu.memory_space<hbm>>
      tpu.enqueue_dma source(%dma_start3A_622 : memref<64xf32, #tpu.memory_space<hbm>>) target(%dma_start3A_619 : memref<64xf32, #tpu.memory_space<vmem>>) target_semaphore(%arg15 : memref<!tpu.dma_semaphore, #tpu.memory_space<semaphore_mem>>)
    }
    %scan3A_7 = arith.constant 32 : i32
    "tpu.region"() ({
      %run_scoped3A = tpu.sem_alloc : memref<!tpu.dma_semaphore, #tpu.memory_space<semaphore_mem>>
      tpu.enqueue_dma source(%arg6 : memref<256x128xf32, #tpu.memory_space<hbm>>) target(%arg13 : memref<256x128xf32, #tpu.memory_space<vmem>>) target_semaphore(%run_scoped3A : memref<!tpu.dma_semaphore, #tpu.memory_space<semaphore_mem>>)
      tpu.wait_dma2 semaphore(%run_scoped3A : memref<!tpu.dma_semaphore, #tpu.memory_space<semaphore_mem>>) src(%arg6 : memref<256x128xf32, #tpu.memory_space<hbm>>) dst(%arg13 : memref<256x128xf32, #tpu.memory_space<vmem>>)
      tpu.yield
    }) : () -> ()
    tpu.wait_dma2 semaphore(%arg15 : memref<!tpu.dma_semaphore, #tpu.memory_space<semaphore_mem>>) src(%arg6 : memref<256x128xf32, #tpu.memory_space<hbm>>) dst(%arg11 : memref<256x128xf32, #tpu.memory_space<vmem>>)
    tpu.wait_dma2 semaphore(%arg15 : memref<!tpu.dma_semaphore, #tpu.memory_space<semaphore_mem>>) src(%arg6 : memref<256x128xf32, #tpu.memory_space<hbm>>) dst(%arg12 : memref<256x128xf32, #tpu.memory_space<vmem>>)
    %iota3A = tpu.iota {dimensions = array<i32: 0>} : vector<16xi32>
    %scan3A_8 = arith.constant 0 : i32
    %scan3A_9 = arith.constant 0 : i32
    %scan3A_10 = arith.constant 32 : i32
    %scan3A_11 = arith.addi %scan3A_9, %scan3A_10 : i32
    %scan3A_12 = arith.constant 1 : i32
    scf.for %scan3A_14 = %scan3A_9 to %scan3A_11 step %scan3A_12  : i32 {
      %mul3A_15 = arith.constant 16 : i32
      %mul3A_16 = arith.muli %scan3A_14, %mul3A_15 : i32
      %add3A_17 = vector.broadcast %mul3A_16 : i32 to vector<16xi32>
      %add3A_18 = arith.addi %add3A_17, %iota3A : vector<16xi32>
      %shift_right_arithmetic3A = arith.constant 1 : i32
      %shift_right_arithmetic3A_19 = vector.broadcast %shift_right_arithmetic3A : i32 to vector<16xi32>
      %shift_right_arithmetic3A_20 = arith.shrsi %add3A_18, %shift_right_arithmetic3A_19 : vector<16xi32>
      %and3A = arith.constant 1 : i32
      %and3A_21 = vector.broadcast %and3A : i32 to vector<16xi32>
      %and3A_22 = arith.andi %add3A_18, %and3A_21 : vector<16xi32>
      %shift_left3A = arith.constant 6 : i32
      %shift_left3A_23 = vector.broadcast %shift_left3A : i32 to vector<16xi32>
      %shift_left3A_24 = arith.shli %and3A_22, %shift_left3A_23 : vector<16xi32>
      %get3A = arith.index_cast %mul3A_16 : i32 to index
      %get3A_25 = tpu.vector_load %arg10[%get3A] {strides = array<i32>} : memref<512xi32, #tpu.memory_space<vmem>>, vector<16xi32>,
      %shift_right_arithmetic3A_26 = arith.constant 1 : i32
      %shift_right_arithmetic3A_27 = vector.broadcast %shift_right_arithmetic3A_26 : i32 to vector<16xi32>
      %shift_right_arithmetic3A_28 = arith.shrsi %get3A_25, %shift_right_arithmetic3A_27 : vector<16xi32>
      %and3A_29 = arith.constant 1 : i32
      %and3A_30 = vector.broadcast %and3A_29 : i32 to vector<16xi32>
      %and3A_31 = arith.andi %get3A_25, %and3A_30 : vector<16xi32>
      %shift_left3A_32 = arith.constant 6 : i32
      %shift_left3A_33 = vector.broadcast %shift_left3A_32 : i32 to vector<16xi32>
      %shift_left3A_34 = arith.shli %and3A_31, %shift_left3A_33 : vector<16xi32>
      %broadcast_in_dim3A = arith.constant 0.000000e+00 : f32
      %broadcast_in_dim3A_35 = vector.broadcast %broadcast_in_dim3A : f32 to vector<16xf32>
      %broadcast_in_dim3A_36 = arith.constant 0.000000e+00 : f32
      %broadcast_in_dim3A_37 = vector.broadcast %broadcast_in_dim3A_36 : f32 to vector<16xf32>
      %add3A_38 = arith.constant 0 : i32
      %add3A_39 = vector.broadcast %add3A_38 : i32 to vector<16xi32>
      %add3A_40 = arith.addi %iota3A, %add3A_39 : vector<16xi32>
      %and3A_41 = arith.constant 63 : i32
      %and3A_42 = vector.broadcast %and3A_41 : i32 to vector<16xi32>
      %and3A_43 = arith.andi %add3A_40, %and3A_42 : vector<16xi32>
      %add3A_44 = arith.addi %shift_left3A_24, %and3A_43 : vector<16xi32>
      %gather3A = tpu.vector_load_idx %arg11[%shift_right_arithmetic3A_20, %add3A_44] : memref<256x128xf32, #tpu.memory_space<vmem>>[vector<16xi32>, vector<16xi32>], vector<16xf32>,
      %gather3A_45 = tpu.vector_load_idx %arg12[%shift_right_arithmetic3A_20, %add3A_44] : memref<256x128xf32, #tpu.memory_space<vmem>>[vector<16xi32>, vector<16xi32>], vector<16xf32>,
      %add3A_46 = arith.addi %shift_left3A_34, %and3A_43 : vector<16xi32>
      %gather3A_47 = tpu.vector_load_idx %arg13[%shift_right_arithmetic3A_28, %add3A_46] : memref<256x128xf32, #tpu.memory_space<vmem>>[vector<16xi32>, vector<16xi32>], vector<16xf32>,
      %mul3A_48 = arith.mulf %gather3A, %gather3A_47 : vector<16xf32>
      %mul3A_49 = arith.mulf %mul3A_48, %gather3A_45 : vector<16xf32>
      %add3A_50 = arith.addf %broadcast_in_dim3A_35, %mul3A_49 : vector<16xf32>
      %add3A_51 = arith.constant 1 : i32
      %add3A_52 = vector.broadcast %add3A_51 : i32 to vector<16xi32>
      %add3A_53 = arith.addi %iota3A, %add3A_52 : vector<16xi32>
      %and3A_54 = arith.constant 63 : i32
      %and3A_55 = vector.broadcast %and3A_54 : i32 to vector<16xi32>
      %and3A_56 = arith.andi %add3A_53, %and3A_55 : vector<16xi32>
      %add3A_57 = arith.addi %shift_left3A_24, %and3A_56 : vector<16xi32>
      %gather3A_58 = tpu.vector_load_idx %arg11[%shift_right_arithmetic3A_20, %add3A_57] : memref<256x128xf32, #tpu.memory_space<vmem>>[vector<16xi32>, vector<16xi32>], vector<16xf32>,
      %gather3A_59 = tpu.vector_load_idx %arg12[%shift_right_arithmetic3A_20, %add3A_57] : memref<256x128xf32, #tpu.memory_space<vmem>>[vector<16xi32>, vector<16xi32>], vector<16xf32>,
      %add3A_60 = arith.addi %shift_left3A_34, %and3A_56 : vector<16xi32>
      %gather3A_61 = tpu.vector_load_idx %arg13[%shift_right_arithmetic3A_28, %add3A_60] : memref<256x128xf32, #tpu.memory_space<vmem>>[vector<16xi32>, vector<16xi32>], vector<16xf32>,
      %mul3A_62 = arith.mulf %gather3A_58, %gather3A_61 : vector<16xf32>
      %mul3A_63 = arith.mulf %mul3A_62, %gather3A_59 : vector<16xf32>
      %add3A_64 = arith.addf %broadcast_in_dim3A_37, %mul3A_63 : vector<16xf32>
      %add3A_65 = arith.constant 2 : i32
      %add3A_66 = vector.broadcast %add3A_65 : i32 to vector<16xi32>
      %add3A_67 = arith.addi %iota3A, %add3A_66 : vector<16xi32>
      %and3A_68 = arith.constant 63 : i32
      %and3A_69 = vector.broadcast %and3A_68 : i32 to vector<16xi32>
      %and3A_70 = arith.andi %add3A_67, %and3A_69 : vector<16xi32>
      %add3A_71 = arith.addi %shift_left3A_24, %and3A_70 : vector<16xi32>
      %gather3A_72 = tpu.vector_load_idx %arg11[%shift_right_arithmetic3A_20, %add3A_71] : memref<256x128xf32, #tpu.memory_space<vmem>>[vector<16xi32>, vector<16xi32>], vector<16xf32>,
      %gather3A_73 = tpu.vector_load_idx %arg12[%shift_right_arithmetic3A_20, %add3A_71] : memref<256x128xf32, #tpu.memory_space<vmem>>[vector<16xi32>, vector<16xi32>], vector<16xf32>,
      %add3A_74 = arith.addi %shift_left3A_34, %and3A_70 : vector<16xi32>
      %gather3A_75 = tpu.vector_load_idx %arg13[%shift_right_arithmetic3A_28, %add3A_74] : memref<256x128xf32, #tpu.memory_space<vmem>>[vector<16xi32>, vector<16xi32>], vector<16xf32>,
      %mul3A_76 = arith.mulf %gather3A_72, %gather3A_75 : vector<16xf32>
      %mul3A_77 = arith.mulf %mul3A_76, %gather3A_73 : vector<16xf32>
      %add3A_78 = arith.addf %add3A_50, %mul3A_77 : vector<16xf32>
      %add3A_79 = arith.constant 3 : i32
      %add3A_80 = vector.broadcast %add3A_79 : i32 to vector<16xi32>
      %add3A_81 = arith.addi %iota3A, %add3A_80 : vector<16xi32>
      %and3A_82 = arith.constant 63 : i32
      %and3A_83 = vector.broadcast %and3A_82 : i32 to vector<16xi32>
      %and3A_84 = arith.andi %add3A_81, %and3A_83 : vector<16xi32>
      %add3A_85 = arith.addi %shift_left3A_24, %and3A_84 : vector<16xi32>
      %gather3A_86 = tpu.vector_load_idx %arg11[%shift_right_arithmetic3A_20, %add3A_85] : memref<256x128xf32, #tpu.memory_space<vmem>>[vector<16xi32>, vector<16xi32>], vector<16xf32>,
      %gather3A_87 = tpu.vector_load_idx %arg12[%shift_right_arithmetic3A_20, %add3A_85] : memref<256x128xf32, #tpu.memory_space<vmem>>[vector<16xi32>, vector<16xi32>], vector<16xf32>,
      %add3A_88 = arith.addi %shift_left3A_34, %and3A_84 : vector<16xi32>
      %gather3A_89 = tpu.vector_load_idx %arg13[%shift_right_arithmetic3A_28, %add3A_88] : memref<256x128xf32, #tpu.memory_space<vmem>>[vector<16xi32>, vector<16xi32>], vector<16xf32>,
      %mul3A_90 = arith.mulf %gather3A_86, %gather3A_89 : vector<16xf32>
      %mul3A_91 = arith.mulf %mul3A_90, %gather3A_87 : vector<16xf32>
      %add3A_92 = arith.addf %add3A_64, %mul3A_91 : vector<16xf32>
      %add3A_93 = arith.constant 4 : i32
      %add3A_94 = vector.broadcast %add3A_93 : i32 to vector<16xi32>
      %add3A_95 = arith.addi %iota3A, %add3A_94 : vector<16xi32>
      %and3A_96 = arith.constant 63 : i32
      %and3A_97 = vector.broadcast %and3A_96 : i32 to vector<16xi32>
      %and3A_98 = arith.andi %add3A_95, %and3A_97 : vector<16xi32>
      %add3A_99 = arith.addi %shift_left3A_24, %and3A_98 : vector<16xi32>
      %gather3A_100 = tpu.vector_load_idx %arg11[%shift_right_arithmetic3A_20, %add3A_99] : memref<256x128xf32, #tpu.memory_space<vmem>>[vector<16xi32>, vector<16xi32>], vector<16xf32>,
      %gather3A_101 = tpu.vector_load_idx %arg12[%shift_right_arithmetic3A_20, %add3A_99] : memref<256x128xf32, #tpu.memory_space<vmem>>[vector<16xi32>, vector<16xi32>], vector<16xf32>,
      %add3A_102 = arith.addi %shift_left3A_34, %and3A_98 : vector<16xi32>
      %gather3A_103 = tpu.vector_load_idx %arg13[%shift_right_arithmetic3A_28, %add3A_102] : memref<256x128xf32, #tpu.memory_space<vmem>>[vector<16xi32>, vector<16xi32>], vector<16xf32>,
      %mul3A_104 = arith.mulf %gather3A_100, %gather3A_103 : vector<16xf32>
      %mul3A_105 = arith.mulf %mul3A_104, %gather3A_101 : vector<16xf32>
      %add3A_106 = arith.addf %add3A_78, %mul3A_105 : vector<16xf32>
      %add3A_107 = arith.constant 5 : i32
      %add3A_108 = vector.broadcast %add3A_107 : i32 to vector<16xi32>
      %add3A_109 = arith.addi %iota3A, %add3A_108 : vector<16xi32>
      %and3A_110 = arith.constant 63 : i32
      %and3A_111 = vector.broadcast %and3A_110 : i32 to vector<16xi32>
      %and3A_112 = arith.andi %add3A_109, %and3A_111 : vector<16xi32>
      %add3A_113 = arith.addi %shift_left3A_24, %and3A_112 : vector<16xi32>
      %gather3A_114 = tpu.vector_load_idx %arg11[%shift_right_arithmetic3A_20, %add3A_113] : memref<256x128xf32, #tpu.memory_space<vmem>>[vector<16xi32>, vector<16xi32>], vector<16xf32>,
      %gather3A_115 = tpu.vector_load_idx %arg12[%shift_right_arithmetic3A_20, %add3A_113] : memref<256x128xf32, #tpu.memory_space<vmem>>[vector<16xi32>, vector<16xi32>], vector<16xf32>,
      %add3A_116 = arith.addi %shift_left3A_34, %and3A_112 : vector<16xi32>
      %gather3A_117 = tpu.vector_load_idx %arg13[%shift_right_arithmetic3A_28, %add3A_116] : memref<256x128xf32, #tpu.memory_space<vmem>>[vector<16xi32>, vector<16xi32>], vector<16xf32>,
      %mul3A_118 = arith.mulf %gather3A_114, %gather3A_117 : vector<16xf32>
      %mul3A_119 = arith.mulf %mul3A_118, %gather3A_115 : vector<16xf32>
      %add3A_120 = arith.addf %add3A_92, %mul3A_119 : vector<16xf32>
      %add3A_121 = arith.constant 6 : i32
      %add3A_122 = vector.broadcast %add3A_121 : i32 to vector<16xi32>
      %add3A_123 = arith.addi %iota3A, %add3A_122 : vector<16xi32>
      %and3A_124 = arith.constant 63 : i32
      %and3A_125 = vector.broadcast %and3A_124 : i32 to vector<16xi32>
      %and3A_126 = arith.andi %add3A_123, %and3A_125 : vector<16xi32>
      %add3A_127 = arith.addi %shift_left3A_24, %and3A_126 : vector<16xi32>
      %gather3A_128 = tpu.vector_load_idx %arg11[%shift_right_arithmetic3A_20, %add3A_127] : memref<256x128xf32, #tpu.memory_space<vmem>>[vector<16xi32>, vector<16xi32>], vector<16xf32>,
      %gather3A_129 = tpu.vector_load_idx %arg12[%shift_right_arithmetic3A_20, %add3A_127] : memref<256x128xf32, #tpu.memory_space<vmem>>[vector<16xi32>, vector<16xi32>], vector<16xf32>,
      %add3A_130 = arith.addi %shift_left3A_34, %and3A_126 : vector<16xi32>
      %gather3A_131 = tpu.vector_load_idx %arg13[%shift_right_arithmetic3A_28, %add3A_130] : memref<256x128xf32, #tpu.memory_space<vmem>>[vector<16xi32>, vector<16xi32>], vector<16xf32>,
      %mul3A_132 = arith.mulf %gather3A_128, %gather3A_131 : vector<16xf32>
      %mul3A_133 = arith.mulf %mul3A_132, %gather3A_129 : vector<16xf32>
      %add3A_134 = arith.addf %add3A_106, %mul3A_133 : vector<16xf32>
      %add3A_135 = arith.constant 7 : i32
      %add3A_136 = vector.broadcast %add3A_135 : i32 to vector<16xi32>
      %add3A_137 = arith.addi %iota3A, %add3A_136 : vector<16xi32>
      %and3A_138 = arith.constant 63 : i32
      %and3A_139 = vector.broadcast %and3A_138 : i32 to vector<16xi32>
      %and3A_140 = arith.andi %add3A_137, %and3A_139 : vector<16xi32>
      %add3A_141 = arith.addi %shift_left3A_24, %and3A_140 : vector<16xi32>
      %gather3A_142 = tpu.vector_load_idx %arg11[%shift_right_arithmetic3A_20, %add3A_141] : memref<256x128xf32, #tpu.memory_space<vmem>>[vector<16xi32>, vector<16xi32>], vector<16xf32>,
      %gather3A_143 = tpu.vector_load_idx %arg12[%shift_right_arithmetic3A_20, %add3A_141] : memref<256x128xf32, #tpu.memory_space<vmem>>[vector<16xi32>, vector<16xi32>], vector<16xf32>,
      %add3A_144 = arith.addi %shift_left3A_34, %and3A_140 : vector<16xi32>
      %gather3A_145 = tpu.vector_load_idx %arg13[%shift_right_arithmetic3A_28, %add3A_144] : memref<256x128xf32, #tpu.memory_space<vmem>>[vector<16xi32>, vector<16xi32>], vector<16xf32>,
      %mul3A_146 = arith.mulf %gather3A_142, %gather3A_145 : vector<16xf32>
      %mul3A_147 = arith.mulf %mul3A_146, %gather3A_143 : vector<16xf32>
      %add3A_148 = arith.addf %add3A_120, %mul3A_147 : vector<16xf32>
      %add3A_149 = arith.constant 8 : i32
      %add3A_150 = vector.broadcast %add3A_149 : i32 to vector<16xi32>
      %add3A_151 = arith.addi %iota3A, %add3A_150 : vector<16xi32>
      %and3A_152 = arith.constant 63 : i32
      %and3A_153 = vector.broadcast %and3A_152 : i32 to vector<16xi32>
      %and3A_154 = arith.andi %add3A_151, %and3A_153 : vector<16xi32>
      %add3A_155 = arith.addi %shift_left3A_24, %and3A_154 : vector<16xi32>
      %gather3A_156 = tpu.vector_load_idx %arg11[%shift_right_arithmetic3A_20, %add3A_155] : memref<256x128xf32, #tpu.memory_space<vmem>>[vector<16xi32>, vector<16xi32>], vector<16xf32>,
      %gather3A_157 = tpu.vector_load_idx %arg12[%shift_right_arithmetic3A_20, %add3A_155] : memref<256x128xf32, #tpu.memory_space<vmem>>[vector<16xi32>, vector<16xi32>], vector<16xf32>,
      %add3A_158 = arith.addi %shift_left3A_34, %and3A_154 : vector<16xi32>
      %gather3A_159 = tpu.vector_load_idx %arg13[%shift_right_arithmetic3A_28, %add3A_158] : memref<256x128xf32, #tpu.memory_space<vmem>>[vector<16xi32>, vector<16xi32>], vector<16xf32>,
      %mul3A_160 = arith.mulf %gather3A_156, %gather3A_159 : vector<16xf32>
      %mul3A_161 = arith.mulf %mul3A_160, %gather3A_157 : vector<16xf32>
      %add3A_162 = arith.addf %add3A_134, %mul3A_161 : vector<16xf32>
      %add3A_163 = arith.constant 9 : i32
      %add3A_164 = vector.broadcast %add3A_163 : i32 to vector<16xi32>
      %add3A_165 = arith.addi %iota3A, %add3A_164 : vector<16xi32>
      %and3A_166 = arith.constant 63 : i32
      %and3A_167 = vector.broadcast %and3A_166 : i32 to vector<16xi32>
      %and3A_168 = arith.andi %add3A_165, %and3A_167 : vector<16xi32>
      %add3A_169 = arith.addi %shift_left3A_24, %and3A_168 : vector<16xi32>
      %gather3A_170 = tpu.vector_load_idx %arg11[%shift_right_arithmetic3A_20, %add3A_169] : memref<256x128xf32, #tpu.memory_space<vmem>>[vector<16xi32>, vector<16xi32>], vector<16xf32>,
      %gather3A_171 = tpu.vector_load_idx %arg12[%shift_right_arithmetic3A_20, %add3A_169] : memref<256x128xf32, #tpu.memory_space<vmem>>[vector<16xi32>, vector<16xi32>], vector<16xf32>,
      %add3A_172 = arith.addi %shift_left3A_34, %and3A_168 : vector<16xi32>
      %gather3A_173 = tpu.vector_load_idx %arg13[%shift_right_arithmetic3A_28, %add3A_172] : memref<256x128xf32, #tpu.memory_space<vmem>>[vector<16xi32>, vector<16xi32>], vector<16xf32>,
      %mul3A_174 = arith.mulf %gather3A_170, %gather3A_173 : vector<16xf32>
      %mul3A_175 = arith.mulf %mul3A_174, %gather3A_171 : vector<16xf32>
      %add3A_176 = arith.addf %add3A_148, %mul3A_175 : vector<16xf32>
      %add3A_177 = arith.constant 10 : i32
      %add3A_178 = vector.broadcast %add3A_177 : i32 to vector<16xi32>
      %add3A_179 = arith.addi %iota3A, %add3A_178 : vector<16xi32>
      %and3A_180 = arith.constant 63 : i32
      %and3A_181 = vector.broadcast %and3A_180 : i32 to vector<16xi32>
      %and3A_182 = arith.andi %add3A_179, %and3A_181 : vector<16xi32>
      %add3A_183 = arith.addi %shift_left3A_24, %and3A_182 : vector<16xi32>
      %gather3A_184 = tpu.vector_load_idx %arg11[%shift_right_arithmetic3A_20, %add3A_183] : memref<256x128xf32, #tpu.memory_space<vmem>>[vector<16xi32>, vector<16xi32>], vector<16xf32>,
      %gather3A_185 = tpu.vector_load_idx %arg12[%shift_right_arithmetic3A_20, %add3A_183] : memref<256x128xf32, #tpu.memory_space<vmem>>[vector<16xi32>, vector<16xi32>], vector<16xf32>,
      %add3A_186 = arith.addi %shift_left3A_34, %and3A_182 : vector<16xi32>
      %gather3A_187 = tpu.vector_load_idx %arg13[%shift_right_arithmetic3A_28, %add3A_186] : memref<256x128xf32, #tpu.memory_space<vmem>>[vector<16xi32>, vector<16xi32>], vector<16xf32>,
      %mul3A_188 = arith.mulf %gather3A_184, %gather3A_187 : vector<16xf32>
      %mul3A_189 = arith.mulf %mul3A_188, %gather3A_185 : vector<16xf32>
      %add3A_190 = arith.addf %add3A_162, %mul3A_189 : vector<16xf32>
      %add3A_191 = arith.constant 11 : i32
      %add3A_192 = vector.broadcast %add3A_191 : i32 to vector<16xi32>
      %add3A_193 = arith.addi %iota3A, %add3A_192 : vector<16xi32>
      %and3A_194 = arith.constant 63 : i32
      %and3A_195 = vector.broadcast %and3A_194 : i32 to vector<16xi32>
      %and3A_196 = arith.andi %add3A_193, %and3A_195 : vector<16xi32>
      %add3A_197 = arith.addi %shift_left3A_24, %and3A_196 : vector<16xi32>
      %gather3A_198 = tpu.vector_load_idx %arg11[%shift_right_arithmetic3A_20, %add3A_197] : memref<256x128xf32, #tpu.memory_space<vmem>>[vector<16xi32>, vector<16xi32>], vector<16xf32>,
      %gather3A_199 = tpu.vector_load_idx %arg12[%shift_right_arithmetic3A_20, %add3A_197] : memref<256x128xf32, #tpu.memory_space<vmem>>[vector<16xi32>, vector<16xi32>], vector<16xf32>,
      %add3A_200 = arith.addi %shift_left3A_34, %and3A_196 : vector<16xi32>
      %gather3A_201 = tpu.vector_load_idx %arg13[%shift_right_arithmetic3A_28, %add3A_200] : memref<256x128xf32, #tpu.memory_space<vmem>>[vector<16xi32>, vector<16xi32>], vector<16xf32>,
      %mul3A_202 = arith.mulf %gather3A_198, %gather3A_201 : vector<16xf32>
      %mul3A_203 = arith.mulf %mul3A_202, %gather3A_199 : vector<16xf32>
      %add3A_204 = arith.addf %add3A_176, %mul3A_203 : vector<16xf32>
      %add3A_205 = arith.constant 12 : i32
      %add3A_206 = vector.broadcast %add3A_205 : i32 to vector<16xi32>
      %add3A_207 = arith.addi %iota3A, %add3A_206 : vector<16xi32>
      %and3A_208 = arith.constant 63 : i32
      %and3A_209 = vector.broadcast %and3A_208 : i32 to vector<16xi32>
      %and3A_210 = arith.andi %add3A_207, %and3A_209 : vector<16xi32>
      %add3A_211 = arith.addi %shift_left3A_24, %and3A_210 : vector<16xi32>
      %gather3A_212 = tpu.vector_load_idx %arg11[%shift_right_arithmetic3A_20, %add3A_211] : memref<256x128xf32, #tpu.memory_space<vmem>>[vector<16xi32>, vector<16xi32>], vector<16xf32>,
      %gather3A_213 = tpu.vector_load_idx %arg12[%shift_right_arithmetic3A_20, %add3A_211] : memref<256x128xf32, #tpu.memory_space<vmem>>[vector<16xi32>, vector<16xi32>], vector<16xf32>,
      %add3A_214 = arith.addi %shift_left3A_34, %and3A_210 : vector<16xi32>
      %gather3A_215 = tpu.vector_load_idx %arg13[%shift_right_arithmetic3A_28, %add3A_214] : memref<256x128xf32, #tpu.memory_space<vmem>>[vector<16xi32>, vector<16xi32>], vector<16xf32>,
      %mul3A_216 = arith.mulf %gather3A_212, %gather3A_215 : vector<16xf32>
      %mul3A_217 = arith.mulf %mul3A_216, %gather3A_213 : vector<16xf32>
      %add3A_218 = arith.addf %add3A_190, %mul3A_217 : vector<16xf32>
      %add3A_219 = arith.constant 13 : i32
      %add3A_220 = vector.broadcast %add3A_219 : i32 to vector<16xi32>
      %add3A_221 = arith.addi %iota3A, %add3A_220 : vector<16xi32>
      %and3A_222 = arith.constant 63 : i32
      %and3A_223 = vector.broadcast %and3A_222 : i32 to vector<16xi32>
      %and3A_224 = arith.andi %add3A_221, %and3A_223 : vector<16xi32>
      %add3A_225 = arith.addi %shift_left3A_24, %and3A_224 : vector<16xi32>
      %gather3A_226 = tpu.vector_load_idx %arg11[%shift_right_arithmetic3A_20, %add3A_225] : memref<256x128xf32, #tpu.memory_space<vmem>>[vector<16xi32>, vector<16xi32>], vector<16xf32>,
      %gather3A_227 = tpu.vector_load_idx %arg12[%shift_right_arithmetic3A_20, %add3A_225] : memref<256x128xf32, #tpu.memory_space<vmem>>[vector<16xi32>, vector<16xi32>], vector<16xf32>,
      %add3A_228 = arith.addi %shift_left3A_34, %and3A_224 : vector<16xi32>
      %gather3A_229 = tpu.vector_load_idx %arg13[%shift_right_arithmetic3A_28, %add3A_228] : memref<256x128xf32, #tpu.memory_space<vmem>>[vector<16xi32>, vector<16xi32>], vector<16xf32>,
      %mul3A_230 = arith.mulf %gather3A_226, %gather3A_229 : vector<16xf32>
      %mul3A_231 = arith.mulf %mul3A_230, %gather3A_227 : vector<16xf32>
      %add3A_232 = arith.addf %add3A_204, %mul3A_231 : vector<16xf32>
      %add3A_233 = arith.constant 14 : i32
      %add3A_234 = vector.broadcast %add3A_233 : i32 to vector<16xi32>
      %add3A_235 = arith.addi %iota3A, %add3A_234 : vector<16xi32>
      %and3A_236 = arith.constant 63 : i32
      %and3A_237 = vector.broadcast %and3A_236 : i32 to vector<16xi32>
      %and3A_238 = arith.andi %add3A_235, %and3A_237 : vector<16xi32>
      %add3A_239 = arith.addi %shift_left3A_24, %and3A_238 : vector<16xi32>
      %gather3A_240 = tpu.vector_load_idx %arg11[%shift_right_arithmetic3A_20, %add3A_239] : memref<256x128xf32, #tpu.memory_space<vmem>>[vector<16xi32>, vector<16xi32>], vector<16xf32>,
      %gather3A_241 = tpu.vector_load_idx %arg12[%shift_right_arithmetic3A_20, %add3A_239] : memref<256x128xf32, #tpu.memory_space<vmem>>[vector<16xi32>, vector<16xi32>], vector<16xf32>,
      %add3A_242 = arith.addi %shift_left3A_34, %and3A_238 : vector<16xi32>
      %gather3A_243 = tpu.vector_load_idx %arg13[%shift_right_arithmetic3A_28, %add3A_242] : memref<256x128xf32, #tpu.memory_space<vmem>>[vector<16xi32>, vector<16xi32>], vector<16xf32>,
      %mul3A_244 = arith.mulf %gather3A_240, %gather3A_243 : vector<16xf32>
      %mul3A_245 = arith.mulf %mul3A_244, %gather3A_241 : vector<16xf32>
      %add3A_246 = arith.addf %add3A_218, %mul3A_245 : vector<16xf32>
      %add3A_247 = arith.constant 15 : i32
      %add3A_248 = vector.broadcast %add3A_247 : i32 to vector<16xi32>
      %add3A_249 = arith.addi %iota3A, %add3A_248 : vector<16xi32>
      %and3A_250 = arith.constant 63 : i32
      %and3A_251 = vector.broadcast %and3A_250 : i32 to vector<16xi32>
      %and3A_252 = arith.andi %add3A_249, %and3A_251 : vector<16xi32>
      %add3A_253 = arith.addi %shift_left3A_24, %and3A_252 : vector<16xi32>
      %gather3A_254 = tpu.vector_load_idx %arg11[%shift_right_arithmetic3A_20, %add3A_253] : memref<256x128xf32, #tpu.memory_space<vmem>>[vector<16xi32>, vector<16xi32>], vector<16xf32>,
      %gather3A_255 = tpu.vector_load_idx %arg12[%shift_right_arithmetic3A_20, %add3A_253] : memref<256x128xf32, #tpu.memory_space<vmem>>[vector<16xi32>, vector<16xi32>], vector<16xf32>,
      %add3A_256 = arith.addi %shift_left3A_34, %and3A_252 : vector<16xi32>
      %gather3A_257 = tpu.vector_load_idx %arg13[%shift_right_arithmetic3A_28, %add3A_256] : memref<256x128xf32, #tpu.memory_space<vmem>>[vector<16xi32>, vector<16xi32>], vector<16xf32>,
      %mul3A_258 = arith.mulf %gather3A_254, %gather3A_257 : vector<16xf32>
      %mul3A_259 = arith.mulf %mul3A_258, %gather3A_255 : vector<16xf32>
      %add3A_260 = arith.addf %add3A_232, %mul3A_259 : vector<16xf32>
      %add3A_261 = arith.constant 16 : i32
      %add3A_262 = vector.broadcast %add3A_261 : i32 to vector<16xi32>
      %add3A_263 = arith.addi %iota3A, %add3A_262 : vector<16xi32>
      %and3A_264 = arith.constant 63 : i32
      %and3A_265 = vector.broadcast %and3A_264 : i32 to vector<16xi32>
      %and3A_266 = arith.andi %add3A_263, %and3A_265 : vector<16xi32>
      %add3A_267 = arith.addi %shift_left3A_24, %and3A_266 : vector<16xi32>
      %gather3A_268 = tpu.vector_load_idx %arg11[%shift_right_arithmetic3A_20, %add3A_267] : memref<256x128xf32, #tpu.memory_space<vmem>>[vector<16xi32>, vector<16xi32>], vector<16xf32>,
      %gather3A_269 = tpu.vector_load_idx %arg12[%shift_right_arithmetic3A_20, %add3A_267] : memref<256x128xf32, #tpu.memory_space<vmem>>[vector<16xi32>, vector<16xi32>], vector<16xf32>,
      %add3A_270 = arith.addi %shift_left3A_34, %and3A_266 : vector<16xi32>
      %gather3A_271 = tpu.vector_load_idx %arg13[%shift_right_arithmetic3A_28, %add3A_270] : memref<256x128xf32, #tpu.memory_space<vmem>>[vector<16xi32>, vector<16xi32>], vector<16xf32>,
      %mul3A_272 = arith.mulf %gather3A_268, %gather3A_271 : vector<16xf32>
      %mul3A_273 = arith.mulf %mul3A_272, %gather3A_269 : vector<16xf32>
      %add3A_274 = arith.addf %add3A_246, %mul3A_273 : vector<16xf32>
      %add3A_275 = arith.constant 17 : i32
      %add3A_276 = vector.broadcast %add3A_275 : i32 to vector<16xi32>
      %add3A_277 = arith.addi %iota3A, %add3A_276 : vector<16xi32>
      %and3A_278 = arith.constant 63 : i32
      %and3A_279 = vector.broadcast %and3A_278 : i32 to vector<16xi32>
      %and3A_280 = arith.andi %add3A_277, %and3A_279 : vector<16xi32>
      %add3A_281 = arith.addi %shift_left3A_24, %and3A_280 : vector<16xi32>
      %gather3A_282 = tpu.vector_load_idx %arg11[%shift_right_arithmetic3A_20, %add3A_281] : memref<256x128xf32, #tpu.memory_space<vmem>>[vector<16xi32>, vector<16xi32>], vector<16xf32>,
      %gather3A_283 = tpu.vector_load_idx %arg12[%shift_right_arithmetic3A_20, %add3A_281] : memref<256x128xf32, #tpu.memory_space<vmem>>[vector<16xi32>, vector<16xi32>], vector<16xf32>,
      %add3A_284 = arith.addi %shift_left3A_34, %and3A_280 : vector<16xi32>
      %gather3A_285 = tpu.vector_load_idx %arg13[%shift_right_arithmetic3A_28, %add3A_284] : memref<256x128xf32, #tpu.memory_space<vmem>>[vector<16xi32>, vector<16xi32>], vector<16xf32>,
      %mul3A_286 = arith.mulf %gather3A_282, %gather3A_285 : vector<16xf32>
      %mul3A_287 = arith.mulf %mul3A_286, %gather3A_283 : vector<16xf32>
      %add3A_288 = arith.addf %add3A_260, %mul3A_287 : vector<16xf32>
      %add3A_289 = arith.constant 18 : i32
      %add3A_290 = vector.broadcast %add3A_289 : i32 to vector<16xi32>
      %add3A_291 = arith.addi %iota3A, %add3A_290 : vector<16xi32>
      %and3A_292 = arith.constant 63 : i32
      %and3A_293 = vector.broadcast %and3A_292 : i32 to vector<16xi32>
      %and3A_294 = arith.andi %add3A_291, %and3A_293 : vector<16xi32>
      %add3A_295 = arith.addi %shift_left3A_24, %and3A_294 : vector<16xi32>
      %gather3A_296 = tpu.vector_load_idx %arg11[%shift_right_arithmetic3A_20, %add3A_295] : memref<256x128xf32, #tpu.memory_space<vmem>>[vector<16xi32>, vector<16xi32>], vector<16xf32>,
      %gather3A_297 = tpu.vector_load_idx %arg12[%shift_right_arithmetic3A_20, %add3A_295] : memref<256x128xf32, #tpu.memory_space<vmem>>[vector<16xi32>, vector<16xi32>], vector<16xf32>,
      %add3A_298 = arith.addi %shift_left3A_34, %and3A_294 : vector<16xi32>
      %gather3A_299 = tpu.vector_load_idx %arg13[%shift_right_arithmetic3A_28, %add3A_298] : memref<256x128xf32, #tpu.memory_space<vmem>>[vector<16xi32>, vector<16xi32>], vector<16xf32>,
      %mul3A_300 = arith.mulf %gather3A_296, %gather3A_299 : vector<16xf32>
      %mul3A_301 = arith.mulf %mul3A_300, %gather3A_297 : vector<16xf32>
      %add3A_302 = arith.addf %add3A_274, %mul3A_301 : vector<16xf32>
      %add3A_303 = arith.constant 19 : i32
      %add3A_304 = vector.broadcast %add3A_303 : i32 to vector<16xi32>
      %add3A_305 = arith.addi %iota3A, %add3A_304 : vector<16xi32>
      %and3A_306 = arith.constant 63 : i32
      %and3A_307 = vector.broadcast %and3A_306 : i32 to vector<16xi32>
      %and3A_308 = arith.andi %add3A_305, %and3A_307 : vector<16xi32>
      %add3A_309 = arith.addi %shift_left3A_24, %and3A_308 : vector<16xi32>
      %gather3A_310 = tpu.vector_load_idx %arg11[%shift_right_arithmetic3A_20, %add3A_309] : memref<256x128xf32, #tpu.memory_space<vmem>>[vector<16xi32>, vector<16xi32>], vector<16xf32>,
      %gather3A_311 = tpu.vector_load_idx %arg12[%shift_right_arithmetic3A_20, %add3A_309] : memref<256x128xf32, #tpu.memory_space<vmem>>[vector<16xi32>, vector<16xi32>], vector<16xf32>,
      %add3A_312 = arith.addi %shift_left3A_34, %and3A_308 : vector<16xi32>
      %gather3A_313 = tpu.vector_load_idx %arg13[%shift_right_arithmetic3A_28, %add3A_312] : memref<256x128xf32, #tpu.memory_space<vmem>>[vector<16xi32>, vector<16xi32>], vector<16xf32>,
      %mul3A_314 = arith.mulf %gather3A_310, %gather3A_313 : vector<16xf32>
      %mul3A_315 = arith.mulf %mul3A_314, %gather3A_311 : vector<16xf32>
      %add3A_316 = arith.addf %add3A_288, %mul3A_315 : vector<16xf32>
      %add3A_317 = arith.constant 20 : i32
      %add3A_318 = vector.broadcast %add3A_317 : i32 to vector<16xi32>
      %add3A_319 = arith.addi %iota3A, %add3A_318 : vector<16xi32>
      %and3A_320 = arith.constant 63 : i32
      %and3A_321 = vector.broadcast %and3A_320 : i32 to vector<16xi32>
      %and3A_322 = arith.andi %add3A_319, %and3A_321 : vector<16xi32>
      %add3A_323 = arith.addi %shift_left3A_24, %and3A_322 : vector<16xi32>
      %gather3A_324 = tpu.vector_load_idx %arg11[%shift_right_arithmetic3A_20, %add3A_323] : memref<256x128xf32, #tpu.memory_space<vmem>>[vector<16xi32>, vector<16xi32>], vector<16xf32>,
      %gather3A_325 = tpu.vector_load_idx %arg12[%shift_right_arithmetic3A_20, %add3A_323] : memref<256x128xf32, #tpu.memory_space<vmem>>[vector<16xi32>, vector<16xi32>], vector<16xf32>,
      %add3A_326 = arith.addi %shift_left3A_34, %and3A_322 : vector<16xi32>
      %gather3A_327 = tpu.vector_load_idx %arg13[%shift_right_arithmetic3A_28, %add3A_326] : memref<256x128xf32, #tpu.memory_space<vmem>>[vector<16xi32>, vector<16xi32>], vector<16xf32>,
      %mul3A_328 = arith.mulf %gather3A_324, %gather3A_327 : vector<16xf32>
      %mul3A_329 = arith.mulf %mul3A_328, %gather3A_325 : vector<16xf32>
      %add3A_330 = arith.addf %add3A_302, %mul3A_329 : vector<16xf32>
      %add3A_331 = arith.constant 21 : i32
      %add3A_332 = vector.broadcast %add3A_331 : i32 to vector<16xi32>
      %add3A_333 = arith.addi %iota3A, %add3A_332 : vector<16xi32>
      %and3A_334 = arith.constant 63 : i32
      %and3A_335 = vector.broadcast %and3A_334 : i32 to vector<16xi32>
      %and3A_336 = arith.andi %add3A_333, %and3A_335 : vector<16xi32>
      %add3A_337 = arith.addi %shift_left3A_24, %and3A_336 : vector<16xi32>
      %gather3A_338 = tpu.vector_load_idx %arg11[%shift_right_arithmetic3A_20, %add3A_337] : memref<256x128xf32, #tpu.memory_space<vmem>>[vector<16xi32>, vector<16xi32>], vector<16xf32>,
      %gather3A_339 = tpu.vector_load_idx %arg12[%shift_right_arithmetic3A_20, %add3A_337] : memref<256x128xf32, #tpu.memory_space<vmem>>[vector<16xi32>, vector<16xi32>], vector<16xf32>,
      %add3A_340 = arith.addi %shift_left3A_34, %and3A_336 : vector<16xi32>
      %gather3A_341 = tpu.vector_load_idx %arg13[%shift_right_arithmetic3A_28, %add3A_340] : memref<256x128xf32, #tpu.memory_space<vmem>>[vector<16xi32>, vector<16xi32>], vector<16xf32>,
      %mul3A_342 = arith.mulf %gather3A_338, %gather3A_341 : vector<16xf32>
      %mul3A_343 = arith.mulf %mul3A_342, %gather3A_339 : vector<16xf32>
      %add3A_344 = arith.addf %add3A_316, %mul3A_343 : vector<16xf32>
      %add3A_345 = arith.constant 22 : i32
      %add3A_346 = vector.broadcast %add3A_345 : i32 to vector<16xi32>
      %add3A_347 = arith.addi %iota3A, %add3A_346 : vector<16xi32>
      %and3A_348 = arith.constant 63 : i32
      %and3A_349 = vector.broadcast %and3A_348 : i32 to vector<16xi32>
      %and3A_350 = arith.andi %add3A_347, %and3A_349 : vector<16xi32>
      %add3A_351 = arith.addi %shift_left3A_24, %and3A_350 : vector<16xi32>
      %gather3A_352 = tpu.vector_load_idx %arg11[%shift_right_arithmetic3A_20, %add3A_351] : memref<256x128xf32, #tpu.memory_space<vmem>>[vector<16xi32>, vector<16xi32>], vector<16xf32>,
      %gather3A_353 = tpu.vector_load_idx %arg12[%shift_right_arithmetic3A_20, %add3A_351] : memref<256x128xf32, #tpu.memory_space<vmem>>[vector<16xi32>, vector<16xi32>], vector<16xf32>,
      %add3A_354 = arith.addi %shift_left3A_34, %and3A_350 : vector<16xi32>
      %gather3A_355 = tpu.vector_load_idx %arg13[%shift_right_arithmetic3A_28, %add3A_354] : memref<256x128xf32, #tpu.memory_space<vmem>>[vector<16xi32>, vector<16xi32>], vector<16xf32>,
      %mul3A_356 = arith.mulf %gather3A_352, %gather3A_355 : vector<16xf32>
      %mul3A_357 = arith.mulf %mul3A_356, %gather3A_353 : vector<16xf32>
      %add3A_358 = arith.addf %add3A_330, %mul3A_357 : vector<16xf32>
      %add3A_359 = arith.constant 23 : i32
      %add3A_360 = vector.broadcast %add3A_359 : i32 to vector<16xi32>
      %add3A_361 = arith.addi %iota3A, %add3A_360 : vector<16xi32>
      %and3A_362 = arith.constant 63 : i32
      %and3A_363 = vector.broadcast %and3A_362 : i32 to vector<16xi32>
      %and3A_364 = arith.andi %add3A_361, %and3A_363 : vector<16xi32>
      %add3A_365 = arith.addi %shift_left3A_24, %and3A_364 : vector<16xi32>
      %gather3A_366 = tpu.vector_load_idx %arg11[%shift_right_arithmetic3A_20, %add3A_365] : memref<256x128xf32, #tpu.memory_space<vmem>>[vector<16xi32>, vector<16xi32>], vector<16xf32>,
      %gather3A_367 = tpu.vector_load_idx %arg12[%shift_right_arithmetic3A_20, %add3A_365] : memref<256x128xf32, #tpu.memory_space<vmem>>[vector<16xi32>, vector<16xi32>], vector<16xf32>,
      %add3A_368 = arith.addi %shift_left3A_34, %and3A_364 : vector<16xi32>
      %gather3A_369 = tpu.vector_load_idx %arg13[%shift_right_arithmetic3A_28, %add3A_368] : memref<256x128xf32, #tpu.memory_space<vmem>>[vector<16xi32>, vector<16xi32>], vector<16xf32>,
      %mul3A_370 = arith.mulf %gather3A_366, %gather3A_369 : vector<16xf32>
      %mul3A_371 = arith.mulf %mul3A_370, %gather3A_367 : vector<16xf32>
      %add3A_372 = arith.addf %add3A_344, %mul3A_371 : vector<16xf32>
      %add3A_373 = arith.constant 24 : i32
      %add3A_374 = vector.broadcast %add3A_373 : i32 to vector<16xi32>
      %add3A_375 = arith.addi %iota3A, %add3A_374 : vector<16xi32>
      %and3A_376 = arith.constant 63 : i32
      %and3A_377 = vector.broadcast %and3A_376 : i32 to vector<16xi32>
      %and3A_378 = arith.andi %add3A_375, %and3A_377 : vector<16xi32>
      %add3A_379 = arith.addi %shift_left3A_24, %and3A_378 : vector<16xi32>
      %gather3A_380 = tpu.vector_load_idx %arg11[%shift_right_arithmetic3A_20, %add3A_379] : memref<256x128xf32, #tpu.memory_space<vmem>>[vector<16xi32>, vector<16xi32>], vector<16xf32>,
      %gather3A_381 = tpu.vector_load_idx %arg12[%shift_right_arithmetic3A_20, %add3A_379] : memref<256x128xf32, #tpu.memory_space<vmem>>[vector<16xi32>, vector<16xi32>], vector<16xf32>,
      %add3A_382 = arith.addi %shift_left3A_34, %and3A_378 : vector<16xi32>
      %gather3A_383 = tpu.vector_load_idx %arg13[%shift_right_arithmetic3A_28, %add3A_382] : memref<256x128xf32, #tpu.memory_space<vmem>>[vector<16xi32>, vector<16xi32>], vector<16xf32>,
      %mul3A_384 = arith.mulf %gather3A_380, %gather3A_383 : vector<16xf32>
      %mul3A_385 = arith.mulf %mul3A_384, %gather3A_381 : vector<16xf32>
      %add3A_386 = arith.addf %add3A_358, %mul3A_385 : vector<16xf32>
      %add3A_387 = arith.constant 25 : i32
      %add3A_388 = vector.broadcast %add3A_387 : i32 to vector<16xi32>
      %add3A_389 = arith.addi %iota3A, %add3A_388 : vector<16xi32>
      %and3A_390 = arith.constant 63 : i32
      %and3A_391 = vector.broadcast %and3A_390 : i32 to vector<16xi32>
      %and3A_392 = arith.andi %add3A_389, %and3A_391 : vector<16xi32>
      %add3A_393 = arith.addi %shift_left3A_24, %and3A_392 : vector<16xi32>
      %gather3A_394 = tpu.vector_load_idx %arg11[%shift_right_arithmetic3A_20, %add3A_393] : memref<256x128xf32, #tpu.memory_space<vmem>>[vector<16xi32>, vector<16xi32>], vector<16xf32>,
      %gather3A_395 = tpu.vector_load_idx %arg12[%shift_right_arithmetic3A_20, %add3A_393] : memref<256x128xf32, #tpu.memory_space<vmem>>[vector<16xi32>, vector<16xi32>], vector<16xf32>,
      %add3A_396 = arith.addi %shift_left3A_34, %and3A_392 : vector<16xi32>
      %gather3A_397 = tpu.vector_load_idx %arg13[%shift_right_arithmetic3A_28, %add3A_396] : memref<256x128xf32, #tpu.memory_space<vmem>>[vector<16xi32>, vector<16xi32>], vector<16xf32>,
      %mul3A_398 = arith.mulf %gather3A_394, %gather3A_397 : vector<16xf32>
      %mul3A_399 = arith.mulf %mul3A_398, %gather3A_395 : vector<16xf32>
      %add3A_400 = arith.addf %add3A_372, %mul3A_399 : vector<16xf32>
      %add3A_401 = arith.constant 26 : i32
      %add3A_402 = vector.broadcast %add3A_401 : i32 to vector<16xi32>
      %add3A_403 = arith.addi %iota3A, %add3A_402 : vector<16xi32>
      %and3A_404 = arith.constant 63 : i32
      %and3A_405 = vector.broadcast %and3A_404 : i32 to vector<16xi32>
      %and3A_406 = arith.andi %add3A_403, %and3A_405 : vector<16xi32>
      %add3A_407 = arith.addi %shift_left3A_24, %and3A_406 : vector<16xi32>
      %gather3A_408 = tpu.vector_load_idx %arg11[%shift_right_arithmetic3A_20, %add3A_407] : memref<256x128xf32, #tpu.memory_space<vmem>>[vector<16xi32>, vector<16xi32>], vector<16xf32>,
      %gather3A_409 = tpu.vector_load_idx %arg12[%shift_right_arithmetic3A_20, %add3A_407] : memref<256x128xf32, #tpu.memory_space<vmem>>[vector<16xi32>, vector<16xi32>], vector<16xf32>,
      %add3A_410 = arith.addi %shift_left3A_34, %and3A_406 : vector<16xi32>
      %gather3A_411 = tpu.vector_load_idx %arg13[%shift_right_arithmetic3A_28, %add3A_410] : memref<256x128xf32, #tpu.memory_space<vmem>>[vector<16xi32>, vector<16xi32>], vector<16xf32>,
      %mul3A_412 = arith.mulf %gather3A_408, %gather3A_411 : vector<16xf32>
      %mul3A_413 = arith.mulf %mul3A_412, %gather3A_409 : vector<16xf32>
      %add3A_414 = arith.addf %add3A_386, %mul3A_413 : vector<16xf32>
      %add3A_415 = arith.constant 27 : i32
      %add3A_416 = vector.broadcast %add3A_415 : i32 to vector<16xi32>
      %add3A_417 = arith.addi %iota3A, %add3A_416 : vector<16xi32>
      %and3A_418 = arith.constant 63 : i32
      %and3A_419 = vector.broadcast %and3A_418 : i32 to vector<16xi32>
      %and3A_420 = arith.andi %add3A_417, %and3A_419 : vector<16xi32>
      %add3A_421 = arith.addi %shift_left3A_24, %and3A_420 : vector<16xi32>
      %gather3A_422 = tpu.vector_load_idx %arg11[%shift_right_arithmetic3A_20, %add3A_421] : memref<256x128xf32, #tpu.memory_space<vmem>>[vector<16xi32>, vector<16xi32>], vector<16xf32>,
      %gather3A_423 = tpu.vector_load_idx %arg12[%shift_right_arithmetic3A_20, %add3A_421] : memref<256x128xf32, #tpu.memory_space<vmem>>[vector<16xi32>, vector<16xi32>], vector<16xf32>,
      %add3A_424 = arith.addi %shift_left3A_34, %and3A_420 : vector<16xi32>
      %gather3A_425 = tpu.vector_load_idx %arg13[%shift_right_arithmetic3A_28, %add3A_424] : memref<256x128xf32, #tpu.memory_space<vmem>>[vector<16xi32>, vector<16xi32>], vector<16xf32>,
      %mul3A_426 = arith.mulf %gather3A_422, %gather3A_425 : vector<16xf32>
      %mul3A_427 = arith.mulf %mul3A_426, %gather3A_423 : vector<16xf32>
      %add3A_428 = arith.addf %add3A_400, %mul3A_427 : vector<16xf32>
      %add3A_429 = arith.constant 28 : i32
      %add3A_430 = vector.broadcast %add3A_429 : i32 to vector<16xi32>
      %add3A_431 = arith.addi %iota3A, %add3A_430 : vector<16xi32>
      %and3A_432 = arith.constant 63 : i32
      %and3A_433 = vector.broadcast %and3A_432 : i32 to vector<16xi32>
      %and3A_434 = arith.andi %add3A_431, %and3A_433 : vector<16xi32>
      %add3A_435 = arith.addi %shift_left3A_24, %and3A_434 : vector<16xi32>
      %gather3A_436 = tpu.vector_load_idx %arg11[%shift_right_arithmetic3A_20, %add3A_435] : memref<256x128xf32, #tpu.memory_space<vmem>>[vector<16xi32>, vector<16xi32>], vector<16xf32>,
      %gather3A_437 = tpu.vector_load_idx %arg12[%shift_right_arithmetic3A_20, %add3A_435] : memref<256x128xf32, #tpu.memory_space<vmem>>[vector<16xi32>, vector<16xi32>], vector<16xf32>,
      %add3A_438 = arith.addi %shift_left3A_34, %and3A_434 : vector<16xi32>
      %gather3A_439 = tpu.vector_load_idx %arg13[%shift_right_arithmetic3A_28, %add3A_438] : memref<256x128xf32, #tpu.memory_space<vmem>>[vector<16xi32>, vector<16xi32>], vector<16xf32>,
      %mul3A_440 = arith.mulf %gather3A_436, %gather3A_439 : vector<16xf32>
      %mul3A_441 = arith.mulf %mul3A_440, %gather3A_437 : vector<16xf32>
      %add3A_442 = arith.addf %add3A_414, %mul3A_441 : vector<16xf32>
      %add3A_443 = arith.constant 29 : i32
      %add3A_444 = vector.broadcast %add3A_443 : i32 to vector<16xi32>
      %add3A_445 = arith.addi %iota3A, %add3A_444 : vector<16xi32>
      %and3A_446 = arith.constant 63 : i32
      %and3A_447 = vector.broadcast %and3A_446 : i32 to vector<16xi32>
      %and3A_448 = arith.andi %add3A_445, %and3A_447 : vector<16xi32>
      %add3A_449 = arith.addi %shift_left3A_24, %and3A_448 : vector<16xi32>
      %gather3A_450 = tpu.vector_load_idx %arg11[%shift_right_arithmetic3A_20, %add3A_449] : memref<256x128xf32, #tpu.memory_space<vmem>>[vector<16xi32>, vector<16xi32>], vector<16xf32>,
      %gather3A_451 = tpu.vector_load_idx %arg12[%shift_right_arithmetic3A_20, %add3A_449] : memref<256x128xf32, #tpu.memory_space<vmem>>[vector<16xi32>, vector<16xi32>], vector<16xf32>,
      %add3A_452 = arith.addi %shift_left3A_34, %and3A_448 : vector<16xi32>
      %gather3A_453 = tpu.vector_load_idx %arg13[%shift_right_arithmetic3A_28, %add3A_452] : memref<256x128xf32, #tpu.memory_space<vmem>>[vector<16xi32>, vector<16xi32>], vector<16xf32>,
      %mul3A_454 = arith.mulf %gather3A_450, %gather3A_453 : vector<16xf32>
      %mul3A_455 = arith.mulf %mul3A_454, %gather3A_451 : vector<16xf32>
      %add3A_456 = arith.addf %add3A_428, %mul3A_455 : vector<16xf32>
      %add3A_457 = arith.constant 30 : i32
      %add3A_458 = vector.broadcast %add3A_457 : i32 to vector<16xi32>
      %add3A_459 = arith.addi %iota3A, %add3A_458 : vector<16xi32>
      %and3A_460 = arith.constant 63 : i32
      %and3A_461 = vector.broadcast %and3A_460 : i32 to vector<16xi32>
      %and3A_462 = arith.andi %add3A_459, %and3A_461 : vector<16xi32>
      %add3A_463 = arith.addi %shift_left3A_24, %and3A_462 : vector<16xi32>
      %gather3A_464 = tpu.vector_load_idx %arg11[%shift_right_arithmetic3A_20, %add3A_463] : memref<256x128xf32, #tpu.memory_space<vmem>>[vector<16xi32>, vector<16xi32>], vector<16xf32>,
      %gather3A_465 = tpu.vector_load_idx %arg12[%shift_right_arithmetic3A_20, %add3A_463] : memref<256x128xf32, #tpu.memory_space<vmem>>[vector<16xi32>, vector<16xi32>], vector<16xf32>,
      %add3A_466 = arith.addi %shift_left3A_34, %and3A_462 : vector<16xi32>
      %gather3A_467 = tpu.vector_load_idx %arg13[%shift_right_arithmetic3A_28, %add3A_466] : memref<256x128xf32, #tpu.memory_space<vmem>>[vector<16xi32>, vector<16xi32>], vector<16xf32>,
      %mul3A_468 = arith.mulf %gather3A_464, %gather3A_467 : vector<16xf32>
      %mul3A_469 = arith.mulf %mul3A_468, %gather3A_465 : vector<16xf32>
      %add3A_470 = arith.addf %add3A_442, %mul3A_469 : vector<16xf32>
      %add3A_471 = arith.constant 31 : i32
      %add3A_472 = vector.broadcast %add3A_471 : i32 to vector<16xi32>
      %add3A_473 = arith.addi %iota3A, %add3A_472 : vector<16xi32>
      %and3A_474 = arith.constant 63 : i32
      %and3A_475 = vector.broadcast %and3A_474 : i32 to vector<16xi32>
      %and3A_476 = arith.andi %add3A_473, %and3A_475 : vector<16xi32>
      %add3A_477 = arith.addi %shift_left3A_24, %and3A_476 : vector<16xi32>
      %gather3A_478 = tpu.vector_load_idx %arg11[%shift_right_arithmetic3A_20, %add3A_477] : memref<256x128xf32, #tpu.memory_space<vmem>>[vector<16xi32>, vector<16xi32>], vector<16xf32>,
      %gather3A_479 = tpu.vector_load_idx %arg12[%shift_right_arithmetic3A_20, %add3A_477] : memref<256x128xf32, #tpu.memory_space<vmem>>[vector<16xi32>, vector<16xi32>], vector<16xf32>,
      %add3A_480 = arith.addi %shift_left3A_34, %and3A_476 : vector<16xi32>
      %gather3A_481 = tpu.vector_load_idx %arg13[%shift_right_arithmetic3A_28, %add3A_480] : memref<256x128xf32, #tpu.memory_space<vmem>>[vector<16xi32>, vector<16xi32>], vector<16xf32>,
      %mul3A_482 = arith.mulf %gather3A_478, %gather3A_481 : vector<16xf32>
      %mul3A_483 = arith.mulf %mul3A_482, %gather3A_479 : vector<16xf32>
      %add3A_484 = arith.addf %add3A_456, %mul3A_483 : vector<16xf32>
      %add3A_485 = arith.constant 32 : i32
      %add3A_486 = vector.broadcast %add3A_485 : i32 to vector<16xi32>
      %add3A_487 = arith.addi %iota3A, %add3A_486 : vector<16xi32>
      %and3A_488 = arith.constant 63 : i32
      %and3A_489 = vector.broadcast %and3A_488 : i32 to vector<16xi32>
      %and3A_490 = arith.andi %add3A_487, %and3A_489 : vector<16xi32>
      %add3A_491 = arith.addi %shift_left3A_24, %and3A_490 : vector<16xi32>
      %gather3A_492 = tpu.vector_load_idx %arg11[%shift_right_arithmetic3A_20, %add3A_491] : memref<256x128xf32, #tpu.memory_space<vmem>>[vector<16xi32>, vector<16xi32>], vector<16xf32>,
      %gather3A_493 = tpu.vector_load_idx %arg12[%shift_right_arithmetic3A_20, %add3A_491] : memref<256x128xf32, #tpu.memory_space<vmem>>[vector<16xi32>, vector<16xi32>], vector<16xf32>,
      %add3A_494 = arith.addi %shift_left3A_34, %and3A_490 : vector<16xi32>
      %gather3A_495 = tpu.vector_load_idx %arg13[%shift_right_arithmetic3A_28, %add3A_494] : memref<256x128xf32, #tpu.memory_space<vmem>>[vector<16xi32>, vector<16xi32>], vector<16xf32>,
      %mul3A_496 = arith.mulf %gather3A_492, %gather3A_495 : vector<16xf32>
      %mul3A_497 = arith.mulf %mul3A_496, %gather3A_493 : vector<16xf32>
      %add3A_498 = arith.addf %add3A_470, %mul3A_497 : vector<16xf32>
      %add3A_499 = arith.constant 33 : i32
      %add3A_500 = vector.broadcast %add3A_499 : i32 to vector<16xi32>
      %add3A_501 = arith.addi %iota3A, %add3A_500 : vector<16xi32>
      %and3A_502 = arith.constant 63 : i32
      %and3A_503 = vector.broadcast %and3A_502 : i32 to vector<16xi32>
      %and3A_504 = arith.andi %add3A_501, %and3A_503 : vector<16xi32>
      %add3A_505 = arith.addi %shift_left3A_24, %and3A_504 : vector<16xi32>
      %gather3A_506 = tpu.vector_load_idx %arg11[%shift_right_arithmetic3A_20, %add3A_505] : memref<256x128xf32, #tpu.memory_space<vmem>>[vector<16xi32>, vector<16xi32>], vector<16xf32>,
      %gather3A_507 = tpu.vector_load_idx %arg12[%shift_right_arithmetic3A_20, %add3A_505] : memref<256x128xf32, #tpu.memory_space<vmem>>[vector<16xi32>, vector<16xi32>], vector<16xf32>,
      %add3A_508 = arith.addi %shift_left3A_34, %and3A_504 : vector<16xi32>
      %gather3A_509 = tpu.vector_load_idx %arg13[%shift_right_arithmetic3A_28, %add3A_508] : memref<256x128xf32, #tpu.memory_space<vmem>>[vector<16xi32>, vector<16xi32>], vector<16xf32>,
      %mul3A_510 = arith.mulf %gather3A_506, %gather3A_509 : vector<16xf32>
      %mul3A_511 = arith.mulf %mul3A_510, %gather3A_507 : vector<16xf32>
      %add3A_512 = arith.addf %add3A_484, %mul3A_511 : vector<16xf32>
      %add3A_513 = arith.constant 34 : i32
      %add3A_514 = vector.broadcast %add3A_513 : i32 to vector<16xi32>
      %add3A_515 = arith.addi %iota3A, %add3A_514 : vector<16xi32>
      %and3A_516 = arith.constant 63 : i32
      %and3A_517 = vector.broadcast %and3A_516 : i32 to vector<16xi32>
      %and3A_518 = arith.andi %add3A_515, %and3A_517 : vector<16xi32>
      %add3A_519 = arith.addi %shift_left3A_24, %and3A_518 : vector<16xi32>
      %gather3A_520 = tpu.vector_load_idx %arg11[%shift_right_arithmetic3A_20, %add3A_519] : memref<256x128xf32, #tpu.memory_space<vmem>>[vector<16xi32>, vector<16xi32>], vector<16xf32>,
      %gather3A_521 = tpu.vector_load_idx %arg12[%shift_right_arithmetic3A_20, %add3A_519] : memref<256x128xf32, #tpu.memory_space<vmem>>[vector<16xi32>, vector<16xi32>], vector<16xf32>,
      %add3A_522 = arith.addi %shift_left3A_34, %and3A_518 : vector<16xi32>
      %gather3A_523 = tpu.vector_load_idx %arg13[%shift_right_arithmetic3A_28, %add3A_522] : memref<256x128xf32, #tpu.memory_space<vmem>>[vector<16xi32>, vector<16xi32>], vector<16xf32>,
      %mul3A_524 = arith.mulf %gather3A_520, %gather3A_523 : vector<16xf32>
      %mul3A_525 = arith.mulf %mul3A_524, %gather3A_521 : vector<16xf32>
      %add3A_526 = arith.addf %add3A_498, %mul3A_525 : vector<16xf32>
      %add3A_527 = arith.constant 35 : i32
      %add3A_528 = vector.broadcast %add3A_527 : i32 to vector<16xi32>
      %add3A_529 = arith.addi %iota3A, %add3A_528 : vector<16xi32>
      %and3A_530 = arith.constant 63 : i32
      %and3A_531 = vector.broadcast %and3A_530 : i32 to vector<16xi32>
      %and3A_532 = arith.andi %add3A_529, %and3A_531 : vector<16xi32>
      %add3A_533 = arith.addi %shift_left3A_24, %and3A_532 : vector<16xi32>
      %gather3A_534 = tpu.vector_load_idx %arg11[%shift_right_arithmetic3A_20, %add3A_533] : memref<256x128xf32, #tpu.memory_space<vmem>>[vector<16xi32>, vector<16xi32>], vector<16xf32>,
      %gather3A_535 = tpu.vector_load_idx %arg12[%shift_right_arithmetic3A_20, %add3A_533] : memref<256x128xf32, #tpu.memory_space<vmem>>[vector<16xi32>, vector<16xi32>], vector<16xf32>,
      %add3A_536 = arith.addi %shift_left3A_34, %and3A_532 : vector<16xi32>
      %gather3A_537 = tpu.vector_load_idx %arg13[%shift_right_arithmetic3A_28, %add3A_536] : memref<256x128xf32, #tpu.memory_space<vmem>>[vector<16xi32>, vector<16xi32>], vector<16xf32>,
      %mul3A_538 = arith.mulf %gather3A_534, %gather3A_537 : vector<16xf32>
      %mul3A_539 = arith.mulf %mul3A_538, %gather3A_535 : vector<16xf32>
      %add3A_540 = arith.addf %add3A_512, %mul3A_539 : vector<16xf32>
      %add3A_541 = arith.constant 36 : i32
      %add3A_542 = vector.broadcast %add3A_541 : i32 to vector<16xi32>
      %add3A_543 = arith.addi %iota3A, %add3A_542 : vector<16xi32>
      %and3A_544 = arith.constant 63 : i32
      %and3A_545 = vector.broadcast %and3A_544 : i32 to vector<16xi32>
      %and3A_546 = arith.andi %add3A_543, %and3A_545 : vector<16xi32>
      %add3A_547 = arith.addi %shift_left3A_24, %and3A_546 : vector<16xi32>
      %gather3A_548 = tpu.vector_load_idx %arg11[%shift_right_arithmetic3A_20, %add3A_547] : memref<256x128xf32, #tpu.memory_space<vmem>>[vector<16xi32>, vector<16xi32>], vector<16xf32>,
      %gather3A_549 = tpu.vector_load_idx %arg12[%shift_right_arithmetic3A_20, %add3A_547] : memref<256x128xf32, #tpu.memory_space<vmem>>[vector<16xi32>, vector<16xi32>], vector<16xf32>,
      %add3A_550 = arith.addi %shift_left3A_34, %and3A_546 : vector<16xi32>
      %gather3A_551 = tpu.vector_load_idx %arg13[%shift_right_arithmetic3A_28, %add3A_550] : memref<256x128xf32, #tpu.memory_space<vmem>>[vector<16xi32>, vector<16xi32>], vector<16xf32>,
      %mul3A_552 = arith.mulf %gather3A_548, %gather3A_551 : vector<16xf32>
      %mul3A_553 = arith.mulf %mul3A_552, %gather3A_549 : vector<16xf32>
      %add3A_554 = arith.addf %add3A_526, %mul3A_553 : vector<16xf32>
      %add3A_555 = arith.constant 37 : i32
      %add3A_556 = vector.broadcast %add3A_555 : i32 to vector<16xi32>
      %add3A_557 = arith.addi %iota3A, %add3A_556 : vector<16xi32>
      %and3A_558 = arith.constant 63 : i32
      %and3A_559 = vector.broadcast %and3A_558 : i32 to vector<16xi32>
      %and3A_560 = arith.andi %add3A_557, %and3A_559 : vector<16xi32>
      %add3A_561 = arith.addi %shift_left3A_24, %and3A_560 : vector<16xi32>
      %gather3A_562 = tpu.vector_load_idx %arg11[%shift_right_arithmetic3A_20, %add3A_561] : memref<256x128xf32, #tpu.memory_space<vmem>>[vector<16xi32>, vector<16xi32>], vector<16xf32>,
      %gather3A_563 = tpu.vector_load_idx %arg12[%shift_right_arithmetic3A_20, %add3A_561] : memref<256x128xf32, #tpu.memory_space<vmem>>[vector<16xi32>, vector<16xi32>], vector<16xf32>,
      %add3A_564 = arith.addi %shift_left3A_34, %and3A_560 : vector<16xi32>
      %gather3A_565 = tpu.vector_load_idx %arg13[%shift_right_arithmetic3A_28, %add3A_564] : memref<256x128xf32, #tpu.memory_space<vmem>>[vector<16xi32>, vector<16xi32>], vector<16xf32>,
      %mul3A_566 = arith.mulf %gather3A_562, %gather3A_565 : vector<16xf32>
      %mul3A_567 = arith.mulf %mul3A_566, %gather3A_563 : vector<16xf32>
      %add3A_568 = arith.addf %add3A_540, %mul3A_567 : vector<16xf32>
      %add3A_569 = arith.constant 38 : i32
      %add3A_570 = vector.broadcast %add3A_569 : i32 to vector<16xi32>
      %add3A_571 = arith.addi %iota3A, %add3A_570 : vector<16xi32>
      %and3A_572 = arith.constant 63 : i32
      %and3A_573 = vector.broadcast %and3A_572 : i32 to vector<16xi32>
      %and3A_574 = arith.andi %add3A_571, %and3A_573 : vector<16xi32>
      %add3A_575 = arith.addi %shift_left3A_24, %and3A_574 : vector<16xi32>
      %gather3A_576 = tpu.vector_load_idx %arg11[%shift_right_arithmetic3A_20, %add3A_575] : memref<256x128xf32, #tpu.memory_space<vmem>>[vector<16xi32>, vector<16xi32>], vector<16xf32>,
      %gather3A_577 = tpu.vector_load_idx %arg12[%shift_right_arithmetic3A_20, %add3A_575] : memref<256x128xf32, #tpu.memory_space<vmem>>[vector<16xi32>, vector<16xi32>], vector<16xf32>,
      %add3A_578 = arith.addi %shift_left3A_34, %and3A_574 : vector<16xi32>
      %gather3A_579 = tpu.vector_load_idx %arg13[%shift_right_arithmetic3A_28, %add3A_578] : memref<256x128xf32, #tpu.memory_space<vmem>>[vector<16xi32>, vector<16xi32>], vector<16xf32>,
      %mul3A_580 = arith.mulf %gather3A_576, %gather3A_579 : vector<16xf32>
      %mul3A_581 = arith.mulf %mul3A_580, %gather3A_577 : vector<16xf32>
      %add3A_582 = arith.addf %add3A_554, %mul3A_581 : vector<16xf32>
      %add3A_583 = arith.constant 39 : i32
      %add3A_584 = vector.broadcast %add3A_583 : i32 to vector<16xi32>
      %add3A_585 = arith.addi %iota3A, %add3A_584 : vector<16xi32>
      %and3A_586 = arith.constant 63 : i32
      %and3A_587 = vector.broadcast %and3A_586 : i32 to vector<16xi32>
      %and3A_588 = arith.andi %add3A_585, %and3A_587 : vector<16xi32>
      %add3A_589 = arith.addi %shift_left3A_24, %and3A_588 : vector<16xi32>
      %gather3A_590 = tpu.vector_load_idx %arg11[%shift_right_arithmetic3A_20, %add3A_589] : memref<256x128xf32, #tpu.memory_space<vmem>>[vector<16xi32>, vector<16xi32>], vector<16xf32>,
      %gather3A_591 = tpu.vector_load_idx %arg12[%shift_right_arithmetic3A_20, %add3A_589] : memref<256x128xf32, #tpu.memory_space<vmem>>[vector<16xi32>, vector<16xi32>], vector<16xf32>,
      %add3A_592 = arith.addi %shift_left3A_34, %and3A_588 : vector<16xi32>
      %gather3A_593 = tpu.vector_load_idx %arg13[%shift_right_arithmetic3A_28, %add3A_592] : memref<256x128xf32, #tpu.memory_space<vmem>>[vector<16xi32>, vector<16xi32>], vector<16xf32>,
      %mul3A_594 = arith.mulf %gather3A_590, %gather3A_593 : vector<16xf32>
      %mul3A_595 = arith.mulf %mul3A_594, %gather3A_591 : vector<16xf32>
      %add3A_596 = arith.addf %add3A_568, %mul3A_595 : vector<16xf32>
      %add3A_597 = arith.constant 40 : i32
      %add3A_598 = vector.broadcast %add3A_597 : i32 to vector<16xi32>
      %add3A_599 = arith.addi %iota3A, %add3A_598 : vector<16xi32>
      %and3A_600 = arith.constant 63 : i32
      %and3A_601 = vector.broadcast %and3A_600 : i32 to vector<16xi32>
      %and3A_602 = arith.andi %add3A_599, %and3A_601 : vector<16xi32>
      %add3A_603 = arith.addi %shift_left3A_24, %and3A_602 : vector<16xi32>
      %gather3A_604 = tpu.vector_load_idx %arg11[%shift_right_arithmetic3A_20, %add3A_603] : memref<256x128xf32, #tpu.memory_space<vmem>>[vector<16xi32>, vector<16xi32>], vector<16xf32>,
      %gather3A_605 = tpu.vector_load_idx %arg12[%shift_right_arithmetic3A_20, %add3A_603] : memref<256x128xf32, #tpu.memory_space<vmem>>[vector<16xi32>, vector<16xi32>], vector<16xf32>,
      %add3A_606 = arith.addi %shift_left3A_34, %and3A_602 : vector<16xi32>
      %gather3A_607 = tpu.vector_load_idx %arg13[%shift_right_arithmetic3A_28, %add3A_606] : memref<256x128xf32, #tpu.memory_space<vmem>>[vector<16xi32>, vector<16xi32>], vector<16xf32>,
      %mul3A_608 = arith.mulf %gather3A_604, %gather3A_607 : vector<16xf32>
      %mul3A_609 = arith.mulf %mul3A_608, %gather3A_605 : vector<16xf32>
      %add3A_610 = arith.addf %add3A_582, %mul3A_609 : vector<16xf32>
      %add3A_611 = arith.constant 41 : i32
      %add3A_612 = vector.broadcast %add3A_611 : i32 to vector<16xi32>
      %add3A_613 = arith.addi %iota3A, %add3A_612 : vector<16xi32>
      %and3A_614 = arith.constant 63 : i32
      %and3A_615 = vector.broadcast %and3A_614 : i32 to vector<16xi32>
      %and3A_616 = arith.andi %add3A_613, %and3A_615 : vector<16xi32>
      %add3A_617 = arith.addi %shift_left3A_24, %and3A_616 : vector<16xi32>
      %gather3A_618 = tpu.vector_load_idx %arg11[%shift_right_arithmetic3A_20, %add3A_617] : memref<256x128xf32, #tpu.memory_space<vmem>>[vector<16xi32>, vector<16xi32>], vector<16xf32>,
      %gather3A_619 = tpu.vector_load_idx %arg12[%shift_right_arithmetic3A_20, %add3A_617] : memref<256x128xf32, #tpu.memory_space<vmem>>[vector<16xi32>, vector<16xi32>], vector<16xf32>,
      %add3A_620 = arith.addi %shift_left3A_34, %and3A_616 : vector<16xi32>
      %gather3A_621 = tpu.vector_load_idx %arg13[%shift_right_arithmetic3A_28, %add3A_620] : memref<256x128xf32, #tpu.memory_space<vmem>>[vector<16xi32>, vector<16xi32>], vector<16xf32>,
      %mul3A_622 = arith.mulf %gather3A_618, %gather3A_621 : vector<16xf32>
      %mul3A_623 = arith.mulf %mul3A_622, %gather3A_619 : vector<16xf32>
      %add3A_624 = arith.addf %add3A_596, %mul3A_623 : vector<16xf32>
      %add3A_625 = arith.constant 42 : i32
      %add3A_626 = vector.broadcast %add3A_625 : i32 to vector<16xi32>
      %add3A_627 = arith.addi %iota3A, %add3A_626 : vector<16xi32>
      %and3A_628 = arith.constant 63 : i32
      %and3A_629 = vector.broadcast %and3A_628 : i32 to vector<16xi32>
      %and3A_630 = arith.andi %add3A_627, %and3A_629 : vector<16xi32>
      %add3A_631 = arith.addi %shift_left3A_24, %and3A_630 : vector<16xi32>
      %gather3A_632 = tpu.vector_load_idx %arg11[%shift_right_arithmetic3A_20, %add3A_631] : memref<256x128xf32, #tpu.memory_space<vmem>>[vector<16xi32>, vector<16xi32>], vector<16xf32>,
      %gather3A_633 = tpu.vector_load_idx %arg12[%shift_right_arithmetic3A_20, %add3A_631] : memref<256x128xf32, #tpu.memory_space<vmem>>[vector<16xi32>, vector<16xi32>], vector<16xf32>,
      %add3A_634 = arith.addi %shift_left3A_34, %and3A_630 : vector<16xi32>
      %gather3A_635 = tpu.vector_load_idx %arg13[%shift_right_arithmetic3A_28, %add3A_634] : memref<256x128xf32, #tpu.memory_space<vmem>>[vector<16xi32>, vector<16xi32>], vector<16xf32>,
      %mul3A_636 = arith.mulf %gather3A_632, %gather3A_635 : vector<16xf32>
      %mul3A_637 = arith.mulf %mul3A_636, %gather3A_633 : vector<16xf32>
      %add3A_638 = arith.addf %add3A_610, %mul3A_637 : vector<16xf32>
      %add3A_639 = arith.constant 43 : i32
      %add3A_640 = vector.broadcast %add3A_639 : i32 to vector<16xi32>
      %add3A_641 = arith.addi %iota3A, %add3A_640 : vector<16xi32>
      %and3A_642 = arith.constant 63 : i32
      %and3A_643 = vector.broadcast %and3A_642 : i32 to vector<16xi32>
      %and3A_644 = arith.andi %add3A_641, %and3A_643 : vector<16xi32>
      %add3A_645 = arith.addi %shift_left3A_24, %and3A_644 : vector<16xi32>
      %gather3A_646 = tpu.vector_load_idx %arg11[%shift_right_arithmetic3A_20, %add3A_645] : memref<256x128xf32, #tpu.memory_space<vmem>>[vector<16xi32>, vector<16xi32>], vector<16xf32>,
      %gather3A_647 = tpu.vector_load_idx %arg12[%shift_right_arithmetic3A_20, %add3A_645] : memref<256x128xf32, #tpu.memory_space<vmem>>[vector<16xi32>, vector<16xi32>], vector<16xf32>,
      %add3A_648 = arith.addi %shift_left3A_34, %and3A_644 : vector<16xi32>
      %gather3A_649 = tpu.vector_load_idx %arg13[%shift_right_arithmetic3A_28, %add3A_648] : memref<256x128xf32, #tpu.memory_space<vmem>>[vector<16xi32>, vector<16xi32>], vector<16xf32>,
      %mul3A_650 = arith.mulf %gather3A_646, %gather3A_649 : vector<16xf32>
      %mul3A_651 = arith.mulf %mul3A_650, %gather3A_647 : vector<16xf32>
      %add3A_652 = arith.addf %add3A_624, %mul3A_651 : vector<16xf32>
      %add3A_653 = arith.constant 44 : i32
      %add3A_654 = vector.broadcast %add3A_653 : i32 to vector<16xi32>
      %add3A_655 = arith.addi %iota3A, %add3A_654 : vector<16xi32>
      %and3A_656 = arith.constant 63 : i32
      %and3A_657 = vector.broadcast %and3A_656 : i32 to vector<16xi32>
      %and3A_658 = arith.andi %add3A_655, %and3A_657 : vector<16xi32>
      %add3A_659 = arith.addi %shift_left3A_24, %and3A_658 : vector<16xi32>
      %gather3A_660 = tpu.vector_load_idx %arg11[%shift_right_arithmetic3A_20, %add3A_659] : memref<256x128xf32, #tpu.memory_space<vmem>>[vector<16xi32>, vector<16xi32>], vector<16xf32>,
      %gather3A_661 = tpu.vector_load_idx %arg12[%shift_right_arithmetic3A_20, %add3A_659] : memref<256x128xf32, #tpu.memory_space<vmem>>[vector<16xi32>, vector<16xi32>], vector<16xf32>,
      %add3A_662 = arith.addi %shift_left3A_34, %and3A_658 : vector<16xi32>
      %gather3A_663 = tpu.vector_load_idx %arg13[%shift_right_arithmetic3A_28, %add3A_662] : memref<256x128xf32, #tpu.memory_space<vmem>>[vector<16xi32>, vector<16xi32>], vector<16xf32>,
      %mul3A_664 = arith.mulf %gather3A_660, %gather3A_663 : vector<16xf32>
      %mul3A_665 = arith.mulf %mul3A_664, %gather3A_661 : vector<16xf32>
      %add3A_666 = arith.addf %add3A_638, %mul3A_665 : vector<16xf32>
      %add3A_667 = arith.constant 45 : i32
      %add3A_668 = vector.broadcast %add3A_667 : i32 to vector<16xi32>
      %add3A_669 = arith.addi %iota3A, %add3A_668 : vector<16xi32>
      %and3A_670 = arith.constant 63 : i32
      %and3A_671 = vector.broadcast %and3A_670 : i32 to vector<16xi32>
      %and3A_672 = arith.andi %add3A_669, %and3A_671 : vector<16xi32>
      %add3A_673 = arith.addi %shift_left3A_24, %and3A_672 : vector<16xi32>
      %gather3A_674 = tpu.vector_load_idx %arg11[%shift_right_arithmetic3A_20, %add3A_673] : memref<256x128xf32, #tpu.memory_space<vmem>>[vector<16xi32>, vector<16xi32>], vector<16xf32>,
      %gather3A_675 = tpu.vector_load_idx %arg12[%shift_right_arithmetic3A_20, %add3A_673] : memref<256x128xf32, #tpu.memory_space<vmem>>[vector<16xi32>, vector<16xi32>], vector<16xf32>,
      %add3A_676 = arith.addi %shift_left3A_34, %and3A_672 : vector<16xi32>
      %gather3A_677 = tpu.vector_load_idx %arg13[%shift_right_arithmetic3A_28, %add3A_676] : memref<256x128xf32, #tpu.memory_space<vmem>>[vector<16xi32>, vector<16xi32>], vector<16xf32>,
      %mul3A_678 = arith.mulf %gather3A_674, %gather3A_677 : vector<16xf32>
      %mul3A_679 = arith.mulf %mul3A_678, %gather3A_675 : vector<16xf32>
      %add3A_680 = arith.addf %add3A_652, %mul3A_679 : vector<16xf32>
      %add3A_681 = arith.constant 46 : i32
      %add3A_682 = vector.broadcast %add3A_681 : i32 to vector<16xi32>
      %add3A_683 = arith.addi %iota3A, %add3A_682 : vector<16xi32>
      %and3A_684 = arith.constant 63 : i32
      %and3A_685 = vector.broadcast %and3A_684 : i32 to vector<16xi32>
      %and3A_686 = arith.andi %add3A_683, %and3A_685 : vector<16xi32>
      %add3A_687 = arith.addi %shift_left3A_24, %and3A_686 : vector<16xi32>
      %gather3A_688 = tpu.vector_load_idx %arg11[%shift_right_arithmetic3A_20, %add3A_687] : memref<256x128xf32, #tpu.memory_space<vmem>>[vector<16xi32>, vector<16xi32>], vector<16xf32>,
      %gather3A_689 = tpu.vector_load_idx %arg12[%shift_right_arithmetic3A_20, %add3A_687] : memref<256x128xf32, #tpu.memory_space<vmem>>[vector<16xi32>, vector<16xi32>], vector<16xf32>,
      %add3A_690 = arith.addi %shift_left3A_34, %and3A_686 : vector<16xi32>
      %gather3A_691 = tpu.vector_load_idx %arg13[%shift_right_arithmetic3A_28, %add3A_690] : memref<256x128xf32, #tpu.memory_space<vmem>>[vector<16xi32>, vector<16xi32>], vector<16xf32>,
      %mul3A_692 = arith.mulf %gather3A_688, %gather3A_691 : vector<16xf32>
      %mul3A_693 = arith.mulf %mul3A_692, %gather3A_689 : vector<16xf32>
      %add3A_694 = arith.addf %add3A_666, %mul3A_693 : vector<16xf32>
      %add3A_695 = arith.constant 47 : i32
      %add3A_696 = vector.broadcast %add3A_695 : i32 to vector<16xi32>
      %add3A_697 = arith.addi %iota3A, %add3A_696 : vector<16xi32>
      %and3A_698 = arith.constant 63 : i32
      %and3A_699 = vector.broadcast %and3A_698 : i32 to vector<16xi32>
      %and3A_700 = arith.andi %add3A_697, %and3A_699 : vector<16xi32>
      %add3A_701 = arith.addi %shift_left3A_24, %and3A_700 : vector<16xi32>
      %gather3A_702 = tpu.vector_load_idx %arg11[%shift_right_arithmetic3A_20, %add3A_701] : memref<256x128xf32, #tpu.memory_space<vmem>>[vector<16xi32>, vector<16xi32>], vector<16xf32>,
      %gather3A_703 = tpu.vector_load_idx %arg12[%shift_right_arithmetic3A_20, %add3A_701] : memref<256x128xf32, #tpu.memory_space<vmem>>[vector<16xi32>, vector<16xi32>], vector<16xf32>,
      %add3A_704 = arith.addi %shift_left3A_34, %and3A_700 : vector<16xi32>
      %gather3A_705 = tpu.vector_load_idx %arg13[%shift_right_arithmetic3A_28, %add3A_704] : memref<256x128xf32, #tpu.memory_space<vmem>>[vector<16xi32>, vector<16xi32>], vector<16xf32>,
      %mul3A_706 = arith.mulf %gather3A_702, %gather3A_705 : vector<16xf32>
      %mul3A_707 = arith.mulf %mul3A_706, %gather3A_703 : vector<16xf32>
      %add3A_708 = arith.addf %add3A_680, %mul3A_707 : vector<16xf32>
      %add3A_709 = arith.constant 48 : i32
      %add3A_710 = vector.broadcast %add3A_709 : i32 to vector<16xi32>
      %add3A_711 = arith.addi %iota3A, %add3A_710 : vector<16xi32>
      %and3A_712 = arith.constant 63 : i32
      %and3A_713 = vector.broadcast %and3A_712 : i32 to vector<16xi32>
      %and3A_714 = arith.andi %add3A_711, %and3A_713 : vector<16xi32>
      %add3A_715 = arith.addi %shift_left3A_24, %and3A_714 : vector<16xi32>
      %gather3A_716 = tpu.vector_load_idx %arg11[%shift_right_arithmetic3A_20, %add3A_715] : memref<256x128xf32, #tpu.memory_space<vmem>>[vector<16xi32>, vector<16xi32>], vector<16xf32>,
      %gather3A_717 = tpu.vector_load_idx %arg12[%shift_right_arithmetic3A_20, %add3A_715] : memref<256x128xf32, #tpu.memory_space<vmem>>[vector<16xi32>, vector<16xi32>], vector<16xf32>,
      %add3A_718 = arith.addi %shift_left3A_34, %and3A_714 : vector<16xi32>
      %gather3A_719 = tpu.vector_load_idx %arg13[%shift_right_arithmetic3A_28, %add3A_718] : memref<256x128xf32, #tpu.memory_space<vmem>>[vector<16xi32>, vector<16xi32>], vector<16xf32>,
      %mul3A_720 = arith.mulf %gather3A_716, %gather3A_719 : vector<16xf32>
      %mul3A_721 = arith.mulf %mul3A_720, %gather3A_717 : vector<16xf32>
      %add3A_722 = arith.addf %add3A_694, %mul3A_721 : vector<16xf32>
      %add3A_723 = arith.constant 49 : i32
      %add3A_724 = vector.broadcast %add3A_723 : i32 to vector<16xi32>
      %add3A_725 = arith.addi %iota3A, %add3A_724 : vector<16xi32>
      %and3A_726 = arith.constant 63 : i32
      %and3A_727 = vector.broadcast %and3A_726 : i32 to vector<16xi32>
      %and3A_728 = arith.andi %add3A_725, %and3A_727 : vector<16xi32>
      %add3A_729 = arith.addi %shift_left3A_24, %and3A_728 : vector<16xi32>
      %gather3A_730 = tpu.vector_load_idx %arg11[%shift_right_arithmetic3A_20, %add3A_729] : memref<256x128xf32, #tpu.memory_space<vmem>>[vector<16xi32>, vector<16xi32>], vector<16xf32>,
      %gather3A_731 = tpu.vector_load_idx %arg12[%shift_right_arithmetic3A_20, %add3A_729] : memref<256x128xf32, #tpu.memory_space<vmem>>[vector<16xi32>, vector<16xi32>], vector<16xf32>,
      %add3A_732 = arith.addi %shift_left3A_34, %and3A_728 : vector<16xi32>
      %gather3A_733 = tpu.vector_load_idx %arg13[%shift_right_arithmetic3A_28, %add3A_732] : memref<256x128xf32, #tpu.memory_space<vmem>>[vector<16xi32>, vector<16xi32>], vector<16xf32>,
      %mul3A_734 = arith.mulf %gather3A_730, %gather3A_733 : vector<16xf32>
      %mul3A_735 = arith.mulf %mul3A_734, %gather3A_731 : vector<16xf32>
      %add3A_736 = arith.addf %add3A_708, %mul3A_735 : vector<16xf32>
      %add3A_737 = arith.constant 50 : i32
      %add3A_738 = vector.broadcast %add3A_737 : i32 to vector<16xi32>
      %add3A_739 = arith.addi %iota3A, %add3A_738 : vector<16xi32>
      %and3A_740 = arith.constant 63 : i32
      %and3A_741 = vector.broadcast %and3A_740 : i32 to vector<16xi32>
      %and3A_742 = arith.andi %add3A_739, %and3A_741 : vector<16xi32>
      %add3A_743 = arith.addi %shift_left3A_24, %and3A_742 : vector<16xi32>
      %gather3A_744 = tpu.vector_load_idx %arg11[%shift_right_arithmetic3A_20, %add3A_743] : memref<256x128xf32, #tpu.memory_space<vmem>>[vector<16xi32>, vector<16xi32>], vector<16xf32>,
      %gather3A_745 = tpu.vector_load_idx %arg12[%shift_right_arithmetic3A_20, %add3A_743] : memref<256x128xf32, #tpu.memory_space<vmem>>[vector<16xi32>, vector<16xi32>], vector<16xf32>,
      %add3A_746 = arith.addi %shift_left3A_34, %and3A_742 : vector<16xi32>
      %gather3A_747 = tpu.vector_load_idx %arg13[%shift_right_arithmetic3A_28, %add3A_746] : memref<256x128xf32, #tpu.memory_space<vmem>>[vector<16xi32>, vector<16xi32>], vector<16xf32>,
      %mul3A_748 = arith.mulf %gather3A_744, %gather3A_747 : vector<16xf32>
      %mul3A_749 = arith.mulf %mul3A_748, %gather3A_745 : vector<16xf32>
      %add3A_750 = arith.addf %add3A_722, %mul3A_749 : vector<16xf32>
      %add3A_751 = arith.constant 51 : i32
      %add3A_752 = vector.broadcast %add3A_751 : i32 to vector<16xi32>
      %add3A_753 = arith.addi %iota3A, %add3A_752 : vector<16xi32>
      %and3A_754 = arith.constant 63 : i32
      %and3A_755 = vector.broadcast %and3A_754 : i32 to vector<16xi32>
      %and3A_756 = arith.andi %add3A_753, %and3A_755 : vector<16xi32>
      %add3A_757 = arith.addi %shift_left3A_24, %and3A_756 : vector<16xi32>
      %gather3A_758 = tpu.vector_load_idx %arg11[%shift_right_arithmetic3A_20, %add3A_757] : memref<256x128xf32, #tpu.memory_space<vmem>>[vector<16xi32>, vector<16xi32>], vector<16xf32>,
      %gather3A_759 = tpu.vector_load_idx %arg12[%shift_right_arithmetic3A_20, %add3A_757] : memref<256x128xf32, #tpu.memory_space<vmem>>[vector<16xi32>, vector<16xi32>], vector<16xf32>,
      %add3A_760 = arith.addi %shift_left3A_34, %and3A_756 : vector<16xi32>
      %gather3A_761 = tpu.vector_load_idx %arg13[%shift_right_arithmetic3A_28, %add3A_760] : memref<256x128xf32, #tpu.memory_space<vmem>>[vector<16xi32>, vector<16xi32>], vector<16xf32>,
      %mul3A_762 = arith.mulf %gather3A_758, %gather3A_761 : vector<16xf32>
      %mul3A_763 = arith.mulf %mul3A_762, %gather3A_759 : vector<16xf32>
      %add3A_764 = arith.addf %add3A_736, %mul3A_763 : vector<16xf32>
      %add3A_765 = arith.constant 52 : i32
      %add3A_766 = vector.broadcast %add3A_765 : i32 to vector<16xi32>
      %add3A_767 = arith.addi %iota3A, %add3A_766 : vector<16xi32>
      %and3A_768 = arith.constant 63 : i32
      %and3A_769 = vector.broadcast %and3A_768 : i32 to vector<16xi32>
      %and3A_770 = arith.andi %add3A_767, %and3A_769 : vector<16xi32>
      %add3A_771 = arith.addi %shift_left3A_24, %and3A_770 : vector<16xi32>
      %gather3A_772 = tpu.vector_load_idx %arg11[%shift_right_arithmetic3A_20, %add3A_771] : memref<256x128xf32, #tpu.memory_space<vmem>>[vector<16xi32>, vector<16xi32>], vector<16xf32>,
      %gather3A_773 = tpu.vector_load_idx %arg12[%shift_right_arithmetic3A_20, %add3A_771] : memref<256x128xf32, #tpu.memory_space<vmem>>[vector<16xi32>, vector<16xi32>], vector<16xf32>,
      %add3A_774 = arith.addi %shift_left3A_34, %and3A_770 : vector<16xi32>
      %gather3A_775 = tpu.vector_load_idx %arg13[%shift_right_arithmetic3A_28, %add3A_774] : memref<256x128xf32, #tpu.memory_space<vmem>>[vector<16xi32>, vector<16xi32>], vector<16xf32>,
      %mul3A_776 = arith.mulf %gather3A_772, %gather3A_775 : vector<16xf32>
      %mul3A_777 = arith.mulf %mul3A_776, %gather3A_773 : vector<16xf32>
      %add3A_778 = arith.addf %add3A_750, %mul3A_777 : vector<16xf32>
      %add3A_779 = arith.constant 53 : i32
      %add3A_780 = vector.broadcast %add3A_779 : i32 to vector<16xi32>
      %add3A_781 = arith.addi %iota3A, %add3A_780 : vector<16xi32>
      %and3A_782 = arith.constant 63 : i32
      %and3A_783 = vector.broadcast %and3A_782 : i32 to vector<16xi32>
      %and3A_784 = arith.andi %add3A_781, %and3A_783 : vector<16xi32>
      %add3A_785 = arith.addi %shift_left3A_24, %and3A_784 : vector<16xi32>
      %gather3A_786 = tpu.vector_load_idx %arg11[%shift_right_arithmetic3A_20, %add3A_785] : memref<256x128xf32, #tpu.memory_space<vmem>>[vector<16xi32>, vector<16xi32>], vector<16xf32>,
      %gather3A_787 = tpu.vector_load_idx %arg12[%shift_right_arithmetic3A_20, %add3A_785] : memref<256x128xf32, #tpu.memory_space<vmem>>[vector<16xi32>, vector<16xi32>], vector<16xf32>,
      %add3A_788 = arith.addi %shift_left3A_34, %and3A_784 : vector<16xi32>
      %gather3A_789 = tpu.vector_load_idx %arg13[%shift_right_arithmetic3A_28, %add3A_788] : memref<256x128xf32, #tpu.memory_space<vmem>>[vector<16xi32>, vector<16xi32>], vector<16xf32>,
      %mul3A_790 = arith.mulf %gather3A_786, %gather3A_789 : vector<16xf32>
      %mul3A_791 = arith.mulf %mul3A_790, %gather3A_787 : vector<16xf32>
      %add3A_792 = arith.addf %add3A_764, %mul3A_791 : vector<16xf32>
      %add3A_793 = arith.constant 54 : i32
      %add3A_794 = vector.broadcast %add3A_793 : i32 to vector<16xi32>
      %add3A_795 = arith.addi %iota3A, %add3A_794 : vector<16xi32>
      %and3A_796 = arith.constant 63 : i32
      %and3A_797 = vector.broadcast %and3A_796 : i32 to vector<16xi32>
      %and3A_798 = arith.andi %add3A_795, %and3A_797 : vector<16xi32>
      %add3A_799 = arith.addi %shift_left3A_24, %and3A_798 : vector<16xi32>
      %gather3A_800 = tpu.vector_load_idx %arg11[%shift_right_arithmetic3A_20, %add3A_799] : memref<256x128xf32, #tpu.memory_space<vmem>>[vector<16xi32>, vector<16xi32>], vector<16xf32>,
      %gather3A_801 = tpu.vector_load_idx %arg12[%shift_right_arithmetic3A_20, %add3A_799] : memref<256x128xf32, #tpu.memory_space<vmem>>[vector<16xi32>, vector<16xi32>], vector<16xf32>,
      %add3A_802 = arith.addi %shift_left3A_34, %and3A_798 : vector<16xi32>
      %gather3A_803 = tpu.vector_load_idx %arg13[%shift_right_arithmetic3A_28, %add3A_802] : memref<256x128xf32, #tpu.memory_space<vmem>>[vector<16xi32>, vector<16xi32>], vector<16xf32>,
      %mul3A_804 = arith.mulf %gather3A_800, %gather3A_803 : vector<16xf32>
      %mul3A_805 = arith.mulf %mul3A_804, %gather3A_801 : vector<16xf32>
      %add3A_806 = arith.addf %add3A_778, %mul3A_805 : vector<16xf32>
      %add3A_807 = arith.constant 55 : i32
      %add3A_808 = vector.broadcast %add3A_807 : i32 to vector<16xi32>
      %add3A_809 = arith.addi %iota3A, %add3A_808 : vector<16xi32>
      %and3A_810 = arith.constant 63 : i32
      %and3A_811 = vector.broadcast %and3A_810 : i32 to vector<16xi32>
      %and3A_812 = arith.andi %add3A_809, %and3A_811 : vector<16xi32>
      %add3A_813 = arith.addi %shift_left3A_24, %and3A_812 : vector<16xi32>
      %gather3A_814 = tpu.vector_load_idx %arg11[%shift_right_arithmetic3A_20, %add3A_813] : memref<256x128xf32, #tpu.memory_space<vmem>>[vector<16xi32>, vector<16xi32>], vector<16xf32>,
      %gather3A_815 = tpu.vector_load_idx %arg12[%shift_right_arithmetic3A_20, %add3A_813] : memref<256x128xf32, #tpu.memory_space<vmem>>[vector<16xi32>, vector<16xi32>], vector<16xf32>,
      %add3A_816 = arith.addi %shift_left3A_34, %and3A_812 : vector<16xi32>
      %gather3A_817 = tpu.vector_load_idx %arg13[%shift_right_arithmetic3A_28, %add3A_816] : memref<256x128xf32, #tpu.memory_space<vmem>>[vector<16xi32>, vector<16xi32>], vector<16xf32>,
      %mul3A_818 = arith.mulf %gather3A_814, %gather3A_817 : vector<16xf32>
      %mul3A_819 = arith.mulf %mul3A_818, %gather3A_815 : vector<16xf32>
      %add3A_820 = arith.addf %add3A_792, %mul3A_819 : vector<16xf32>
      %add3A_821 = arith.constant 56 : i32
      %add3A_822 = vector.broadcast %add3A_821 : i32 to vector<16xi32>
      %add3A_823 = arith.addi %iota3A, %add3A_822 : vector<16xi32>
      %and3A_824 = arith.constant 63 : i32
      %and3A_825 = vector.broadcast %and3A_824 : i32 to vector<16xi32>
      %and3A_826 = arith.andi %add3A_823, %and3A_825 : vector<16xi32>
      %add3A_827 = arith.addi %shift_left3A_24, %and3A_826 : vector<16xi32>
      %gather3A_828 = tpu.vector_load_idx %arg11[%shift_right_arithmetic3A_20, %add3A_827] : memref<256x128xf32, #tpu.memory_space<vmem>>[vector<16xi32>, vector<16xi32>], vector<16xf32>,
      %gather3A_829 = tpu.vector_load_idx %arg12[%shift_right_arithmetic3A_20, %add3A_827] : memref<256x128xf32, #tpu.memory_space<vmem>>[vector<16xi32>, vector<16xi32>], vector<16xf32>,
      %add3A_830 = arith.addi %shift_left3A_34, %and3A_826 : vector<16xi32>
      %gather3A_831 = tpu.vector_load_idx %arg13[%shift_right_arithmetic3A_28, %add3A_830] : memref<256x128xf32, #tpu.memory_space<vmem>>[vector<16xi32>, vector<16xi32>], vector<16xf32>,
      %mul3A_832 = arith.mulf %gather3A_828, %gather3A_831 : vector<16xf32>
      %mul3A_833 = arith.mulf %mul3A_832, %gather3A_829 : vector<16xf32>
      %add3A_834 = arith.addf %add3A_806, %mul3A_833 : vector<16xf32>
      %add3A_835 = arith.constant 57 : i32
      %add3A_836 = vector.broadcast %add3A_835 : i32 to vector<16xi32>
      %add3A_837 = arith.addi %iota3A, %add3A_836 : vector<16xi32>
      %and3A_838 = arith.constant 63 : i32
      %and3A_839 = vector.broadcast %and3A_838 : i32 to vector<16xi32>
      %and3A_840 = arith.andi %add3A_837, %and3A_839 : vector<16xi32>
      %add3A_841 = arith.addi %shift_left3A_24, %and3A_840 : vector<16xi32>
      %gather3A_842 = tpu.vector_load_idx %arg11[%shift_right_arithmetic3A_20, %add3A_841] : memref<256x128xf32, #tpu.memory_space<vmem>>[vector<16xi32>, vector<16xi32>], vector<16xf32>,
      %gather3A_843 = tpu.vector_load_idx %arg12[%shift_right_arithmetic3A_20, %add3A_841] : memref<256x128xf32, #tpu.memory_space<vmem>>[vector<16xi32>, vector<16xi32>], vector<16xf32>,
      %add3A_844 = arith.addi %shift_left3A_34, %and3A_840 : vector<16xi32>
      %gather3A_845 = tpu.vector_load_idx %arg13[%shift_right_arithmetic3A_28, %add3A_844] : memref<256x128xf32, #tpu.memory_space<vmem>>[vector<16xi32>, vector<16xi32>], vector<16xf32>,
      %mul3A_846 = arith.mulf %gather3A_842, %gather3A_845 : vector<16xf32>
      %mul3A_847 = arith.mulf %mul3A_846, %gather3A_843 : vector<16xf32>
      %add3A_848 = arith.addf %add3A_820, %mul3A_847 : vector<16xf32>
      %add3A_849 = arith.constant 58 : i32
      %add3A_850 = vector.broadcast %add3A_849 : i32 to vector<16xi32>
      %add3A_851 = arith.addi %iota3A, %add3A_850 : vector<16xi32>
      %and3A_852 = arith.constant 63 : i32
      %and3A_853 = vector.broadcast %and3A_852 : i32 to vector<16xi32>
      %and3A_854 = arith.andi %add3A_851, %and3A_853 : vector<16xi32>
      %add3A_855 = arith.addi %shift_left3A_24, %and3A_854 : vector<16xi32>
      %gather3A_856 = tpu.vector_load_idx %arg11[%shift_right_arithmetic3A_20, %add3A_855] : memref<256x128xf32, #tpu.memory_space<vmem>>[vector<16xi32>, vector<16xi32>], vector<16xf32>,
      %gather3A_857 = tpu.vector_load_idx %arg12[%shift_right_arithmetic3A_20, %add3A_855] : memref<256x128xf32, #tpu.memory_space<vmem>>[vector<16xi32>, vector<16xi32>], vector<16xf32>,
      %add3A_858 = arith.addi %shift_left3A_34, %and3A_854 : vector<16xi32>
      %gather3A_859 = tpu.vector_load_idx %arg13[%shift_right_arithmetic3A_28, %add3A_858] : memref<256x128xf32, #tpu.memory_space<vmem>>[vector<16xi32>, vector<16xi32>], vector<16xf32>,
      %mul3A_860 = arith.mulf %gather3A_856, %gather3A_859 : vector<16xf32>
      %mul3A_861 = arith.mulf %mul3A_860, %gather3A_857 : vector<16xf32>
      %add3A_862 = arith.addf %add3A_834, %mul3A_861 : vector<16xf32>
      %add3A_863 = arith.constant 59 : i32
      %add3A_864 = vector.broadcast %add3A_863 : i32 to vector<16xi32>
      %add3A_865 = arith.addi %iota3A, %add3A_864 : vector<16xi32>
      %and3A_866 = arith.constant 63 : i32
      %and3A_867 = vector.broadcast %and3A_866 : i32 to vector<16xi32>
      %and3A_868 = arith.andi %add3A_865, %and3A_867 : vector<16xi32>
      %add3A_869 = arith.addi %shift_left3A_24, %and3A_868 : vector<16xi32>
      %gather3A_870 = tpu.vector_load_idx %arg11[%shift_right_arithmetic3A_20, %add3A_869] : memref<256x128xf32, #tpu.memory_space<vmem>>[vector<16xi32>, vector<16xi32>], vector<16xf32>,
      %gather3A_871 = tpu.vector_load_idx %arg12[%shift_right_arithmetic3A_20, %add3A_869] : memref<256x128xf32, #tpu.memory_space<vmem>>[vector<16xi32>, vector<16xi32>], vector<16xf32>,
      %add3A_872 = arith.addi %shift_left3A_34, %and3A_868 : vector<16xi32>
      %gather3A_873 = tpu.vector_load_idx %arg13[%shift_right_arithmetic3A_28, %add3A_872] : memref<256x128xf32, #tpu.memory_space<vmem>>[vector<16xi32>, vector<16xi32>], vector<16xf32>,
      %mul3A_874 = arith.mulf %gather3A_870, %gather3A_873 : vector<16xf32>
      %mul3A_875 = arith.mulf %mul3A_874, %gather3A_871 : vector<16xf32>
      %add3A_876 = arith.addf %add3A_848, %mul3A_875 : vector<16xf32>
      %add3A_877 = arith.constant 60 : i32
      %add3A_878 = vector.broadcast %add3A_877 : i32 to vector<16xi32>
      %add3A_879 = arith.addi %iota3A, %add3A_878 : vector<16xi32>
      %and3A_880 = arith.constant 63 : i32
      %and3A_881 = vector.broadcast %and3A_880 : i32 to vector<16xi32>
      %and3A_882 = arith.andi %add3A_879, %and3A_881 : vector<16xi32>
      %add3A_883 = arith.addi %shift_left3A_24, %and3A_882 : vector<16xi32>
      %gather3A_884 = tpu.vector_load_idx %arg11[%shift_right_arithmetic3A_20, %add3A_883] : memref<256x128xf32, #tpu.memory_space<vmem>>[vector<16xi32>, vector<16xi32>], vector<16xf32>,
      %gather3A_885 = tpu.vector_load_idx %arg12[%shift_right_arithmetic3A_20, %add3A_883] : memref<256x128xf32, #tpu.memory_space<vmem>>[vector<16xi32>, vector<16xi32>], vector<16xf32>,
      %add3A_886 = arith.addi %shift_left3A_34, %and3A_882 : vector<16xi32>
      %gather3A_887 = tpu.vector_load_idx %arg13[%shift_right_arithmetic3A_28, %add3A_886] : memref<256x128xf32, #tpu.memory_space<vmem>>[vector<16xi32>, vector<16xi32>], vector<16xf32>,
      %mul3A_888 = arith.mulf %gather3A_884, %gather3A_887 : vector<16xf32>
      %mul3A_889 = arith.mulf %mul3A_888, %gather3A_885 : vector<16xf32>
      %add3A_890 = arith.addf %add3A_862, %mul3A_889 : vector<16xf32>
      %add3A_891 = arith.constant 61 : i32
      %add3A_892 = vector.broadcast %add3A_891 : i32 to vector<16xi32>
      %add3A_893 = arith.addi %iota3A, %add3A_892 : vector<16xi32>
      %and3A_894 = arith.constant 63 : i32
      %and3A_895 = vector.broadcast %and3A_894 : i32 to vector<16xi32>
      %and3A_896 = arith.andi %add3A_893, %and3A_895 : vector<16xi32>
      %add3A_897 = arith.addi %shift_left3A_24, %and3A_896 : vector<16xi32>
      %gather3A_898 = tpu.vector_load_idx %arg11[%shift_right_arithmetic3A_20, %add3A_897] : memref<256x128xf32, #tpu.memory_space<vmem>>[vector<16xi32>, vector<16xi32>], vector<16xf32>,
      %gather3A_899 = tpu.vector_load_idx %arg12[%shift_right_arithmetic3A_20, %add3A_897] : memref<256x128xf32, #tpu.memory_space<vmem>>[vector<16xi32>, vector<16xi32>], vector<16xf32>,
      %add3A_900 = arith.addi %shift_left3A_34, %and3A_896 : vector<16xi32>
      %gather3A_901 = tpu.vector_load_idx %arg13[%shift_right_arithmetic3A_28, %add3A_900] : memref<256x128xf32, #tpu.memory_space<vmem>>[vector<16xi32>, vector<16xi32>], vector<16xf32>,
      %mul3A_902 = arith.mulf %gather3A_898, %gather3A_901 : vector<16xf32>
      %mul3A_903 = arith.mulf %mul3A_902, %gather3A_899 : vector<16xf32>
      %add3A_904 = arith.addf %add3A_876, %mul3A_903 : vector<16xf32>
      %add3A_905 = arith.constant 62 : i32
      %add3A_906 = vector.broadcast %add3A_905 : i32 to vector<16xi32>
      %add3A_907 = arith.addi %iota3A, %add3A_906 : vector<16xi32>
      %and3A_908 = arith.constant 63 : i32
      %and3A_909 = vector.broadcast %and3A_908 : i32 to vector<16xi32>
      %and3A_910 = arith.andi %add3A_907, %and3A_909 : vector<16xi32>
      %add3A_911 = arith.addi %shift_left3A_24, %and3A_910 : vector<16xi32>
      %gather3A_912 = tpu.vector_load_idx %arg11[%shift_right_arithmetic3A_20, %add3A_911] : memref<256x128xf32, #tpu.memory_space<vmem>>[vector<16xi32>, vector<16xi32>], vector<16xf32>,
      %gather3A_913 = tpu.vector_load_idx %arg12[%shift_right_arithmetic3A_20, %add3A_911] : memref<256x128xf32, #tpu.memory_space<vmem>>[vector<16xi32>, vector<16xi32>], vector<16xf32>,
      %add3A_914 = arith.addi %shift_left3A_34, %and3A_910 : vector<16xi32>
      %gather3A_915 = tpu.vector_load_idx %arg13[%shift_right_arithmetic3A_28, %add3A_914] : memref<256x128xf32, #tpu.memory_space<vmem>>[vector<16xi32>, vector<16xi32>], vector<16xf32>,
      %mul3A_916 = arith.mulf %gather3A_912, %gather3A_915 : vector<16xf32>
      %mul3A_917 = arith.mulf %mul3A_916, %gather3A_913 : vector<16xf32>
      %add3A_918 = arith.addf %add3A_890, %mul3A_917 : vector<16xf32>
      %add3A_919 = arith.constant 63 : i32
      %add3A_920 = vector.broadcast %add3A_919 : i32 to vector<16xi32>
      %add3A_921 = arith.addi %iota3A, %add3A_920 : vector<16xi32>
      %and3A_922 = arith.constant 63 : i32
      %and3A_923 = vector.broadcast %and3A_922 : i32 to vector<16xi32>
      %and3A_924 = arith.andi %add3A_921, %and3A_923 : vector<16xi32>
      %add3A_925 = arith.addi %shift_left3A_24, %and3A_924 : vector<16xi32>
      %gather3A_926 = tpu.vector_load_idx %arg11[%shift_right_arithmetic3A_20, %add3A_925] : memref<256x128xf32, #tpu.memory_space<vmem>>[vector<16xi32>, vector<16xi32>], vector<16xf32>,
      %gather3A_927 = tpu.vector_load_idx %arg12[%shift_right_arithmetic3A_20, %add3A_925] : memref<256x128xf32, #tpu.memory_space<vmem>>[vector<16xi32>, vector<16xi32>], vector<16xf32>,
      %add3A_928 = arith.addi %shift_left3A_34, %and3A_924 : vector<16xi32>
      %gather3A_929 = tpu.vector_load_idx %arg13[%shift_right_arithmetic3A_28, %add3A_928] : memref<256x128xf32, #tpu.memory_space<vmem>>[vector<16xi32>, vector<16xi32>], vector<16xf32>,
      %mul3A_930 = arith.mulf %gather3A_926, %gather3A_929 : vector<16xf32>
      %mul3A_931 = arith.mulf %mul3A_930, %gather3A_927 : vector<16xf32>
      %add3A_932 = arith.addf %add3A_904, %mul3A_931 : vector<16xf32>
      %add3A_933 = arith.addf %add3A_918, %add3A_932 : vector<16xf32>
      %neg3A = arith.constant 0.000000e+00 : f32
      %neg3A_934 = vector.broadcast %neg3A : f32 to vector<16xf32>
      %neg3A_935 = arith.subf %neg3A_934, %add3A_933 : vector<16xf32>
      %exp3A = math.exp %neg3A_935 : vector<16xf32>
      %add3A_936 = arith.constant 1.000000e+00 : f32
      %add3A_937 = vector.broadcast %add3A_936 : f32 to vector<16xf32>
      %add3A_938 = arith.addf %add3A_937, %exp3A : vector<16xf32>
      %div3A = arith.constant 1.000000e+00 : f32
      %div3A_939 = vector.broadcast %div3A : f32 to vector<16xf32>
      %div3A_940 = arith.divf %div3A_939, %add3A_938 : vector<16xf32>
      %swap3A = arith.index_cast %mul3A_16 : i32 to index
      %swap3A_941 = tpu.vector_load %arg14[%swap3A] {strides = array<i32>} : memref<512xf32, #tpu.memory_space<vmem>>, vector<16xf32>,
      tpu.vector_store %arg14[%swap3A], %div3A_940 {strides = array<i32>} : memref<512xf32, #tpu.memory_space<vmem>>, vector<16xf32>,
    }
    %scan3A_13 = arith.constant 32 : i32
    "tpu.region"() ({
      %run_scoped3A = tpu.sem_alloc : memref<!tpu.dma_semaphore, #tpu.memory_space<semaphore_mem>>
      %dma_start3A = tpu.memref_slice %arg7[%mul3A_2] : memref<16384xf32, #tpu.memory_space<hbm>> -> memref<512xf32, #tpu.memory_space<hbm>>
      %dma_start3A_14 = tpu.memref_slice %arg7[%mul3A_2] : memref<16384xf32, #tpu.memory_space<hbm>> -> memref<512xf32, #tpu.memory_space<hbm>>
      tpu.enqueue_dma source(%arg14 : memref<512xf32, #tpu.memory_space<vmem>>) target(%dma_start3A_14 : memref<512xf32, #tpu.memory_space<hbm>>) target_semaphore(%run_scoped3A : memref<!tpu.dma_semaphore, #tpu.memory_space<semaphore_mem>>)
      %dma_wait3A = tpu.memref_slice %arg7[%mul3A_2] : memref<16384xf32, #tpu.memory_space<hbm>> -> memref<512xf32, #tpu.memory_space<hbm>>
      %dma_wait3A_15 = tpu.memref_slice %arg7[%mul3A_2] : memref<16384xf32, #tpu.memory_space<hbm>> -> memref<512xf32, #tpu.memory_space<hbm>>
      tpu.wait_dma2 semaphore(%run_scoped3A : memref<!tpu.dma_semaphore, #tpu.memory_space<semaphore_mem>>) src(%arg14 : memref<512xf32, #tpu.memory_space<vmem>>) dst(%dma_wait3A_15 : memref<512xf32, #tpu.memory_space<hbm>>)
      tpu.yield
    }) : () -> ()
    return
  }
}

</mosaic_0001>

<sc_bundles>
// kernel: _distmul_sc.3.cloned.1.call-start
scs
__scs_entry_jumppad:
0x0: {  	(pc) =	sbr.rel $0x88, $3  }
0x1: {  	(tag) =	ssettag $0x0;
	lr =	simm.s32 $0x1  }
0x2: {  	[smem:$0x3F9C] =	sst lr;
	_ =	strace $0xD0000000  }
0x3: {  	_ = 	snop  }
0x4: {  	_ = 	snop  }
0x5: {  	_ = 	snop  }
0x6: {  	_ = 	snop  }
0x7: {  	_ = 	snop  }
__scs_overlays_trampoline_lowered:
0x8: {  	[smem:$0x3FAB] =	sst s0  }
0x9: {  	[smem:$0x3FAC] =	sst s1  }
0xa: {  	[smem:$0x3FAD] =	sst s2  }
0xb: {  	[smem:$0x3FAE] =	sst s3  }
0xc: {  	[smem:$0x3FAF] =	sst s4  }
0xd: {  	[smem:$0x3FB0] =	sst s5  }
0xe: {  	[smem:$0x3FB1] =	sst s6  }
0xf: {  	[smem:$0x3FB2] =	sst s7  }
0x10: {  	[smem:$0x3FB3] =	sst s8  }
0x11: {  	[smem:$0x3FB4] =	sst s9;
	s0 =	simm.s32 @!p0 $0x0  }
0x12: {  	s1 =	sld [smem:$0x3F9A];
	s0 =	simm.s32 @p0 $0x1  }
0x13: {  	[smem:$0x3FB5] =	sst s0;
	s0 =	simm.s32 @!p1 $0x0  }
0x14: {  	s2 =	sld [smem:$0x3F99];
	s0 =	simm.s32 @p1 $0x1  }
0x15: {  	[smem:$0x3FB6] =	sst s0;
	s0 =	simm.s32 @!p2 $0x0  }
0x16: {  	s3 =	sld [smem:$0x3FDB];
	s0 =	simm.s32 @p2 $0x1  }
0x17: {  	s4 =	simm.s32 $0x1BF5;
	[smem:$0x3FB8] =	sst s0  }
0x18: {  	s0 =	sld [smem:$0x3F9B];
	_ =	swait.ge [sflag:s4], $0x0  }
0x19: {  	s7 =	sld [smem:$0x3F9C]  }
0x1a: {  	s8 =	sadd.s32 $0xFFFFE003, lr  }
0x1b: {  	s9 =	sadd.s32 $0xFFFFFEF7, lr;
	s5 =	simm.s32 $0xFFFFFFFF;
	p2 =	slt.u32 s8, $0xFFFFF086  }
0x1c: {  	p1 =	slt.u32 s9, $0xF7A;
	s5 =	simm.s32 @!p2 $0x0  }
0x1d: {  	s5 =	simm.s32 @p1 $0x1;
	p0 =	seq.s32 s7, s2  }
0x1e: {  	s7 =	smul.u32 @!p0 $0xF7A, s2;
	p2 =	seq.s32 @!p0 s5, $0x0  }
0x1f: {  	s9 =	smul.u32 $0xF7A, s1;
	s8 =	simm.s32 @!p0 $0x1BF5;
	p2 =	por !p2, p0  }
0x20: {  	[sflag:s8] =	ssyncset.s32 @!p0 $0xFFFFF086;
	s6 =	sadd.s32 @!p0 s3, s7;
	s7 =	simm.s32 @!p0 $0x108  }
0x21: {  	s3 =	sadd.s32 s3, s9;
	s6 =	sadd.s32 @!p0 $0x88, s6;
	s7 =	simm.s32 @p2 $0x1082  }
0x22: {  	[simem:s7], [sflag:s8] =	dma.local @!p0 [hbm:s6], $0xF7A  }
0x23: {  	s9 =	sor.u32 $0xD0000000, s2;
	s6 =	simm.s32 $0x108;
	_ =	swait.ge @!p0 [sflag:s8], $0x0  }
0x24: {  	s3 =	sadd.s32 $0x88, s3;
	s6 =	simm.s32 @!p1 $0x1082;
	[sflag:s4] =	ssyncset.s32 $0xFFFFF086  }
0x25: {  	[simem:s6], [sflag:s4] =	dma.local [hbm:s3], $0xF7A  }
0x26: {  	[smem:$0x3F9C] =	sst s1;
	(tag) =	ssettag s2;
	_ =	strace s9  }
0x27: {  	s1 =	sld [smem:$0x3FAC]  }
0x28: {  	s2 =	sld [smem:$0x3FAD]  }
0x29: {  	s4 =	sld [smem:$0x3FAF]  }
0x2a: {  	p0 =	seq.s32 s5, $0x0;
	s5 =	sld [smem:$0x3FB0]  }
0x2b: {  	s6 =	sld [smem:$0x3FB1]  }
0x2c: {  	s7 =	sld [smem:$0x3FB2]  }
0x2d: {  	s3 =	simm.s32 $0x108;
	s8 =	sld [smem:$0x3FB3]  }
0x2e: {  	s3 =	simm.s32 @!p0 $0x1082;
	s9 =	sld [smem:$0x3FB4]  }
0x2f: {  	lr =	sadd.s32 s0, s3;
	s0 =	sld [smem:$0x3FAB]  }
0x30: {  	s3 =	sld [smem:$0x3FAE]  }
0x31: {  	[smem:$0x3FB7] =	sst s10  }
0x32: {  	s10 =	sld [smem:$0x3FB5];
	_ =	sdelay $0x3  }
0x33: {  	p0 =	seq.s32 s10, $0x1;
	s10 =	sld [smem:$0x3FB7];
	_ =	sdelay $0x3  }
0x34: {  	[smem:$0x3FB7] =	sst s10  }
0x35: {  	s10 =	sld [smem:$0x3FB6];
	_ =	sdelay $0x3  }
0x36: {  	p1 =	seq.s32 s10, $0x1;
	s10 =	sld [smem:$0x3FB7];
	_ =	sdelay $0x3  }
0x37: {  	[smem:$0x3FB7] =	sst s10  }
0x38: {  	s10 =	sld [smem:$0x3FB8]  }
0x39: {  	_ = 	snop;
	(pc) =	sbr.ind lr, $3  }
0x3a: {  	_ = 	snop  }
0x3b: {  	_ = 	snop  }
0x3c: {  	p2 =	seq.s32 s10, $0x1;
	s10 =	sld [smem:$0x3FB7]  }
0x3d: {  	_ =	shalt  }
0x3e: {  	_ =	shalt  }
0x3f: {  	_ =	shalt  }
0x40: {  	_ =	shalt  }
0x41: {  	_ =	shalt  }
0x42: {  	_ =	shalt  }
0x43: {  	_ =	shalt  }
0x44: {  	_ =	shalt  }
0x45: {  	_ =	shalt  }
0x46: {  	_ =	shalt  }
0x47: {  	_ =	shalt  }
0x48: {  	_ =	shalt  }
0x49: {  	_ =	shalt  }
0x4a: {  	_ =	shalt  }
0x4b: {  	_ =	shalt  }
0x4c: {  	_ =	shalt  }
0x4d: {  	_ =	shalt  }
0x4e: {  	_ =	shalt  }
0x4f: {  	_ =	shalt  }
0x50: {  	_ =	shalt  }
0x51: {  	_ =	shalt  }
0x52: {  	_ =	shalt  }
0x53: {  	_ =	shalt  }
0x54: {  	_ =	shalt  }
0x55: {  	_ =	shalt  }
0x56: {  	_ =	shalt  }
0x57: {  	_ =	shalt  }
0x58: {  	_ =	shalt  }
0x59: {  	_ =	shalt  }
0x5a: {  	_ =	shalt  }
0x5b: {  	_ =	shalt  }
0x5c: {  	_ =	shalt  }
0x5d: {  	_ =	shalt  }
0x5e: {  	_ =	shalt  }
0x5f: {  	_ =	shalt  }
0x60: {  	_ =	shalt  }
0x61: {  	_ =	shalt  }
0x62: {  	_ =	shalt  }
0x63: {  	_ =	shalt  }
0x64: {  	_ =	shalt  }
0x65: {  	_ =	shalt  }
0x66: {  	_ =	shalt  }
0x67: {  	_ =	shalt  }
0x68: {  	_ =	shalt  }
0x69: {  	_ =	shalt  }
0x6a: {  	_ =	shalt  }
0x6b: {  	_ =	shalt  }
0x6c: {  	_ =	shalt  }
0x6d: {  	_ =	shalt  }
0x6e: {  	_ =	shalt  }
0x6f: {  	_ =	shalt  }
0x70: {  	_ =	shalt  }
0x71: {  	_ =	shalt  }
0x72: {  	_ =	shalt  }
0x73: {  	_ =	shalt  }
0x74: {  	_ =	shalt  }
0x75: {  	_ =	shalt  }
0x76: {  	_ =	shalt  }
0x77: {  	_ =	shalt  }
0x78: {  	_ =	shalt  }
0x79: {  	_ =	shalt  }
0x7a: {  	_ =	shalt  }
0x7b: {  	_ =	shalt  }
0x7c: {  	_ =	shalt  }
0x7d: {  	_ =	shalt  }
0x7e: {  	_ =	shalt  }
0x7f: {  	_ =	shalt  }
0x80: {  	_ =	shalt  }
0x81: {  	_ =	shalt  }
0x82: {  	_ =	shalt  }
0x83: {  	_ =	shalt  }
0x84: {  	_ =	shalt  }
0x85: {  	_ =	shalt  }
0x86: {  	_ =	shalt  }
0x87: {  	_ =	shalt  }
.Lfunc_end0:
.L_simem_size_0:
called_computation_lowered:
.L_overlay_start_0:
0x88: {  	s2 =	sld [smem:$0x3FD9]  }
0x89: {  	s3 =	sld [smem:$0x3FFE];
	_ =	sdelay $0x1  }
0x8a: {  	s1 =	srdreg.scid  }
0x8b: {  	s0 =	sand.u32 $0x1, s1  }
0x8c: {  	s17 =	sshll.u32 s0, $0xA;
	s2 =	sadd.s32 s3, s2  }
0x8d: {  	s2 =	sadd.s32 s2, s17  }
0x8e: {  	[smem:$0x3FC3] =	sst s2  }
0x8f: {  	_ = 	snop  }
0x90: {  	s2 =	sld [smem:$0x3FC9]  }
0x91: {  	s18 =	sld [smem:$0x3FC8]  }
0x92: {  	s4 =	sld [smem:$0x3FC7]  }
0x93: {  	s5 =	sld [smem:$0x3FC5]  }
0x94: {  	s6 =	sld [smem:$0x3FD0];
	(tm) =	ssettm $0x1  }
0x95: {  	s7 =	sld [smem:$0x3FFB];
	_ =	sdelay $0x3  }
0x96: {  	_ =	strace s7  }
0x97: {  	s7 =	sld [smem:$0x3FFC];
	_ =	sdelay $0x3  }
0x98: {  	_ =	strace s7  }
0x99: {  	s7 =	sld [smem:$0x3FFD];
	_ =	sdelay $0x3  }
0x9a: {  	_ =	strace s7  }
0x9b: {  	_ =	strace $0x8FFFFFFF  }
0x9c: {  	s19 =	sld [smem:$0x3FDB];
	_ =	sdelay $0x1  }
0x9d: {  	s8 =	simm.s32 $_scs_section_size  }
0x9e: {  	s9 =	simm.s32 $_size__tile_overlayer_lowered;
	s10 =	simm.s32 $_tile_overlayer_lowered  }
0x9f: {  	s22 =	simm.s32 $0x1BFF;
	s21 =	sshll.u32 s10, $0x1;
	s7 =	sadd.s32 s8, s19  }
0xa0: {  	s11 =	simm.s32 $0x0;
	s20 =	sshll.u32 s9, $0x1;
	s9 =	sadd.s32 s21, s7  }
0xa1: {  	[timem:s11], [sflag:s22] =	dma.local [hbm:s9], s20  }
0xa2: {  	_ =	swait.ge [sflag:s22], s20  }
0xa3: {  	s8 =	ssub.s32 $0x0, s20;
	[sflag:s22] =	ssyncset.done $0x0  }
0xa4: {  	[sflag:s22] =	ssyncadd.s32 s8;
	_ =	sdelay $0x1  }
0xa5: {  	s23 =	simm.s32 $0x1B8B  }
0xa6: {  	_ =	swait.ge [sflag:s23], $0x1  }
0xa7: {  	[sflag:s23] =	ssyncset.done $0x0  }
0xa8: {  	s25 =	simm.s32 $0x1B8E;
	s24 =	sld [smem:$0x3FFE];
	[sflag:s23] =	ssyncadd.s32 $0xFFFFFFFF  }
0xa9: {  	s26 =	simm.s32 $execute0_lowered;
	[smem:$0x3FD2] =	sst s25  }
0xaa: {  	s9 =	sshll.u32 s26, $0x1;
	_ =	strace $0x80000046;
	[dreg:$0x1] =	wrdreg $0xFFFFFFFF  }
0xab: {  	s28 =	simm.s32 $_size_execute0_lowered;
	s7 =	sadd.s32 s7, s9;
	[dreg:$0x0] =	wrdreg $0x0  }
0xac: {  	s9 =	sshll.u32 s28, $0x1;
	[dreg:$0x2] =	wrdreg s7  }
0xad: {  	[dreg:$0x3] =	wrdreg s9  }
0xae: {  	[dreg:$0x4] =	wrdreg $0xC0  }
0xaf: {  	_ =	task [dreg:s11], $0x5FFFF  }
0xb0: {  	[dreg:$0x1] =	wrdreg $0xFFFFFFFF  }
0xb1: {  	[dreg:$0x0] =	wrdreg $0x60  }
0xb2: {  	[dreg:$0x2] =	wrdreg s2  }
0xb3: {  	[dreg:$0x3] =	wrdreg s18  }
0xb4: {  	[dreg:$0x4] =	wrdreg s4  }
0xb5: {  	[dreg:$0x5] =	wrdreg s24  }
0xb6: {  	[dreg:$0x6] =	wrdreg s5  }
0xb7: {  	[dreg:$0x7] =	wrdreg s6  }
0xb8: {  	[dreg:$0x8] =	wrdreg $0x9  }
0xb9: {  	_ =	task.clear_ibuf [dreg:s11], $0x9FFFF;
	_ =	strace $0x90000046  }
0xba: {  	s29 =	simm.s32 $0x9;
	_ =	strace $0x80000048  }
0xbb: {  	_ =	swait.ge [sflag:s29], $0x1  }
0xbc: {  	[sflag:s29] =	ssyncadd.s32 $0xFFFFFFFF  }
0xbd: {  	_ =	strace $0x90000048  }
0xbe: {  	_ =	sfence  }
0xbf: {  	s30 =	sld [smem:$0x0];
	_ =	sdelay $0x2  }
0xc0: {  	s31 =	sshll.u32 s1, $0xD;
	s1 =	sshrl.u32 s1, $0x2  }
0xc1: {  	s3 =	sand.u32 $0x4000, s31;
	s1 =	sadd.s32 s1, s30  }
0xc2: {  	s0 =	sor.u32 s3, s0;
	s1 =	sshll.u32 s1, $0x11  }
0xc3: {  	s0 =	sor.u32 s1, s0  }
0xc4: {  	s0 =	sadd.s32 $0x8F2B, s0  }
0xc5: {  	[sflag:s0] =	ssyncadd.remote.s32 $0x1  }
0xc6: {  	_ =	sfence.sel $0xFFFF  }
0xc7: {  	[dreg:$0x0] =	wrdreg $0xFFFFFFFF;
	(pc) =	sbr.abs _section_cstart, $3  }
0xc8: {  	[dreg:$0x1] =	wrdreg $0xFFFFFFFF  }
0xc9: {  	_ =	task.clear_ibuf [dreg:s11], $0x2FFFF;
	_ =	strace $0x9FFFFFFF  }
0xca: {  	(tm) =	ssettm $0x7FFFFFFF  }
0xcb: {  	_ =	shalt  }
tec
execute0_lowered:
.L_overlay_start_1:
0x0: {  	(tag) =	ssettag $0x1  }
0x1: {  	v0 =	vimm.s32 $0x4F0E4D0C  }
0x2: {  	v1 =	vimm.s32 $0x4B0A4908;
	vm0 =	vcmask $0x1F10;
	v2 =	vimm.s32 $0x43024100  }
0x3: {  	v3 =	vimm.s32 $0x47064504;
	v4 =	vimm.s32 $0x500F4E0D;
	v5 =	vimm.s32 $0x44034201  }
0x4: {  	v6 =	vimm.s32 $0x48074605;
	v13 =	vimm.s32 $0x46054403;
	v14 =	vimm.s32 $0x53125110  }
0x5: {  	v15 =	vimm.s32 $0x54135211;
	v0 =	vunpack.c.0.s8.s32 v0;
	v1 =	vunpack.c.0.s8.s32 v1  }
0x6: {  	v7 =	vunpack.c.0.s8.s32 v2;
	v2 =	vunpack.c.0.s8.s32 v3;
	v3 =	vunpack.c.0.s8.s32 v4  }
0x7: {  	v4 =	vimm.s32 $0x4C0B4A09;
	v19 =	vunpack.c.0.s8.s32 v13;
	v13 =	vimm.s32 $0x4A094807  }
0x8: {  	v8 =	vunpack.c.0.s8.s32 v5;
	v14 =	vunpack.c.0.s8.s32 v14;
	v13 =	vunpack.c.0.s8.s32 v13  }
0x9: {  	v5 =	vunpack.c.0.s8.s32 v6;
	v4 =	vunpack.c.0.s8.s32 v4;
	v6 =	vsel vm0, v0, v1  }
0xa: {  	v25 =	vsel vm0, v14, v0;
	v0 =	vimm.s32 $0x55145312;
	v45 =	vsel vm0, v13, v19  }
0xb: {  	[tilespmem:$0x1F950] =	vst v19;
	v19 =	vsel vm0, v1, v2;
	v26 =	vunpack.c.0.s8.s32 v0;
	v0 =	vimm.s32 $0x56155413  }
0xc: {  	v1 =	vimm.s32 $0x57165514;
	v28 =	vunpack.c.0.s8.s32 v0;
	v0 =	vimm.s32 $0x58175615  }
0xd: {  	v15 =	vunpack.c.0.s8.s32 v15;
	[tilespmem:$0x1F900] =	vst v7;
	v1 =	vunpack.c.0.s8.s32 v1;
	v34 =	vunpack.c.0.s8.s32 v0  }
0xe: {  	v9 =	vsel vm0, v2, v7;
	[tilespmem:$0x1F910] =	vst v8;
	v8 =	vsel vm0, v5, v8;
	v7 =	vsel vm0, v3, v4  }
0xf: {  	v17 =	vcombine.low v8, v7;
	v36 =	vsel vm0, v1, v14;
	v0 =	vsel vm0, v34, v15  }
0x10: {  	[tilespmem:$0x1F960] =	vst v1;
	v1 =	vimm.s32 $0x5A195817;
	v40 =	vmovc v0;
	v7 =	vcombine.low v7, v0;
	v0 =	vimm.s32 $0x59185716  }
0x11: {  	v48 =	vunpack.c.0.s8.s32 v1;
	v27 =	vunpack.c.0.s8.s32 v0;
	v0 =	vimm.s32 $0x5B1A5918  }
0x12: {  	v1 =	vimm.s32 $0x5D1C5B1A;
	v50 =	vunpack.c.0.s8.s32 v0;
	v0 =	vimm.s32 $0x5C1B5A19  }
0x13: {  	v53 =	vunpack.c.0.s8.s32 v1;
	v52 =	vunpack.c.0.s8.s32 v0;
	v0 =	vimm.s32 $0x5E1D5C1B  }
0x14: {  	v1 =	vimm.s32 $0x601F5E1D;
	v58 =	vunpack.c.0.s8.s32 v0;
	v0 =	vimm.s32 $0x5F1E5D1C  }
0x15: {  	v56 =	vunpack.c.0.s8.s32 v0;
	v0 =	vunpack.c.0.s8.s32 v1;
	_ =	sdelay $0x1  }
0x16: {  	[tilespmem:$0x1F970] =	vst v0;
	v0 =	vimm.s32 $0x61205F1E  }
0x17: {  	v0 =	vunpack.c.0.s8.s32 v0;
	_ =	sdelay $0x1  }
0x18: {  	[tilespmem:$0x1F980] =	vst v0;
	v0 =	vimm.s32 $0x6221601F  }
0x19: {  	v0 =	vunpack.c.0.s8.s32 v0  }
0x1a: {  	v1 =	vimm.s32 $0x63226120  }
0x1b: {  	[tilespmem:$0x1F990] =	vst v0;
	v0 =	vunpack.c.0.s8.s32 v1;
	_ =	sdelay $0x1  }
0x1c: {  	[tilespmem:$0x1F9A0] =	vst v0;
	v0 =	vimm.s32 $0x64236221  }
0x1d: {  	v0 =	vunpack.c.0.s8.s32 v0;
	_ =	sdelay $0x1  }
0x1e: {  	[tilespmem:$0x1F9B0] =	vst v0;
	v0 =	vimm.s32 $0x65246322  }
0x1f: {  	v0 =	vunpack.c.0.s8.s32 v0  }
0x20: {  	v1 =	vimm.s32 $0x66256423  }
0x21: {  	[tilespmem:$0x1F9C0] =	vst v0;
	v0 =	vunpack.c.0.s8.s32 v1;
	_ =	sdelay $0x1  }
0x22: {  	[tilespmem:$0x1F9D0] =	vst v0;
	v0 =	vimm.s32 $0x67266524  }
0x23: {  	v0 =	vunpack.c.0.s8.s32 v0;
	_ =	sdelay $0x1  }
0x24: {  	[tilespmem:$0x1F9E0] =	vst v0;
	v0 =	vimm.s32 $0x68276625  }
0x25: {  	v0 =	vunpack.c.0.s8.s32 v0  }
0x26: {  	v1 =	vimm.s32 $0x69286726  }
0x27: {  	[tilespmem:$0x1F9F0] =	vst v0;
	v0 =	vunpack.c.0.s8.s32 v1;
	_ =	sdelay $0x1  }
0x28: {  	[tilespmem:$0x1FA00] =	vst v0;
	v0 =	vimm.s32 $0x6A296827  }
0x29: {  	v0 =	vunpack.c.0.s8.s32 v0  }
0x2a: {  	v10 =	vimm.s32 $0x45044302;
	v11 =	vimm.s32 $0x5211500F;
	v12 =	vimm.s32 $0x4E0D4C0B  }
0x2b: {  	v18 =	vunpack.c.0.s8.s32 v10;
	v10 =	vimm.s32 $0x49084706;
	[tilespmem:$0x1FA10] =	vst v0;
	v0 =	vimm.s32 $0x6B2A6928  }
0x2c: {  	v11 =	vunpack.c.0.s8.s32 v11;
	v12 =	vunpack.c.0.s8.s32 v12;
	v0 =	vunpack.c.0.s8.s32 v0  }
0x2d: {  	v10 =	vunpack.c.0.s8.s32 v10;
	v1 =	vimm.s32 $0x6C2B6A29  }
0x2e: {  	v24 =	vsel vm0, v11, v12;
	v21 =	vsel vm0, v15, v3;
	[tilespmem:$0x1FA20] =	vst v0;
	v0 =	vunpack.c.0.s8.s32 v1  }
0x2f: {  	[tilespmem:$0x1F920] =	vst v9;
	v16 =	vcombine.low v9, v6;
	v9 =	vimm.s32 $0x4D0C4B0A;
	v42 =	vsel vm0, v10, v18  }
0x30: {  	v33 =	vsel vm0, v4, v5;
	v2 =	vimm.s32 $0x201003F;
	[tilespmem:$0x1FA30] =	vst v0;
	v0 =	vimm.s32 $0x6D2C6B2A  }
0x31: {  	v3 =	vimm.s32 $0x3020100;
	v4 =	vimm.s32 $0x32107654;
	v0 =	vunpack.c.0.s8.s32 v0  }
0x32: {  	[tilespmem:$0x1F930] =	vst v8;
	v5 =	vimm.s32 $0x3F3E3D3C;
	v8 =	vimm.s32 $0x51104F0E;
	v9 =	vunpack.c.0.s8.s32 v9  }
0x33: {  	v3 =	vunpack.c.0.s8.s32 v3;
	v4 =	vunpack.c.l.s4.s8 v4;
	[tilespmem:$0x1FA40] =	vst v0;
	v0 =	vimm.s32 $0x6E2D6C2B  }
0x34: {  	[tilespmem:$0x1F940] =	vst v18;
	v8 =	vunpack.c.0.s8.s32 v8;
	v18 =	vsel vm0, v9, v10;
	v0 =	vunpack.c.0.s8.s32 v0  }
0x35: {  	v23 =	vsel vm0, v28, v11;
	v4 =	vunpack.c.0.s8.s32 v4;
	v1 =	vimm.s32 $0x6F2E6D2C  }
0x36: {  	v22 =	vsel vm0, v8, v9;
	v20 =	vcombine.low v6, v36;
	[tilespmem:$0x1FA50] =	vst v0;
	v0 =	vunpack.c.0.s8.s32 v1  }
0x37: {  	v9 =	vunpack.c.0.s8.s32 v5;
	v5 =	vimm.s32 $0x37363534;
	v6 =	vimm.s32 $0x3B3A3938  }
0x38: {  	v5 =	vunpack.c.0.s8.s32 v5;
	v6 =	vunpack.c.0.s8.s32 v6;
	[tilespmem:$0x1FA60] =	vst v0;
	v0 =	vimm.s32 $0x3F3E3D  }
0x39: {  	v35 =	vsel vm0, v26, v8;
	v8 =	vunpack.c.0.s8.s32 v0;
	v0 =	vimm.s32 $0x1003F3E  }
0x3a: {  	v11 =	vunpack.c.0.s8.s32 v2;
	v2 =	vsel vm0, v6, v5;
	v10 =	vunpack.c.0.s8.s32 v0  }
0x3b: {  	v0 =	vsel vm0, v3, v9;
	v3 =	vand.u32 $0xF, v4;
	v4 =	vimm.s32 $0x43218765  }
0x3c: {  	vm1 =	vcmask $0x2F10;
	v4 =	vunpack.c.l.s4.s8 v4;
	v0 =	vcombine.low v2, v0  }
0x3d: {  	vm2 =	vcmask $0x3F30;
	[tilespmem:$0x1FA70] =	vst v6;
	v5 =	vimm.s32 $0xB0A0908;
	v6 =	vimm.s32 $0x6543A987  }
0x3e: {  	[tilespmem:$0x1FA80] =	vst v0;
	v0 =	vsel vm1, v3, v9;
	v3 =	vunpack.c.0.s8.s32 v4;
	v4 =	vimm.s32 $0x54329876  }
0x3f: {  	v2 =	vunpack.c.0.s8.s32 v5;
	v5 =	vimm.s32 $0xC0B0A09;
	v4 =	vunpack.c.l.s4.s8 v4  }
0x40: {  	v6 =	vunpack.c.l.s4.s8 v6;
	v5 =	vunpack.c.0.s8.s32 v5;
	v3 =	vand.u32 $0xF, v3  }
0x41: {  	v46 =	vsel vm2, v2, v0;
	v0 =	vsel vm1, v3, v8;
	v2 =	vunpack.c.0.s8.s32 v4  }
0x42: {  	v3 =	vunpack.c.0.s8.s32 v6;
	v43 =	vsel vm2, v5, v0;
	v0 =	vimm.s32 $0xD0C0B0A  }
0x43: {  	v4 =	vimm.s32 $0xE0D0C0B;
	v2 =	vand.u32 $0xF, v2;
	v0 =	vunpack.c.0.s8.s32 v0  }
0x44: {  	v4 =	vunpack.c.0.s8.s32 v4;
	v3 =	vand.u32 $0xF, v3;
	v2 =	vsel vm1, v2, v10  }
0x45: {  	v44 =	vsel vm2, v0, v2;
	v0 =	vsel vm1, v3, v11  }
0x46: {  	v54 =	vsel vm2, v4, v0;
	v0 =	vimm.s32 $0x7231702F  }
0x47: {  	v0 =	vunpack.c.0.s8.s32 v0  }
0x48: {  	v1 =	vimm.s32 $0x702F6E2D  }
0x49: {  	v1 =	vunpack.c.0.s8.s32 v1;
	[tilespmem:$0x1FAC0] =	vst v0;
	v0 =	vimm.s32 $0x73327130  }
0x4a: {  	v0 =	vunpack.c.0.s8.s32 v0  }
0x4b: {  	[tilespmem:$0x1FAA0] =	vst v1;
	v1 =	vimm.s32 $0x71306F2E  }
0x4c: {  	v1 =	vunpack.c.0.s8.s32 v1;
	[tilespmem:$0x1FAD0] =	vst v0;
	v0 =	vimm.s32 $0x74337231  }
0x4d: {  	v0 =	vunpack.c.0.s8.s32 v0  }
0x4e: {  	[tilespmem:$0x1FAB0] =	vst v1;
	v1 =	vimm.s32 $0x75347332  }
0x4f: {  	[tilespmem:$0x1FAE0] =	vst v0;
	v0 =	vunpack.c.0.s8.s32 v1;
	_ =	sdelay $0x1  }
0x50: {  	[tilespmem:$0x1FAF0] =	vst v0;
	v0 =	vimm.s32 $0x76357433  }
0x51: {  	v0 =	vunpack.c.0.s8.s32 v0;
	_ =	sdelay $0x1  }
0x52: {  	[tilespmem:$0x1FB00] =	vst v0;
	v0 =	vimm.s32 $0x77367534  }
0x53: {  	v0 =	vunpack.c.0.s8.s32 v0  }
0x54: {  	v1 =	vimm.s32 $0x78377635  }
0x55: {  	[tilespmem:$0x1FB10] =	vst v0;
	v0 =	vunpack.c.0.s8.s32 v1;
	_ =	sdelay $0x1  }
0x56: {  	[tilespmem:$0x1FB20] =	vst v0;
	v0 =	vimm.s32 $0x79387736  }
0x57: {  	v0 =	vunpack.c.0.s8.s32 v0;
	_ =	sdelay $0x1  }
0x58: {  	[tilespmem:$0x1FB30] =	vst v0;
	v0 =	vimm.s32 $0x7A397837  }
0x59: {  	v0 =	vunpack.c.0.s8.s32 v0  }
0x5a: {  	v1 =	vimm.s32 $0x7B3A7938  }
0x5b: {  	[tilespmem:$0x1FB40] =	vst v0;
	v0 =	vunpack.c.0.s8.s32 v1;
	_ =	sdelay $0x1  }
0x5c: {  	[tilespmem:$0x1FB50] =	vst v0;
	v0 =	vimm.s32 $0x7C3B7A39  }
0x5d: {  	v0 =	vunpack.c.0.s8.s32 v0;
	_ =	sdelay $0x1  }
0x5e: {  	[tilespmem:$0x1FB60] =	vst v0;
	v0 =	vimm.s32 $0x7D3C7B3A  }
0x5f: {  	v0 =	vunpack.c.0.s8.s32 v0  }
0x60: {  	v1 =	vimm.s32 $0x7E3D7C3B  }
0x61: {  	[tilespmem:$0x1FB70] =	vst v0;
	v0 =	vunpack.c.0.s8.s32 v1;
	_ =	sdelay $0x1  }
0x62: {  	[tilespmem:$0x1FB80] =	vst v0;
	v0 =	vimm.s32 $0x7F3E7D3C  }
0x63: {  	v0 =	vunpack.c.0.s8.s32 v0;
	_ =	sdelay $0x1  }
0x64: {  	[tilespmem:$0x1FB90] =	vst v0;
	v0 =	vimm.s32 $0x403F7E3D  }
0x65: {  	v0 =	vunpack.c.0.s8.s32 v0  }
0x66: {  	v1 =	vimm.s32 $0x34333231  }
0x67: {  	[tilespmem:$0x1FBA0] =	vst v0;
	v0 =	vunpack.c.0.s8.s32 v1;
	v1 =	vimm.s32 $0x38373635  }
0x68: {  	v3 =	vunpack.c.0.s8.s32 v1  }
0x69: {  	v2 =	vimm.s32 $0x39383736  }
0x6a: {  	v4 =	vunpack.c.0.s8.s32 v2;
	v2 =	vimm.s32 $0x3C3B3A39;
	v0 =	vsel vm0, v3, v0  }
0x6b: {  	[tilespmem:$0x1FBC0] =	vst v0;
	v0 =	vunpack.c.0.s8.s32 v2;
	_ =	sdelay $0x1  }
0x6c: {  	v1 =	vimm.s32 $0x35343332;
	[tilespmem:$0x1FBD0] =	vst v0;
	v0 =	vimm.s32 $0x41007F3E  }
0x6d: {  	v1 =	vunpack.c.0.s8.s32 v1;
	v0 =	vunpack.c.0.s8.s32 v0;
	_ =	sdelay $0x1  }
0x6e: {  	[tilespmem:$0x1FBE0] =	vst v0;
	v0 =	vsel vm0, v4, v1  }
0x6f: {  	[tilespmem:$0x1FC00] =	vst v0;
	v0 =	vimm.s32 $0x3D3C3B3A  }
0x70: {  	v0 =	vunpack.c.0.s8.s32 v0;
	_ =	sdelay $0x1  }
0x71: {  	v1 =	vimm.s32 $0x3A393837;
	[tilespmem:$0x1FC10] =	vst v0;
	v0 =	vimm.s32 $0x36353433  }
0x72: {  	[tilespmem:$0x1FBF0] =	vst v4;
	v4 =	vunpack.c.0.s8.s32 v1;
	v0 =	vunpack.c.0.s8.s32 v0  }
0x73: {  	[tilespmem:$0x1FA90] =	vst v9  }
0x74: {  	[tilespmem:$0x1FBB0] =	vst v3;
	v3 =	vimm.s32 $0x3E3D3C3B;
	v1 =	vimm.s32 $0x4030201;
	v0 =	vsel vm0, v4, v0  }
0x75: {  	v1 =	vunpack.c.0.s8.s32 v1;
	[tilespmem:$0x1FC40] =	vst v0;
	v0 =	vunpack.c.0.s8.s32 v3  }
0x76: {  	[tilespmem:$0x1FC60] =	vst v8  }
0x77: {  	v2 =	vimm.s32 $0x4201403F;
	[tilespmem:$0x1FC50] =	vst v0;
	v0 =	vsel vm0, v1, v8  }
0x78: {  	s0 =	rddreg [dreg:$0x0];
	v2 =	vunpack.c.0.s8.s32 v2;
	[tilespmem:$0x1FC70] =	vst v0;
	v0 =	vimm.s32 $0x5040302  }
0x79: {  	s1 =	rddreg [dreg:$0x1];
	[tilespmem:$0x1FC80] =	vst v10;
	v0 =	vunpack.c.0.s8.s32 v0  }
0x7a: {  	s3 =	rddreg [dreg:$0x2];
	[tilespmem:$0x1FC20] =	vst v2;
	v1 =	vimm.s32 $0x6050403  }
0x7b: {  	s4 =	rddreg [dreg:$0x3];
	s2 =	simm.s32 $0x0;
	[tilespmem:$0x1FC30] =	vst v4;
	v1 =	vunpack.c.0.s8.s32 v1;
	v0 =	vsel vm0, v0, v10  }
0x7c: {  	[smem:$0x7FF] =	sst s2;
	[tilespmem:$0x1FC90] =	vst v0  }
0x7d: {  	s5 =	rddreg [dreg:$0x5];
	v1 =	vsel vm0, v1, v11;
	_ =	strace $0x80000047;
	[tilespmem:$0x1FCA0] =	vst v11  }
0x7e: {  	[tilespmem:$0x1FCB0] =	vst v1  }
0x7f: {  	[tilespmem:$0x1FCE0] =	vst v19  }
0x80: {  	[tilespmem:$0x1FCF0] =	vst v23  }
0x81: {  	[tilespmem:$0x1FD30] =	vst v16  }
0x82: {  	[tilespmem:$0x1FD40] =	vst v17  }
0x83: {  	[tilespmem:$0x1FD50] =	vst v22  }
0x84: {  	[tilespmem:$0x1FD60] =	vst v42  }
0x85: {  	[tilespmem:$0x1FD70] =	vst v24  }
0x86: {  	[tilespmem:$0x1FD80] =	vst v45  }
0x87: {  	[tilespmem:$0x1FD90] =	vst v25  }
0x88: {  	[tilespmem:$0x1FDA0] =	vst v21  }
0x89: {  	[tilespmem:$0x1FDB0] =	vst v26  }
0x8a: {  	[tilespmem:$0x1FDC0] =	vst v28  }
0x8b: {  	[tilespmem:$0x1FDD0] =	vst v33  }
0x8c: {  	[tilespmem:$0x1FDE0] =	vst v35  }
0x8d: {  	[tilespmem:$0x1FDF0] =	vst v34  }
0x8e: {  	[tilespmem:$0x1FE00] =	vst v18  }
0x8f: {  	v59 =	vsel vm0, v12, v13;
	[tilespmem:$0x1FE10] =	vst v36  }
0x90: {  	[tilespmem:$0x1FE20] =	vst v59  }
0x91: {  	[tilespmem:$0x1FE30] =	vst v20  }
0x92: {  	[tilespmem:$0x1FE40] =	vst v40  }
0x93: {  	[tilespmem:$0x1FE50] =	vst v7  }
0x94: {  	[tilespmem:$0x1FE60] =	vst v27  }
0x95: {  	[tilespmem:$0x1FE70] =	vst v48  }
0x96: {  	[tilespmem:$0x1FE80] =	vst v50  }
0x97: {  	[tilespmem:$0x1FE90] =	vst v52  }
0x98: {  	[tilespmem:$0x1FEA0] =	vst v53  }
0x99: {  	v2 =	vimm.s32 $0x87654321;
	[tilespmem:$0x1FEB0] =	vst v58  }
0x9a: {  	v2 =	vunpack.c.l.s4.s8 v2;
	[tilespmem:$0x1FEC0] =	vst v56  }
0x9b: {  	[tilespmem:$0x1FED0] =	vst v46  }
0x9c: {  	v2 =	vunpack.c.0.s8.s32 v2;
	[tilespmem:$0x1FEE0] =	vst v43  }
0x9d: {  	[tilespmem:$0x1FEF0] =	vst v44  }
0x9e: {  	v62 =	vand.u32 $0xF, v2;
	v2 =	vlaneseq.u32;
	[tilespmem:$0x1FF00] =	vst v54  }
0x9f: {  	v6 =	vadd.s32 $0x2, v2;
	v8 =	vcombine.low v45, v24;
	[tilespmem:$0x1FF10] =	vst v62  }
0xa0: {  	[tilespmem:$0x1FF60] =	vst v6  }
0xa1: {  	v10 =	vadd.s32 $0x3, v2;
	[tilespmem:$0x1FF70] =	vst v8  }
0xa2: {  	v15 =	vcombine.low v33, v21;
	v13 =	vadd.s32 $0x4, v2;
	[tilespmem:$0x1FF80] =	vst v10  }
0xa3: {  	[tilespmem:$0x1FFA0] =	vst v13  }
0xa4: {  	v37 =	vcombine.low v18, v35;
	v5 =	vimm.s32 $0x76543210;
	v30 =	vadd.s32 $0x5, v2;
	[tilespmem:$0x1FFB0] =	vst v15  }
0xa5: {  	v49 =	vcombine.low v59, v23;
	v4 =	vimm.s32 $0xA9876543;
	v3 =	vimm.s32 $0x98765432;
	[tilespmem:$0x1FFC0] =	vst v30  }
0xa6: {  	v39 =	vadd.s32 $0x6, v2;
	v4 =	vunpack.c.l.s4.s8 v4;
	v3 =	vunpack.c.l.s4.s8 v3;
	[tilespmem:$0x1FFD0] =	vst v37  }
0xa7: {  	v0 =	vunpack.c.l.s4.s8 v5;
	v5 =	vcombine.low v42, v22;
	[tilespmem:$0x1FFE0] =	vst v39  }
0xa8: {  	v1 =	vunpack.c.0.s8.s32 v3;
	v3 =	vunpack.c.0.s8.s32 v4;
	v4 =	vadd.s32 $0x1, v2;
	[tilespmem:$0x1FFF0] =	vst v49  }
0xa9: {  	s6 =	srdreg.scid;
	v11 =	vcombine.low v19, v25;
	[tilespmem:$0x1FF40] =	vst v4  }
0xaa: {  	s8 =	stileid.u32;
	s6 =	sand.u32 $0x1, s6;
	v0 =	vunpack.c.0.s8.s32 v0;
	[tilespmem:$0x1FF50] =	vst v5  }
0xab: {  	s8 =	sshll.u32 s8, $0x7;
	s7 =	ssub.s32 $0x2, s6;
	s6 =	sshll.u32 s6, $0x6;
	[tilespmem:$0x1FF90] =	vst v11  }
0xac: {  	s10 =	simm.s32 $0x2;
	s11 =	simm.s32 $0x400;
	s6 =	sor.u32 s6, s8;
	v47 =	vand.u32 $0xF, v1;
	[tilespmem:$0x1FCC0] =	vst v0  }
0xad: {  	s12 =	simm.s32 $0x80;
	s13 =	simm.s32 $0x10600;
	s0 =	sadd.s32 s0, s6;
	v0 =	vand.u32 $0xF, v3;
	[tilespmem:$0x1FF20] =	vst v47  }
0xae: {  	s15 =	simm.s32 $0x600;
	s28 =	sadd.s32 s1, s6;
	[dreg:$0x7] =	wrdreg s0;
	v3 =	vmul.u32 $0x40, v2;
	[tilespmem:$0x1FCD0] =	vst v0;
	v0 =	vadd.s32 $0x7, v2  }
0xaf: {  	s9 =	sshrl.u32 s7, $0x1;
	s29 =	sadd.s32 s3, s6;
	[dreg:$0x8] =	wrdreg s28;
	[tilespmem:$0x1FD00] =	vst v0  }
0xb0: {  	s7 =	ssub.s32 s7, s9;
	s30 =	sadd.s32 s5, s6;
	[dreg:$0x9] =	wrdreg s29;
	v0 =	vadd.s32 $0x8, v2;
	[tilespmem:$0x1FF30] =	vst v3  }
0xb1: {  	s16 =	simm.s32 $0x8600;
	s31 =	smax.u32 s7, $0x1;
	[dreg:$0xa] =	wrdreg s30;
	[tilespmem:$0x1FD10] =	vst v0;
	v0 =	vadd.s32 $0x9, v2  }
0xb2: {  	s4 =	sadd.s32 $0x400, s4;
	s1 =	simm.s32 $0x0;
	[dreg:$0xb] =	wrdreg s31;
	[tilespmem:$0x1FD20] =	vst v0  }
.LBB2_1:
0xb3: {  	[dreg:$0xc] =	wrdreg s1  }
0xb4: {  	s0 =	rddreg [dreg:$0x7]  }
0xb5: {  	[tilespmem:s2], [sflag:$0x2] =	stream.linear.gather [hbm4b:s0+s2], $0x200, $0x38;
	[tilespmem:$0x18800] =	vst v63  }
0xb6: {  	_ =	swait.ge [sflag:s10], $0x200  }
0xb7: {  	[sflag:s10] =	ssyncset.done $0x0  }
0xb8: {  	s19 =	simm.s32 $0x200;
	s23 =	rddreg [dreg:$0x8];
	[sflag:s10] =	ssyncadd.s32 $0xFFFFFE00  }
0xb9: {  	[tilespmem:s19], [sflag:$0x2] =	stream.linear.gather [hbm4b:s23+s2], $0x200, $0x38;
	[tilespmem:$0x18800] =	vst v63  }
0xba: {  	_ =	swait.ge [sflag:s10], $0x200  }
0xbb: {  	[sflag:s10] =	ssyncset.done $0x0  }
0xbc: {  	s24 =	rddreg [dreg:$0x9];
	[sflag:s10] =	ssyncadd.s32 $0xFFFFFE00  }
0xbd: {  	[tilespmem:s11], [sflag:$0x2] =	stream.linear.gather [hbm4b:s24+s2], $0x200, $0x38;
	[tilespmem:$0x18800] =	vst v63  }
0xbe: {  	_ =	swait.ge [sflag:s10], $0x200  }
0xbf: {  	[sflag:s10] =	ssyncset.done $0x0  }
0xc0: {  	[sflag:s10] =	ssyncadd.s32 $0xFFFFFE00  }
0xc1: {  	v0 =	vld [tilespmem:s2+$0x0];
	_ =	sdelay $0x4  }
0xc2: {  	v1 =	vshll.u32 v0, $0x4  }
0xc3: {  	v0 =	vld [tilespmem:s19+$0x0];
	(v2sf) =	vpush v1, $0x0;
	_ =	sdelay $0x1  }
0xc4: {  	(v2sf) =	vpush v1, $0x1;
	_ =	sdelay $0x1  }
0xc5: {  	(v2sf) =	vpush v1, $0x2  }
0xc6: {  	v0 =	vshll.u32 v0, $0x4  }
0xc7: {  	(v2sf) =	vpush v0, $0x0;
	_ =	sdelay $0x5  }
0xc8: {  	(v2sf) =	vpush v0, $0x1;
	_ =	sdelay $0x2  }
0xc9: {  	s25 =	spop (v2sf)  }
0xca: {  	s0 =	sand.u32 $0x1FFFFFF0, s25  }
0xcb: {  	s3 =	simm.s32 $0x600;
	s26 =	spop (v2sf);
	s0 =	sadd.s32 s4, s0  }
0xcc: {  	[tilespmem:s3], [sflag:$0x1] =	stream.strided.gather [hbm4b:s0+s12], $0x0, s11, s12, $0x38;
	[tilespmem:$0x18800] =	vst v63  }
0xcd: {  	s5 =	spop (v2sf)  }
0xce: {  	(v2sf) =	vpush v0, $0x2;
	[tilespmem:s3], [sflag:$0x1] =	stream.linear.gather [hbm4b:s0+s2], $0x40, $0x38;
	[tilespmem:$0x18800] =	vst v63  }
0xcf: {  	s28 =	spop (v2sf)  }
0xd0: {  	s0 =	sand.u32 $0x1FFFFFF0, s28  }
0xd1: {  	s29 =	simm.s32 $0x8600;
	s0 =	sadd.s32 s4, s0  }
0xd2: {  	(v2sf) =	vpush v1, $0x3;
	[tilespmem:s29], [sflag:$0x1] =	stream.strided.gather [hbm4b:s0+s12], $0x0, s11, s12, $0x38;
	[tilespmem:$0x18800] =	vst v63  }
0xd3: {  	s1 =	sand.u32 $0x1FFFFFF0, s26  }
0xd4: {  	[tilespmem:s29], [sflag:$0x1] =	stream.linear.gather [hbm4b:s0+s2], $0x40, $0x38;
	[tilespmem:$0x18800] =	vst v63  }
0xd5: {  	s31 =	simm.s32 $0x640;
	s1 =	sadd.s32 s4, s1;
	s30 =	spop (v2sf)  }
0xd6: {  	(v2sf) =	vpush v0, $0x3;
	[tilespmem:s31], [sflag:$0x1] =	stream.strided.gather [hbm4b:s1+s12], $0x0, s11, s12, $0x38;
	[tilespmem:$0x18800] =	vst v63  }
0xd7: {  	s0 =	sand.u32 $0x1FFFFFF0, s30  }
0xd8: {  	[tilespmem:s31], [sflag:$0x1] =	stream.linear.gather [hbm4b:s1+s2], $0x40, $0x38;
	[tilespmem:$0x18800] =	vst v63  }
0xd9: {  	s6 =	simm.s32 $0x8640;
	s0 =	sadd.s32 s4, s0  }
0xda: {  	(v2sf) =	vpush v1, $0x4;
	[tilespmem:s6], [sflag:$0x1] =	stream.strided.gather [hbm4b:s0+s12], $0x0, s11, s12, $0x38;
	[tilespmem:$0x18800] =	vst v63  }
0xdb: {  	s7 =	sand.u32 $0x1FFFFFF0, s5  }
0xdc: {  	[tilespmem:s6], [sflag:$0x1] =	stream.linear.gather [hbm4b:s0+s2], $0x40, $0x38;
	[tilespmem:$0x18800] =	vst v63  }
0xdd: {  	s9 =	simm.s32 $0x680;
	s3 =	sadd.s32 s4, s7;
	s8 =	spop (v2sf)  }
0xde: {  	(v2sf) =	vpush v0, $0x4;
	[tilespmem:s9], [sflag:$0x1] =	stream.strided.gather [hbm4b:s3+s12], $0x0, s11, s12, $0x38;
	[tilespmem:$0x18800] =	vst v63  }
0xdf: {  	s0 =	sand.u32 $0x1FFFFFF0, s8  }
0xe0: {  	[tilespmem:s9], [sflag:$0x1] =	stream.linear.gather [hbm4b:s3+s2], $0x40, $0x38;
	[tilespmem:$0x18800] =	vst v63  }
0xe1: {  	s17 =	simm.s32 $0x8680;
	s14 =	spop (v2sf);
	s0 =	sadd.s32 s4, s0  }
0xe2: {  	(v2sf) =	vpush v1, $0x5;
	[tilespmem:s17], [sflag:$0x1] =	stream.strided.gather [hbm4b:s0+s12], $0x0, s11, s12, $0x38;
	[tilespmem:$0x18800] =	vst v63  }
0xe3: {  	s1 =	sand.u32 $0x1FFFFFF0, s14  }
0xe4: {  	[tilespmem:s17], [sflag:$0x1] =	stream.linear.gather [hbm4b:s0+s2], $0x40, $0x38;
	[tilespmem:$0x18800] =	vst v63  }
0xe5: {  	s20 =	simm.s32 $0x6C0;
	s18 =	spop (v2sf);
	s1 =	sadd.s32 s4, s1  }
0xe6: {  	(v2sf) =	vpush v0, $0x5;
	[tilespmem:s20], [sflag:$0x1] =	stream.strided.gather [hbm4b:s1+s12], $0x0, s11, s12, $0x38;
	[tilespmem:$0x18800] =	vst v63  }
0xe7: {  	s0 =	sand.u32 $0x1FFFFFF0, s18  }
0xe8: {  	[tilespmem:s20], [sflag:$0x1] =	stream.linear.gather [hbm4b:s1+s2], $0x40, $0x38;
	[tilespmem:$0x18800] =	vst v63  }
0xe9: {  	s22 =	simm.s32 $0x86C0;
	s21 =	spop (v2sf);
	s0 =	sadd.s32 s4, s0  }
0xea: {  	(v2sf) =	vpush v1, $0x6;
	[tilespmem:s22], [sflag:$0x1] =	stream.strided.gather [hbm4b:s0+s12], $0x0, s11, s12, $0x38;
	[tilespmem:$0x18800] =	vst v63  }
0xeb: {  	s1 =	sand.u32 $0x1FFFFFF0, s21  }
0xec: {  	[tilespmem:s22], [sflag:$0x1] =	stream.linear.gather [hbm4b:s0+s2], $0x40, $0x38;
	[tilespmem:$0x18800] =	vst v63  }
0xed: {  	s24 =	simm.s32 $0x700;
	s23 =	spop (v2sf);
	s1 =	sadd.s32 s4, s1  }
0xee: {  	(v2sf) =	vpush v0, $0x6;
	[tilespmem:s24], [sflag:$0x1] =	stream.strided.gather [hbm4b:s1+s12], $0x0, s11, s12, $0x38;
	[tilespmem:$0x18800] =	vst v63  }
0xef: {  	s0 =	sand.u32 $0x1FFFFFF0, s23  }
0xf0: {  	[tilespmem:s24], [sflag:$0x1] =	stream.linear.gather [hbm4b:s1+s2], $0x40, $0x38;
	[tilespmem:$0x18800] =	vst v63  }
0xf1: {  	s26 =	simm.s32 $0x8700;
	s25 =	spop (v2sf);
	s0 =	sadd.s32 s4, s0  }
0xf2: {  	(v2sf) =	vpush v1, $0x7;
	[tilespmem:s26], [sflag:$0x1] =	stream.strided.gather [hbm4b:s0+s12], $0x0, s11, s12, $0x38;
	[tilespmem:$0x18800] =	vst v63  }
0xf3: {  	s1 =	sand.u32 $0x1FFFFFF0, s25  }
0xf4: {  	[tilespmem:s26], [sflag:$0x1] =	stream.linear.gather [hbm4b:s0+s2], $0x40, $0x38;
	[tilespmem:$0x18800] =	vst v63  }
0xf5: {  	s29 =	simm.s32 $0x740;
	s28 =	spop (v2sf);
	s1 =	sadd.s32 s4, s1  }
0xf6: {  	(v2sf) =	vpush v0, $0x7;
	[tilespmem:s29], [sflag:$0x1] =	stream.strided.gather [hbm4b:s1+s12], $0x0, s11, s12, $0x38;
	[tilespmem:$0x18800] =	vst v63  }
0xf7: {  	s0 =	sand.u32 $0x1FFFFFF0, s28  }
0xf8: {  	[tilespmem:s29], [sflag:$0x1] =	stream.linear.gather [hbm4b:s1+s2], $0x40, $0x38;
	[tilespmem:$0x18800] =	vst v63  }
0xf9: {  	s31 =	simm.s32 $0x8740;
	s30 =	spop (v2sf);
	s0 =	sadd.s32 s4, s0  }
0xfa: {  	(v2sf) =	vpush v1, $0x8;
	[tilespmem:s31], [sflag:$0x1] =	stream.strided.gather [hbm4b:s0+s12], $0x0, s11, s12, $0x38;
	[tilespmem:$0x18800] =	vst v63  }
0xfb: {  	s1 =	sand.u32 $0x1FFFFFF0, s30  }
0xfc: {  	[tilespmem:s31], [sflag:$0x1] =	stream.linear.gather [hbm4b:s0+s2], $0x40, $0x38;
	[tilespmem:$0x18800] =	vst v63  }
0xfd: {  	s5 =	simm.s32 $0x780;
	s3 =	spop (v2sf);
	s1 =	sadd.s32 s4, s1  }
0xfe: {  	(v2sf) =	vpush v0, $0x8;
	[tilespmem:s5], [sflag:$0x1] =	stream.strided.gather [hbm4b:s1+s12], $0x0, s11, s12, $0x38;
	[tilespmem:$0x18800] =	vst v63  }
0xff: {  	s0 =	sand.u32 $0x1FFFFFF0, s3  }
0x100: {  	[tilespmem:s5], [sflag:$0x1] =	stream.linear.gather [hbm4b:s1+s2], $0x40, $0x38;
	[tilespmem:$0x18800] =	vst v63  }
0x101: {  	s7 =	simm.s32 $0x8780;
	s6 =	spop (v2sf);
	s0 =	sadd.s32 s4, s0  }
0x102: {  	(v2sf) =	vpush v1, $0x9;
	[tilespmem:s7], [sflag:$0x1] =	stream.strided.gather [hbm4b:s0+s12], $0x0, s11, s12, $0x38;
	[tilespmem:$0x18800] =	vst v63  }
0x103: {  	s1 =	sand.u32 $0x1FFFFFF0, s6  }
0x104: {  	[tilespmem:s7], [sflag:$0x1] =	stream.linear.gather [hbm4b:s0+s2], $0x40, $0x38;
	[tilespmem:$0x18800] =	vst v63  }
0x105: {  	s9 =	simm.s32 $0x7C0;
	s8 =	spop (v2sf);
	s1 =	sadd.s32 s4, s1  }
0x106: {  	(v2sf) =	vpush v0, $0x9;
	[tilespmem:s9], [sflag:$0x1] =	stream.strided.gather [hbm4b:s1+s12], $0x0, s11, s12, $0x38;
	[tilespmem:$0x18800] =	vst v63  }
0x107: {  	s0 =	sand.u32 $0x1FFFFFF0, s8  }
0x108: {  	[tilespmem:s9], [sflag:$0x1] =	stream.linear.gather [hbm4b:s1+s2], $0x40, $0x38;
	[tilespmem:$0x18800] =	vst v63  }
0x109: {  	s17 =	simm.s32 $0x87C0;
	s14 =	spop (v2sf);
	s0 =	sadd.s32 s4, s0  }
0x10a: {  	(v2sf) =	vpush v1, $0xA;
	[tilespmem:s17], [sflag:$0x1] =	stream.strided.gather [hbm4b:s0+s12], $0x0, s11, s12, $0x38;
	[tilespmem:$0x18800] =	vst v63  }
0x10b: {  	s1 =	sand.u32 $0x1FFFFFF0, s14  }
0x10c: {  	[tilespmem:s17], [sflag:$0x1] =	stream.linear.gather [hbm4b:s0+s2], $0x40, $0x38;
	[tilespmem:$0x18800] =	vst v63  }
0x10d: {  	s20 =	simm.s32 $0x800;
	s18 =	spop (v2sf);
	s1 =	sadd.s32 s4, s1  }
0x10e: {  	(v2sf) =	vpush v0, $0xA;
	[tilespmem:s20], [sflag:$0x1] =	stream.strided.gather [hbm4b:s1+s12], $0x0, s11, s12, $0x38;
	[tilespmem:$0x18800] =	vst v63  }
0x10f: {  	s0 =	sand.u32 $0x1FFFFFF0, s18  }
0x110: {  	[tilespmem:s20], [sflag:$0x1] =	stream.linear.gather [hbm4b:s1+s2], $0x40, $0x38;
	[tilespmem:$0x18800] =	vst v63  }
0x111: {  	s22 =	simm.s32 $0x8800;
	s21 =	spop (v2sf);
	s0 =	sadd.s32 s4, s0  }
0x112: {  	(v2sf) =	vpush v1, $0xB;
	[tilespmem:s22], [sflag:$0x1] =	stream.strided.gather [hbm4b:s0+s12], $0x0, s11, s12, $0x38;
	[tilespmem:$0x18800] =	vst v63  }
0x113: {  	s1 =	sand.u32 $0x1FFFFFF0, s21  }
0x114: {  	[tilespmem:s22], [sflag:$0x1] =	stream.linear.gather [hbm4b:s0+s2], $0x40, $0x38;
	[tilespmem:$0x18800] =	vst v63  }
0x115: {  	s24 =	simm.s32 $0x840;
	s23 =	spop (v2sf);
	s1 =	sadd.s32 s4, s1  }
0x116: {  	(v2sf) =	vpush v0, $0xB;
	[tilespmem:s24], [sflag:$0x1] =	stream.strided.gather [hbm4b:s1+s12], $0x0, s11, s12, $0x38;
	[tilespmem:$0x18800] =	vst v63  }
0x117: {  	s0 =	sand.u32 $0x1FFFFFF0, s23  }
0x118: {  	[tilespmem:s24], [sflag:$0x1] =	stream.linear.gather [hbm4b:s1+s2], $0x40, $0x38;
	[tilespmem:$0x18800] =	vst v63  }
0x119: {  	s26 =	simm.s32 $0x8840;
	s25 =	spop (v2sf);
	s0 =	sadd.s32 s4, s0  }
0x11a: {  	(v2sf) =	vpush v1, $0xC;
	[tilespmem:s26], [sflag:$0x1] =	stream.strided.gather [hbm4b:s0+s12], $0x0, s11, s12, $0x38;
	[tilespmem:$0x18800] =	vst v63  }
0x11b: {  	s1 =	sand.u32 $0x1FFFFFF0, s25  }
0x11c: {  	[tilespmem:s26], [sflag:$0x1] =	stream.linear.gather [hbm4b:s0+s2], $0x40, $0x38;
	[tilespmem:$0x18800] =	vst v63  }
0x11d: {  	s29 =	simm.s32 $0x880;
	s28 =	spop (v2sf);
	s1 =	sadd.s32 s4, s1  }
0x11e: {  	(v2sf) =	vpush v0, $0xC;
	[tilespmem:s29], [sflag:$0x1] =	stream.strided.gather [hbm4b:s1+s12], $0x0, s11, s12, $0x38;
	[tilespmem:$0x18800] =	vst v63  }
0x11f: {  	s0 =	sand.u32 $0x1FFFFFF0, s28  }
0x120: {  	[tilespmem:s29], [sflag:$0x1] =	stream.linear.gather [hbm4b:s1+s2], $0x40, $0x38;
	[tilespmem:$0x18800] =	vst v63  }
0x121: {  	s31 =	simm.s32 $0x8880;
	s30 =	spop (v2sf);
	s0 =	sadd.s32 s4, s0  }
0x122: {  	(v2sf) =	vpush v1, $0xD;
	[tilespmem:s31], [sflag:$0x1] =	stream.strided.gather [hbm4b:s0+s12], $0x0, s11, s12, $0x38;
	[tilespmem:$0x18800] =	vst v63  }
0x123: {  	s1 =	sand.u32 $0x1FFFFFF0, s30  }
0x124: {  	[tilespmem:s31], [sflag:$0x1] =	stream.linear.gather [hbm4b:s0+s2], $0x40, $0x38;
	[tilespmem:$0x18800] =	vst v63  }
0x125: {  	s6 =	simm.s32 $0x8C0;
	s5 =	spop (v2sf);
	s1 =	sadd.s32 s4, s1  }
0x126: {  	(v2sf) =	vpush v0, $0xD;
	[tilespmem:s6], [sflag:$0x1] =	stream.strided.gather [hbm4b:s1+s12], $0x0, s11, s12, $0x38;
	[tilespmem:$0x18800] =	vst v63  }
0x127: {  	s0 =	sand.u32 $0x1FFFFFF0, s5  }
0x128: {  	[tilespmem:s6], [sflag:$0x1] =	stream.linear.gather [hbm4b:s1+s2], $0x40, $0x38;
	[tilespmem:$0x18800] =	vst v63  }
0x129: {  	s8 =	simm.s32 $0x88C0;
	s7 =	spop (v2sf);
	s0 =	sadd.s32 s4, s0  }
0x12a: {  	(v2sf) =	vpush v1, $0xE;
	[tilespmem:s8], [sflag:$0x1] =	stream.strided.gather [hbm4b:s0+s12], $0x0, s11, s12, $0x38;
	[tilespmem:$0x18800] =	vst v63  }
0x12b: {  	s1 =	sand.u32 $0x1FFFFFF0, s7  }
0x12c: {  	[tilespmem:s8], [sflag:$0x1] =	stream.linear.gather [hbm4b:s0+s2], $0x40, $0x38;
	[tilespmem:$0x18800] =	vst v63  }
0x12d: {  	s14 =	simm.s32 $0x900;
	s9 =	spop (v2sf);
	s1 =	sadd.s32 s4, s1  }
0x12e: {  	(v2sf) =	vpush v0, $0xE;
	[tilespmem:s14], [sflag:$0x1] =	stream.strided.gather [hbm4b:s1+s12], $0x0, s11, s12, $0x38;
	[tilespmem:$0x18800] =	vst v63  }
0x12f: {  	s0 =	sand.u32 $0x1FFFFFF0, s9  }
0x130: {  	[tilespmem:s14], [sflag:$0x1] =	stream.linear.gather [hbm4b:s1+s2], $0x40, $0x38;
	[tilespmem:$0x18800] =	vst v63  }
0x131: {  	s18 =	simm.s32 $0x8900;
	s17 =	spop (v2sf);
	s0 =	sadd.s32 s4, s0  }
0x132: {  	(v2sf) =	vpush v1, $0xF;
	[tilespmem:s18], [sflag:$0x1] =	stream.strided.gather [hbm4b:s0+s12], $0x0, s11, s12, $0x38;
	[tilespmem:$0x18800] =	vst v63  }
0x133: {  	s1 =	sand.u32 $0x1FFFFFF0, s17  }
0x134: {  	[tilespmem:s18], [sflag:$0x1] =	stream.linear.gather [hbm4b:s0+s2], $0x40, $0x38;
	[tilespmem:$0x18800] =	vst v63  }
0x135: {  	s21 =	simm.s32 $0x940;
	s20 =	spop (v2sf);
	s1 =	sadd.s32 s4, s1  }
0x136: {  	(v2sf) =	vpush v0, $0xF;
	[tilespmem:s21], [sflag:$0x1] =	stream.strided.gather [hbm4b:s1+s12], $0x0, s11, s12, $0x38;
	[tilespmem:$0x18800] =	vst v63  }
0x137: {  	s0 =	sand.u32 $0x1FFFFFF0, s20  }
0x138: {  	[tilespmem:s21], [sflag:$0x1] =	stream.linear.gather [hbm4b:s1+s2], $0x40, $0x38;
	[tilespmem:$0x18800] =	vst v63  }
0x139: {  	s23 =	simm.s32 $0x8940;
	s22 =	spop (v2sf);
	s0 =	sadd.s32 s4, s0  }
0x13a: {  	[tilespmem:s23], [sflag:$0x1] =	stream.strided.gather [hbm4b:s0+s12], $0x0, s11, s12, $0x38;
	[tilespmem:$0x18800] =	vst v63  }
0x13b: {  	s1 =	sand.u32 $0x1FFFFFF0, s22  }
0x13c: {  	[tilespmem:s23], [sflag:$0x1] =	stream.linear.gather [hbm4b:s0+s2], $0x40, $0x38;
	[tilespmem:$0x18800] =	vst v63  }
0x13d: {  	s25 =	simm.s32 $0x980;
	s24 =	spop (v2sf);
	s1 =	sadd.s32 s4, s1  }
0x13e: {  	[tilespmem:s25], [sflag:$0x1] =	stream.strided.gather [hbm4b:s1+s12], $0x0, s11, s12, $0x38;
	[tilespmem:$0x18800] =	vst v63  }
0x13f: {  	s0 =	sand.u32 $0x1FFFFFF0, s24  }
0x140: {  	[tilespmem:s25], [sflag:$0x1] =	stream.linear.gather [hbm4b:s1+s2], $0x40, $0x38;
	[tilespmem:$0x18800] =	vst v63  }
0x141: {  	s28 =	simm.s32 $0x8980;
	s26 =	spop (v2sf);
	s0 =	sadd.s32 s4, s0  }
0x142: {  	[tilespmem:s28], [sflag:$0x1] =	stream.strided.gather [hbm4b:s0+s12], $0x0, s11, s12, $0x38;
	[tilespmem:$0x18800] =	vst v63  }
0x143: {  	s1 =	sand.u32 $0x1FFFFFF0, s26  }
0x144: {  	[tilespmem:s28], [sflag:$0x1] =	stream.linear.gather [hbm4b:s0+s2], $0x40, $0x38;
	[tilespmem:$0x18800] =	vst v63  }
0x145: {  	s30 =	simm.s32 $0x9C0;
	s29 =	spop (v2sf);
	s1 =	sadd.s32 s4, s1  }
0x146: {  	[tilespmem:s30], [sflag:$0x1] =	stream.strided.gather [hbm4b:s1+s12], $0x0, s11, s12, $0x38;
	[tilespmem:$0x18800] =	vst v63  }
0x147: {  	s20 =	simm.s32 $0x1000;
	s31 =	sand.u32 $0x1FFFFFF0, s29  }
0x148: {  	[tilespmem:s30], [sflag:$0x1] =	stream.linear.gather [hbm4b:s1+s2], $0x40, $0x38;
	[tilespmem:$0x18800] =	vst v63  }
0x149: {  	s21 =	simm.s32 $0x0;
	s0 =	simm.s32 $0x89C0;
	s1 =	sadd.s32 s4, s31  }
0x14a: {  	[tilespmem:s0], [sflag:$0x1] =	stream.strided.gather [hbm4b:s1+s12], $0x0, s11, s12, $0x38;
	[tilespmem:$0x18800] =	vst v63  }
.LBB2_2:
0x14b: {  	p0 =	sne.s32 s20, $0x1F000;
	s21 =	sadd.s32 $0x10, s21;
	s19 =	sadd.s32 $0x10, s19  }
0x14c: {  	[tilespmem:s0], [sflag:$0x1] =	stream.linear.gather [hbm4b:s1+s2], $0x40, $0x38;
	[tilespmem:$0x18800] =	vst v63  }
0x14d: {  	s0 =	smov.u32 s20;
	s20 =	sadd.s32 $0x1000, s20;
	v0 =	vld [tilespmem:s21+$0x0];
	_ =	sdelay $0x3  }
0x14e: {  	v1 =	vld [tilespmem:s19+$0x0]  }
0x14f: {  	v0 =	vshll.u32 v0, $0x4  }
0x150: {  	(v2sf) =	vpush v0, $0x0  }
0x151: {  	(v2sf) =	vpush v0, $0x1  }
0x152: {  	(v2sf) =	vpush v0, $0x2  }
0x153: {  	v1 =	vshll.u32 v1, $0x4  }
0x154: {  	(v2sf) =	vpush v1, $0x0;
	_ =	sdelay $0x1  }
0x155: {  	(v2sf) =	vpush v1, $0x1  }
0x156: {  	(v2sf) =	vpush v1, $0x2;
	_ =	sdelay $0x3  }
0x157: {  	(v2sf) =	vpush v0, $0x3;
	_ =	sdelay $0x3  }
0x158: {  	s1 =	spop (v2sf);
	(v2sf) =	vpush v1, $0x3  }
0x159: {  	s22 =	sshra.s32 s0, $0x2;
	s0 =	sand.u32 $0x1FFFFFF0, s1;
	s1 =	spop (v2sf)  }
0x15a: {  	s3 =	sadd.s32 $0x600, s22;
	s0 =	sadd.s32 s4, s0;
	s5 =	spop (v2sf)  }
0x15b: {  	[tilespmem:s3], [sflag:$0x1] =	stream.strided.gather [hbm4b:s0+s12], $0x0, s11, s12, $0x38;
	[tilespmem:$0x18800] =	vst v63  }
0x15c: {  	s1 =	sand.u32 $0x1FFFFFF0, s1;
	s5 =	sand.u32 $0x1FFFFFF0, s5;
	s6 =	spop (v2sf);
	(v2sf) =	vpush v0, $0x4  }
0x15d: {  	[tilespmem:s3], [sflag:$0x1] =	stream.linear.gather [hbm4b:s0+s2], $0x40, $0x38;
	[tilespmem:$0x18800] =	vst v63  }
0x15e: {  	s0 =	sadd.s32 $0x8600, s22;
	s3 =	sand.u32 $0x1FFFFFF0, s6;
	s6 =	spop (v2sf);
	(v2sf) =	vpush v1, $0x4  }
0x15f: {  	s3 =	sadd.s32 s4, s3;
	s6 =	sand.u32 $0x1FFFFFF0, s6;
	s7 =	spop (v2sf)  }
0x160: {  	[tilespmem:s0], [sflag:$0x1] =	stream.strided.gather [hbm4b:s3+s12], $0x0, s11, s12, $0x38;
	(v2sf) =	vpush v0, $0x5;
	[tilespmem:$0x18800] =	vst v63  }
0x161: {  	s17 =	sadd.s32 $0x640, s22;
	s1 =	sadd.s32 s4, s1;
	s7 =	sand.u32 $0x1FFFFFF0, s7  }
0x162: {  	[tilespmem:s0], [sflag:$0x1] =	stream.linear.gather [hbm4b:s3+s2], $0x40, $0x38;
	(v2sf) =	vpush v1, $0x5;
	[tilespmem:$0x18800] =	vst v63  }
0x163: {  	s0 =	spop (v2sf)  }
0x164: {  	[tilespmem:s17], [sflag:$0x1] =	stream.strided.gather [hbm4b:s1+s12], $0x0, s11, s12, $0x38;
	(v2sf) =	vpush v0, $0x6;
	[tilespmem:$0x18800] =	vst v63  }
0x165: {  	s6 =	sadd.s32 s4, s6;
	s3 =	sadd.s32 $0x8640, s22;
	s0 =	sand.u32 $0x1FFFFFF0, s0  }
0x166: {  	[tilespmem:s17], [sflag:$0x1] =	stream.linear.gather [hbm4b:s1+s2], $0x40, $0x38;
	(v2sf) =	vpush v1, $0x6;
	[tilespmem:$0x18800] =	vst v63  }
0x167: {  	s1 =	spop (v2sf)  }
0x168: {  	[tilespmem:s3], [sflag:$0x1] =	stream.strided.gather [hbm4b:s6+s12], $0x0, s11, s12, $0x38;
	(v2sf) =	vpush v0, $0x7;
	[tilespmem:$0x18800] =	vst v63  }
0x169: {  	s5 =	sadd.s32 s4, s5;
	s17 =	sadd.s32 $0x680, s22;
	s23 =	sand.u32 $0x1FFFFFF0, s1  }
0x16a: {  	[tilespmem:s3], [sflag:$0x1] =	stream.linear.gather [hbm4b:s6+s2], $0x40, $0x38;
	(v2sf) =	vpush v1, $0x7;
	[tilespmem:$0x18800] =	vst v63  }
0x16b: {  	s1 =	spop (v2sf)  }
0x16c: {  	[tilespmem:s17], [sflag:$0x1] =	stream.strided.gather [hbm4b:s5+s12], $0x0, s11, s12, $0x38;
	(v2sf) =	vpush v0, $0x8;
	[tilespmem:$0x18800] =	vst v63  }
0x16d: {  	s3 =	sadd.s32 $0x8680, s22;
	s6 =	sadd.s32 s4, s7;
	s7 =	spop (v2sf)  }
0x16e: {  	[tilespmem:s17], [sflag:$0x1] =	stream.linear.gather [hbm4b:s5+s2], $0x40, $0x38;
	(v2sf) =	vpush v1, $0x8;
	[tilespmem:$0x18800] =	vst v63  }
0x16f: {  	s17 =	sand.u32 $0x1FFFFFF0, s1;
	s7 =	sand.u32 $0x1FFFFFF0, s7;
	s1 =	spop (v2sf)  }
0x170: {  	[tilespmem:s3], [sflag:$0x1] =	stream.strided.gather [hbm4b:s6+s12], $0x0, s11, s12, $0x38;
	(v2sf) =	vpush v0, $0x9;
	[tilespmem:$0x18800] =	vst v63  }
0x171: {  	s0 =	sadd.s32 s4, s0;
	s5 =	sadd.s32 $0x6C0, s22;
	s24 =	spop (v2sf)  }
0x172: {  	[tilespmem:s3], [sflag:$0x1] =	stream.linear.gather [hbm4b:s6+s2], $0x40, $0x38;
	(v2sf) =	vpush v1, $0x9;
	[tilespmem:$0x18800] =	vst v63  }
0x173: {  	s6 =	sand.u32 $0x1FFFFFF0, s1;
	s1 =	sand.u32 $0x1FFFFFF0, s24;
	s3 =	spop (v2sf)  }
0x174: {  	[tilespmem:s5], [sflag:$0x1] =	stream.strided.gather [hbm4b:s0+s12], $0x0, s11, s12, $0x38;
	(v2sf) =	vpush v0, $0xA;
	[tilespmem:$0x18800] =	vst v63  }
0x175: {  	s23 =	sadd.s32 s4, s23;
	s24 =	sadd.s32 $0x86C0, s22;
	s25 =	spop (v2sf)  }
0x176: {  	[tilespmem:s5], [sflag:$0x1] =	stream.linear.gather [hbm4b:s0+s2], $0x40, $0x38;
	(v2sf) =	vpush v1, $0xA;
	[tilespmem:$0x18800] =	vst v63  }
0x177: {  	s5 =	sand.u32 $0x1FFFFFF0, s3;
	s3 =	sand.u32 $0x1FFFFFF0, s25;
	s0 =	spop (v2sf)  }
0x178: {  	[tilespmem:s24], [sflag:$0x1] =	stream.strided.gather [hbm4b:s23+s12], $0x0, s11, s12, $0x38;
	(v2sf) =	vpush v0, $0xB;
	[tilespmem:$0x18800] =	vst v63  }
0x179: {  	s26 =	sadd.s32 $0x700, s22;
	s17 =	sadd.s32 s4, s17;
	s28 =	spop (v2sf)  }
0x17a: {  	[tilespmem:s24], [sflag:$0x1] =	stream.linear.gather [hbm4b:s23+s2], $0x40, $0x38;
	(v2sf) =	vpush v1, $0xB;
	[tilespmem:$0x18800] =	vst v63  }
0x17b: {  	s25 =	sand.u32 $0x1FFFFFF0, s0;
	s23 =	sand.u32 $0x1FFFFFF0, s28;
	s0 =	spop (v2sf)  }
0x17c: {  	[tilespmem:s26], [sflag:$0x1] =	stream.strided.gather [hbm4b:s17+s12], $0x0, s11, s12, $0x38;
	(v2sf) =	vpush v0, $0xC;
	[tilespmem:$0x18800] =	vst v63  }
0x17d: {  	s7 =	sadd.s32 s4, s7;
	s28 =	sadd.s32 $0x8700, s22;
	s29 =	spop (v2sf)  }
0x17e: {  	[tilespmem:s26], [sflag:$0x1] =	stream.linear.gather [hbm4b:s17+s2], $0x40, $0x38;
	(v2sf) =	vpush v1, $0xC;
	[tilespmem:$0x18800] =	vst v63  }
0x17f: {  	s24 =	sand.u32 $0x1FFFFFF0, s0;
	s17 =	sand.u32 $0x1FFFFFF0, s29;
	s0 =	spop (v2sf)  }
0x180: {  	[tilespmem:s28], [sflag:$0x1] =	stream.strided.gather [hbm4b:s7+s12], $0x0, s11, s12, $0x38;
	(v2sf) =	vpush v0, $0xD;
	[tilespmem:$0x18800] =	vst v63  }
0x181: {  	s6 =	sadd.s32 s4, s6;
	s26 =	sadd.s32 $0x740, s22;
	s29 =	spop (v2sf)  }
0x182: {  	[tilespmem:s28], [sflag:$0x1] =	stream.linear.gather [hbm4b:s7+s2], $0x40, $0x38;
	(v2sf) =	vpush v1, $0xD;
	[tilespmem:$0x18800] =	vst v63  }
0x183: {  	s7 =	sand.u32 $0x1FFFFFF0, s0;
	s0 =	sand.u32 $0x1FFFFFF0, s29;
	s28 =	spop (v2sf)  }
0x184: {  	[tilespmem:s26], [sflag:$0x1] =	stream.strided.gather [hbm4b:s6+s12], $0x0, s11, s12, $0x38;
	(v2sf) =	vpush v0, $0xE;
	[tilespmem:$0x18800] =	vst v63  }
0x185: {  	s30 =	sadd.s32 s4, s1;
	s29 =	sadd.s32 $0x8740, s22;
	s1 =	spop (v2sf)  }
0x186: {  	[tilespmem:s26], [sflag:$0x1] =	stream.linear.gather [hbm4b:s6+s2], $0x40, $0x38;
	[tilespmem:$0x18800] =	vst v63  }
0x187: {  	s6 =	sand.u32 $0x1FFFFFF0, s28;
	s1 =	sand.u32 $0x1FFFFFF0, s1;
	s26 =	spop (v2sf)  }
0x188: {  	[tilespmem:s29], [sflag:$0x1] =	stream.strided.gather [hbm4b:s30+s12], $0x0, s11, s12, $0x38;
	(v2sf) =	vpush v1, $0xE;
	[tilespmem:$0x18800] =	vst v63  }
0x189: {  	s31 =	sadd.s32 s4, s5;
	s28 =	sadd.s32 $0x780, s22;
	s8 =	spop (v2sf)  }
0x18a: {  	[tilespmem:s29], [sflag:$0x1] =	stream.linear.gather [hbm4b:s30+s2], $0x40, $0x38;
	(v2sf) =	vpush v0, $0xF;
	[tilespmem:$0x18800] =	vst v63  }
0x18b: {  	s5 =	sand.u32 $0x1FFFFFF0, s26;
	s30 =	sand.u32 $0x1FFFFFF0, s8;
	s8 =	spop (v2sf)  }
0x18c: {  	[tilespmem:s28], [sflag:$0x1] =	stream.strided.gather [hbm4b:s31+s12], $0x0, s11, s12, $0x38;
	(v2sf) =	vpush v1, $0xF;
	[tilespmem:$0x18800] =	vst v63  }
0x18d: {  	s9 =	sadd.s32 s4, s3;
	s26 =	sadd.s32 $0x8780, s22;
	s29 =	spop (v2sf)  }
0x18e: {  	[tilespmem:s28], [sflag:$0x1] =	stream.linear.gather [hbm4b:s31+s2], $0x40, $0x38;
	[tilespmem:$0x18800] =	vst v63  }
0x18f: {  	s3 =	sand.u32 $0x1FFFFFF0, s8;
	s29 =	sand.u32 $0x1FFFFFF0, s29;
	s8 =	spop (v2sf)  }
0x190: {  	[tilespmem:s26], [sflag:$0x1] =	stream.strided.gather [hbm4b:s9+s12], $0x0, s11, s12, $0x38;
	[tilespmem:$0x18800] =	vst v63  }
0x191: {  	s14 =	sadd.s32 $0x7C0, s22;
	s18 =	sadd.s32 s4, s25;
	s25 =	spop (v2sf)  }
0x192: {  	[tilespmem:s26], [sflag:$0x1] =	stream.linear.gather [hbm4b:s9+s2], $0x40, $0x38;
	[tilespmem:$0x18800] =	vst v63  }
0x193: {  	s31 =	sand.u32 $0x1FFFFFF0, s8;
	s28 =	sand.u32 $0x1FFFFFF0, s25;
	s8 =	spop (v2sf)  }
0x194: {  	[tilespmem:s14], [sflag:$0x1] =	stream.strided.gather [hbm4b:s18+s12], $0x0, s11, s12, $0x38;
	[tilespmem:$0x18800] =	vst v63  }
0x195: {  	s23 =	sadd.s32 s4, s23;
	s9 =	sadd.s32 $0x87C0, s22;
	s25 =	sand.u32 $0x1FFFFFF0, s8  }
0x196: {  	[tilespmem:s14], [sflag:$0x1] =	stream.linear.gather [hbm4b:s18+s2], $0x40, $0x38;
	[tilespmem:$0x18800] =	vst v63  }
0x197: {  	s26 =	spop (v2sf)  }
0x198: {  	[tilespmem:s9], [sflag:$0x1] =	stream.strided.gather [hbm4b:s23+s12], $0x0, s11, s12, $0x38;
	[tilespmem:$0x18800] =	vst v63  }
0x199: {  	s8 =	sadd.s32 $0x800, s22;
	s14 =	sadd.s32 s4, s24;
	s18 =	spop (v2sf)  }
0x19a: {  	[tilespmem:s9], [sflag:$0x1] =	stream.linear.gather [hbm4b:s23+s2], $0x40, $0x38;
	[tilespmem:$0x18800] =	vst v63  }
0x19b: {  	s24 =	sand.u32 $0x1FFFFFF0, s18;
	s23 =	spop (v2sf)  }
0x19c: {  	[tilespmem:s8], [sflag:$0x1] =	stream.strided.gather [hbm4b:s14+s12], $0x0, s11, s12, $0x38;
	[tilespmem:$0x18800] =	vst v63  }
0x19d: {  	s17 =	sadd.s32 s4, s17;
	s9 =	sadd.s32 $0x8800, s22  }
0x19e: {  	[tilespmem:s8], [sflag:$0x1] =	stream.linear.gather [hbm4b:s14+s2], $0x40, $0x38;
	[tilespmem:$0x18800] =	vst v63  }
0x19f: {  	_ = 	snop  }
0x1a0: {  	[tilespmem:s9], [sflag:$0x1] =	stream.strided.gather [hbm4b:s17+s12], $0x0, s11, s12, $0x38;
	[tilespmem:$0x18800] =	vst v63  }
0x1a1: {  	s7 =	sadd.s32 s4, s7;
	s8 =	sadd.s32 $0x840, s22  }
0x1a2: {  	[tilespmem:s9], [sflag:$0x1] =	stream.linear.gather [hbm4b:s17+s2], $0x40, $0x38;
	[tilespmem:$0x18800] =	vst v63  }
0x1a3: {  	_ = 	snop  }
0x1a4: {  	[tilespmem:s8], [sflag:$0x1] =	stream.strided.gather [hbm4b:s7+s12], $0x0, s11, s12, $0x38;
	[tilespmem:$0x18800] =	vst v63  }
0x1a5: {  	s0 =	sadd.s32 s4, s0;
	s9 =	sadd.s32 $0x8840, s22  }
0x1a6: {  	[tilespmem:s8], [sflag:$0x1] =	stream.linear.gather [hbm4b:s7+s2], $0x40, $0x38;
	[tilespmem:$0x18800] =	vst v63  }
0x1a7: {  	_ = 	snop  }
0x1a8: {  	[tilespmem:s9], [sflag:$0x1] =	stream.strided.gather [hbm4b:s0+s12], $0x0, s11, s12, $0x38;
	[tilespmem:$0x18800] =	vst v63  }
0x1a9: {  	s6 =	sadd.s32 s4, s6;
	s7 =	sadd.s32 $0x880, s22  }
0x1aa: {  	[tilespmem:s9], [sflag:$0x1] =	stream.linear.gather [hbm4b:s0+s2], $0x40, $0x38;
	[tilespmem:$0x18800] =	vst v63  }
0x1ab: {  	_ = 	snop  }
0x1ac: {  	[tilespmem:s7], [sflag:$0x1] =	stream.strided.gather [hbm4b:s6+s12], $0x0, s11, s12, $0x38;
	[tilespmem:$0x18800] =	vst v63  }
0x1ad: {  	s1 =	sadd.s32 s4, s1;
	s0 =	sadd.s32 $0x8880, s22  }
0x1ae: {  	[tilespmem:s7], [sflag:$0x1] =	stream.linear.gather [hbm4b:s6+s2], $0x40, $0x38;
	[tilespmem:$0x18800] =	vst v63  }
0x1af: {  	_ = 	snop  }
0x1b0: {  	[tilespmem:s0], [sflag:$0x1] =	stream.strided.gather [hbm4b:s1+s12], $0x0, s11, s12, $0x38;
	[tilespmem:$0x18800] =	vst v63  }
0x1b1: {  	s5 =	sadd.s32 s4, s5;
	s6 =	sadd.s32 $0x8C0, s22  }
0x1b2: {  	[tilespmem:s0], [sflag:$0x1] =	stream.linear.gather [hbm4b:s1+s2], $0x40, $0x38;
	[tilespmem:$0x18800] =	vst v63  }
0x1b3: {  	_ = 	snop  }
0x1b4: {  	[tilespmem:s6], [sflag:$0x1] =	stream.strided.gather [hbm4b:s5+s12], $0x0, s11, s12, $0x38;
	[tilespmem:$0x18800] =	vst v63  }
0x1b5: {  	s0 =	sadd.s32 $0x88C0, s22;
	s1 =	sadd.s32 s4, s30  }
0x1b6: {  	[tilespmem:s6], [sflag:$0x1] =	stream.linear.gather [hbm4b:s5+s2], $0x40, $0x38;
	[tilespmem:$0x18800] =	vst v63  }
0x1b7: {  	_ = 	snop  }
0x1b8: {  	[tilespmem:s0], [sflag:$0x1] =	stream.strided.gather [hbm4b:s1+s12], $0x0, s11, s12, $0x38;
	[tilespmem:$0x18800] =	vst v63  }
0x1b9: {  	s3 =	sadd.s32 s4, s3;
	s5 =	sadd.s32 $0x900, s22  }
0x1ba: {  	[tilespmem:s0], [sflag:$0x1] =	stream.linear.gather [hbm4b:s1+s2], $0x40, $0x38;
	[tilespmem:$0x18800] =	vst v63  }
0x1bb: {  	_ = 	snop  }
0x1bc: {  	[tilespmem:s5], [sflag:$0x1] =	stream.strided.gather [hbm4b:s3+s12], $0x0, s11, s12, $0x38;
	[tilespmem:$0x18800] =	vst v63  }
0x1bd: {  	s0 =	sadd.s32 $0x8900, s22;
	s1 =	sadd.s32 s4, s29  }
0x1be: {  	[tilespmem:s5], [sflag:$0x1] =	stream.linear.gather [hbm4b:s3+s2], $0x40, $0x38;
	[tilespmem:$0x18800] =	vst v63  }
0x1bf: {  	_ = 	snop  }
0x1c0: {  	[tilespmem:s0], [sflag:$0x1] =	stream.strided.gather [hbm4b:s1+s12], $0x0, s11, s12, $0x38;
	[tilespmem:$0x18800] =	vst v63  }
0x1c1: {  	s3 =	sadd.s32 $0x940, s22;
	s5 =	sadd.s32 s4, s31  }
0x1c2: {  	[tilespmem:s0], [sflag:$0x1] =	stream.linear.gather [hbm4b:s1+s2], $0x40, $0x38;
	[tilespmem:$0x18800] =	vst v63  }
0x1c3: {  	_ = 	snop  }
0x1c4: {  	[tilespmem:s3], [sflag:$0x1] =	stream.strided.gather [hbm4b:s5+s12], $0x0, s11, s12, $0x38;
	[tilespmem:$0x18800] =	vst v63  }
0x1c5: {  	s0 =	sadd.s32 $0x8940, s22;
	s1 =	sadd.s32 s4, s28  }
0x1c6: {  	[tilespmem:s3], [sflag:$0x1] =	stream.linear.gather [hbm4b:s5+s2], $0x40, $0x38;
	[tilespmem:$0x18800] =	vst v63  }
0x1c7: {  	_ = 	snop  }
0x1c8: {  	[tilespmem:s0], [sflag:$0x1] =	stream.strided.gather [hbm4b:s1+s12], $0x0, s11, s12, $0x38;
	[tilespmem:$0x18800] =	vst v63  }
0x1c9: {  	s3 =	sadd.s32 $0x980, s22;
	s5 =	sadd.s32 s4, s25  }
0x1ca: {  	[tilespmem:s0], [sflag:$0x1] =	stream.linear.gather [hbm4b:s1+s2], $0x40, $0x38;
	[tilespmem:$0x18800] =	vst v63  }
0x1cb: {  	s0 =	sand.u32 $0x1FFFFFF0, s26  }
0x1cc: {  	[tilespmem:s3], [sflag:$0x1] =	stream.strided.gather [hbm4b:s5+s12], $0x0, s11, s12, $0x38;
	[tilespmem:$0x18800] =	vst v63  }
0x1cd: {  	s1 =	sadd.s32 $0x8980, s22;
	s0 =	sadd.s32 s4, s0  }
0x1ce: {  	[tilespmem:s3], [sflag:$0x1] =	stream.linear.gather [hbm4b:s5+s2], $0x40, $0x38;
	[tilespmem:$0x18800] =	vst v63  }
0x1cf: {  	_ = 	snop  }
0x1d0: {  	[tilespmem:s1], [sflag:$0x1] =	stream.strided.gather [hbm4b:s0+s12], $0x0, s11, s12, $0x38;
	[tilespmem:$0x18800] =	vst v63  }
0x1d1: {  	s3 =	sadd.s32 $0x9C0, s22;
	s5 =	sadd.s32 s4, s24  }
0x1d2: {  	[tilespmem:s1], [sflag:$0x1] =	stream.linear.gather [hbm4b:s0+s2], $0x40, $0x38;
	[tilespmem:$0x18800] =	vst v63  }
0x1d3: {  	s1 =	sand.u32 $0x1FFFFFF0, s23  }
0x1d4: {  	[tilespmem:s3], [sflag:$0x1] =	stream.strided.gather [hbm4b:s5+s12], $0x0, s11, s12, $0x38;
	[tilespmem:$0x18800] =	vst v63  }
.Ltmp0:
0x1d5: {  	_ = 	snop;
	(pc) =	sbr.rel @p0 .LBB2_2-.Ltmp0, $4  }
0x1d6: {  	s0 =	sadd.s32 $0x89C0, s22;
	s1 =	sadd.s32 s4, s1  }
0x1d7: {  	[tilespmem:s3], [sflag:$0x1] =	stream.linear.gather [hbm4b:s5+s2], $0x40, $0x38;
	[tilespmem:$0x18800] =	vst v63  }
0x1d8: {  	_ = 	snop  }
0x1d9: {  	[tilespmem:s0], [sflag:$0x1] =	stream.strided.gather [hbm4b:s1+s12], $0x0, s11, s12, $0x38;
	[tilespmem:$0x18800] =	vst v63  }
0x1da: {  	[tilespmem:s0], [sflag:$0x1] =	stream.linear.gather [hbm4b:s1+s2], $0x40, $0x38;
	[tilespmem:$0x18800] =	vst v63  }
0x1db: {  	s19 =	simm.s32 $0x0;
	s30 =	rddreg [dreg:$0x4]  }
0x1dc: {  	[tilespmem:s13], [sflag:$0x2] =	stream.linear.gather [hbm4b:s30+s19], $0x8000, $0x38;
	[tilespmem:$0x18800] =	vst v63  }
0x1dd: {  	_ =	swait.ge [sflag:s10], $0x8000  }
0x1de: {  	[sflag:s10] =	ssyncset.done $0x0  }
0x1df: {  	s31 =	simm.s32 $0x1;
	[sflag:s10] =	ssyncadd.s32 $0xFFFF8000  }
0x1e0: {  	_ =	swait.ge [sflag:s31], $0x8000  }
0x1e1: {  	[sflag:s31] =	ssyncset.done $0x0  }
0x1e2: {  	[sflag:s31] =	ssyncadd.s32 $0xFFFF8000  }
0x1e3: {  	_ =	swait.ge [sflag:s31], $0x8000  }
0x1e4: {  	[sflag:s31] =	ssyncset.done $0x0  }
0x1e5: {  	s20 =	simm.s32 $0x400;
	s21 =	simm.s32 $0x18600;
	[sflag:s31] =	ssyncadd.s32 $0xFFFF8000  }
.LBB2_4:
0x1e6: {  	v1 =	vld [tilespmem:s20+$0x0];
	_ =	sdelay $0x1  }
0x1e7: {  	v0 =	vmov s19  }
0x1e8: {  	v0 =	vshll.u32 v0, $0x6  }
0x1e9: {  	v0 =	vor.u32 v3, v0  }
0x1ea: {  	v55 =	vand.u32 $0x7F80, v0;
	v54 =	vshll.u32 v1, $0x6  }
0x1eb: {  	v3 =	vor.u32 v4, v54;
	v4 =	vor.u32 v5, v55;
	v5 =	vor.u32 v8, v55;
	_ =	sdelay $0x3  }
0x1ec: {  	v0 =	vor.u32 v16, v55  }
0x1ed: {  	v43 =	vld.idx.msk [tilespmem:v5+s15+$0x0], $0xffff  }
0x1ee: {  	v29 =	vld.idx.msk [tilespmem:v5+s16+$0x0], $0xffff;
	v5 =	vor.u32 v15, v55;
	_ =	sdelay $0x2  }
0x1ef: {  	v57 =	vld.idx.msk [tilespmem:v0+s15+$0x0], $0xffff  }
0x1f0: {  	v44 =	vld.idx.msk [tilespmem:v0+s16+$0x0], $0xffff  }
0x1f1: {  	v0 =	vld.idx.msk [tilespmem:v5+s16+$0x0], $0xffff;
	_ =	sdelay $0x3  }
0x1f2: {  	v1 =	vor.u32 v2, v54  }
0x1f3: {  	v8 =	vor.u32 v11, v55;
	v11 =	vor.u32 v37, v55;
	[tilespmem:$0x1F510] =	vst v0;
	v0 =	vld [tilespmem:$0x1FD00];
	_ =	sdelay $0x3  }
0x1f4: {  	v9 =	vld.idx.msk [tilespmem:v1+s13+$0x0], $0xffff;
	v1 =	vor.u32 v6, v54;
	v6 =	vor.u32 v10, v54  }
0x1f5: {  	v10 =	vor.u32 v13, v54;
	v13 =	vor.u32 v49, v55;
	v15 =	vor.u32 v0, v54;
	v0 =	vld.idx.msk [tilespmem:v11+s16+$0x0], $0xffff;
	_ =	sdelay $0x4  }
0x1f6: {  	[tilespmem:$0x1F520] =	vst v0;
	v0 =	vld.idx.msk [tilespmem:v13+s15+$0x0], $0xffff;
	_ =	sdelay $0x4  }
0x1f7: {  	[tilespmem:$0x1F530] =	vst v0;
	v0 =	vld [tilespmem:$0x1FD10];
	_ =	sdelay $0x1  }
0x1f8: {  	v19 =	vld.idx.msk [tilespmem:v6+s13+$0x0], $0xffff  }
0x1f9: {  	v6 =	vor.u32 v30, v54;
	v30 =	vld.idx.msk [tilespmem:v10+s13+$0x0], $0xffff  }
0x1fa: {  	v10 =	vor.u32 v39, v54;
	v39 =	vld.idx.msk [tilespmem:v11+s15+$0x0], $0xffff  }
0x1fb: {  	v11 =	vor.u32 v20, v55;
	v16 =	vor.u32 v0, v54;
	v0 =	vld.idx.msk [tilespmem:v13+s16+$0x0], $0xffff;
	_ =	sdelay $0x4  }
0x1fc: {  	[tilespmem:$0x1F540] =	vst v0;
	v0 =	vld.idx.msk [tilespmem:v11+s15+$0x0], $0xffff;
	_ =	sdelay $0x4  }
0x1fd: {  	[tilespmem:$0x1F550] =	vst v0;
	v0 =	vld [tilespmem:$0x1FD20];
	_ =	sdelay $0x4  }
0x1fe: {  	v2 =	vor.u32 v17, v55;
	v13 =	vor.u32 v7, v55;
	v17 =	vor.u32 v0, v54;
	v0 =	vld.idx.msk [tilespmem:v11+s16+$0x0], $0xffff;
	_ =	sdelay $0x4  }
0x1ff: {  	[tilespmem:$0x1F560] =	vst v0;
	v0 =	vld.idx.msk [tilespmem:v13+s15+$0x0], $0xffff;
	_ =	sdelay $0x4  }
0x200: {  	[tilespmem:$0x1F570] =	vst v0;
	v0 =	vld.idx.msk [tilespmem:v13+s16+$0x0], $0xffff;
	_ =	sdelay $0x4  }
0x201: {  	[tilespmem:$0x1F590] =	vst v0;
	v0 =	vld [tilespmem:$0x1F960];
	_ =	sdelay $0x1  }
0x202: {  	v27 =	vsel vm0, v27, v26  }
0x203: {  	v41 =	vld.idx.msk [tilespmem:v15+s13+$0x0], $0xffff;
	v15 =	vcombine.low v22, v27;
	_ =	sdelay $0x1  }
0x204: {  	v11 =	vor.u32 v15, v55;
	v33 =	vsel vm0, v50, v0;
	v0 =	vld.idx.msk [tilespmem:v17+s13+$0x0], $0xffff;
	_ =	sdelay $0x4  }
0x205: {  	[tilespmem:$0x1F580] =	vst v0;
	v0 =	vld.idx.msk [tilespmem:v11+s16+$0x0], $0xffff;
	_ =	sdelay $0x4  }
0x206: {  	[tilespmem:$0x1F5A0] =	vst v0;
	v0 =	vld [tilespmem:$0x1FDF0];
	_ =	sdelay $0x1  }
0x207: {  	v32 =	vsel vm0, v48, v28  }
0x208: {  	v49 =	vld.idx.msk [tilespmem:v16+s13+$0x0], $0xffff;
	v16 =	vcombine.low v24, v32;
	_ =	sdelay $0x1  }
0x209: {  	v22 =	vor.u32 v16, v55;
	v36 =	vsel vm0, v52, v0;
	v0 =	vld [tilespmem:$0x1FDA0];
	_ =	sdelay $0x4  }
0x20a: {  	v26 =	vcombine.low v0, v36;
	v0 =	vld.idx.msk [tilespmem:v22+s15+$0x0], $0xffff;
	_ =	sdelay $0x4  }
0x20b: {  	[tilespmem:$0x1F5B0] =	vst v0;
	v0 =	vld.idx.msk [tilespmem:v22+s16+$0x0], $0xffff;
	_ =	sdelay $0x2  }
0x20c: {  	v24 =	vcombine.low v25, v33;
	_ =	sdelay $0x1  }
0x20d: {  	v24 =	vor.u32 v24, v55;
	[tilespmem:$0x1F5C0] =	vst v0;
	v0 =	vld [tilespmem:$0x1FE60];
	_ =	sdelay $0x4  }
0x20e: {  	v37 =	vsel vm0, v53, v0;
	v0 =	vld.idx.msk [tilespmem:v24+s15+$0x0], $0xffff;
	_ =	sdelay $0x4  }
0x20f: {  	v26 =	vor.u32 v26, v55;
	[tilespmem:$0x1F5D0] =	vst v0;
	v0 =	vld.idx.msk [tilespmem:v24+s16+$0x0], $0xffff;
	_ =	sdelay $0x4  }
0x210: {  	[tilespmem:$0x1F5E0] =	vst v0;
	v0 =	vld.idx.msk [tilespmem:v26+s15+$0x0], $0xffff;
	_ =	sdelay $0x4  }
0x211: {  	[tilespmem:$0x1F5F0] =	vst v0;
	v0 =	vld.idx.msk [tilespmem:v26+s16+$0x0], $0xffff;
	_ =	sdelay $0x2  }
0x212: {  	v28 =	vcombine.low v35, v37  }
0x213: {  	v51 =	vld [tilespmem:$0x1F990]  }
0x214: {  	v35 =	vor.u32 v28, v55;
	[tilespmem:$0x1F600] =	vst v0;
	v0 =	vld [tilespmem:$0x1FE10]  }
0x215: {  	v62 =	vld [tilespmem:$0x1F980]  }
0x216: {  	v63 =	vld [tilespmem:$0x1F970]  }
0x217: {  	v47 =	vld [tilespmem:$0x1FCF0]  }
0x218: {  	v61 =	vsel vm0, v56, v50;
	v42 =	vld.idx.msk [tilespmem:v2+s15+$0x0], $0xffff  }
0x219: {  	v59 =	vcombine.low v0, v61;
	v0 =	vld.idx.msk [tilespmem:v35+s16+$0x0], $0xffff  }
0x21a: {  	v23 =	vld.idx.msk [tilespmem:v2+s16+$0x0], $0xffff  }
0x21b: {  	v14 =	vld.idx.msk [tilespmem:v3+s13+$0x0], $0xffff  }
0x21c: {  	v18 =	vld.idx.msk [tilespmem:v4+s15+$0x0], $0xffff  }
0x21d: {  	v38 =	vsel vm0, v58, v48;
	v21 =	vld.idx.msk [tilespmem:v4+s16+$0x0], $0xffff  }
0x21e: {  	v46 =	vlaneseq.u32;
	v60 =	vmovc v40;
	v31 =	vld.idx.msk [tilespmem:v8+s15+$0x0], $0xffff;
	v48 =	vor.u32 v59, v55;
	[tilespmem:$0x1F610] =	vst v0;
	v0 =	vsel vm0, v63, v52  }
0x21f: {  	v12 =	vld.idx.msk [tilespmem:v1+s13+$0x0], $0xffff;
	v1 =	vsel vm0, v62, v53;
	v16 =	vadd.s32 $0xB, v46;
	v59 =	vcombine.low v60, v0  }
0x220: {  	v40 =	vld.idx.msk [tilespmem:v8+s16+$0x0], $0xffff;
	v27 =	vcombine.low v27, v1;
	v25 =	vor.u32 v16, v54  }
0x221: {  	v8 =	vld [tilespmem:$0x1F9B0];
	v59 =	vor.u32 v59, v55  }
0x222: {  	v45 =	vld.idx.msk [tilespmem:v5+s15+$0x0], $0xffff;
	v27 =	vor.u32 v27, v55  }
0x223: {  	v2 =	vld.idx.msk [tilespmem:v48+s15+$0x0], $0xffff  }
0x224: {  	v34 =	vld.idx.msk [tilespmem:v6+s13+$0x0], $0xffff  }
0x225: {  	v22 =	vld.idx.msk [tilespmem:v25+s13+$0x0], $0xffff  }
0x226: {  	v25 =	vadd.s32 $0xD, v46;
	v3 =	vld.idx.msk [tilespmem:v59+s16+$0x0], $0xffff  }
0x227: {  	v4 =	vld.idx.msk [tilespmem:v27+s16+$0x0], $0xffff;
	v25 =	vor.u32 v25, v54  }
0x228: {  	v24 =	vadd.s32 $0xE, v46;
	[tilespmem:$0x1F620] =	vst v2;
	v2 =	vld.idx.msk [tilespmem:v48+s16+$0x0], $0xffff  }
0x229: {  	v20 =	vld.idx.msk [tilespmem:v10+s13+$0x0], $0xffff;
	v28 =	vcombine.low v47, v38;
	v47 =	vor.u32 v24, v54  }
0x22a: {  	v7 =	vld [tilespmem:$0x1F9A0]  }
0x22b: {  	v26 =	vor.u32 v28, v55;
	[tilespmem:$0x1F640] =	vst v3;
	v3 =	vld [tilespmem:$0x1FEC0]  }
0x22c: {  	[tilespmem:$0x1F650] =	vst v4;
	v24 =	vld.idx.msk [tilespmem:v25+s13+$0x0], $0xffff;
	v25 =	vadd.s32 $0xF, v46  }
0x22d: {  	v4 =	vld [tilespmem:$0x1F970];
	v50 =	vor.u32 v25, v54;
	[tilespmem:$0x1F630] =	vst v2;
	v2 =	vsel vm0, v51, v58  }
0x22e: {  	v25 =	vld.idx.msk [tilespmem:v47+s13+$0x0], $0xffff;
	v58 =	vcombine.low v32, v2  }
0x22f: {  	v28 =	vld.idx.msk [tilespmem:v35+s15+$0x0], $0xffff;
	v63 =	vor.u32 $0x10, v46  }
0x230: {  	v56 =	vld.idx.msk [tilespmem:v26+s16+$0x0], $0xffff;
	v47 =	vor.u32 v63, v54;
	v63 =	vor.u32 v58, v55;
	v3 =	vsel vm0, v7, v3  }
0x231: {  	v35 =	vld.idx.msk [tilespmem:v26+s15+$0x0], $0xffff;
	v58 =	vadd.s32 $0x14, v46;
	v33 =	vcombine.low v33, v3  }
0x232: {  	v26 =	vld.idx.msk [tilespmem:v50+s13+$0x0], $0xffff;
	v50 =	vor.u32 v58, v54  }
0x233: {  	v10 =	vld [tilespmem:$0x1F9C0];
	v33 =	vor.u32 v33, v55  }
0x234: {  	v4 =	vsel vm0, v8, v4;
	v17 =	vld.idx.msk [tilespmem:v11+s15+$0x0], $0xffff  }
0x235: {  	v60 =	vcombine.low v36, v4;
	v36 =	vld.idx.msk [tilespmem:v63+s15+$0x0], $0xffff  }
0x236: {  	v5 =	vld.idx.msk [tilespmem:v63+s16+$0x0], $0xffff  }
0x237: {  	v63 =	vor.u32 v60, v55;
	v13 =	vld.idx.msk [tilespmem:v50+s13+$0x0], $0xffff  }
0x238: {  	v6 =	vld.idx.msk [tilespmem:v33+s15+$0x0], $0xffff  }
0x239: {  	v11 =	vld [tilespmem:$0x1F9D0];
	v52 =	vadd.s32 $0x11, v46;
	v51 =	vadd.s32 $0x12, v46  }
0x23a: {  	v53 =	vor.u32 v52, v54;
	v52 =	vor.u32 v51, v54;
	v32 =	vld.idx.msk [tilespmem:v59+s15+$0x0], $0xffff  }
0x23b: {  	[tilespmem:$0x1F660] =	vst v5;
	v5 =	vld [tilespmem:$0x1F980]  }
0x23c: {  	[tilespmem:$0x1F680] =	vst v13;
	v13 =	vld.idx.msk [tilespmem:v63+s15+$0x0], $0xffff  }
0x23d: {  	[tilespmem:$0x1F670] =	vst v6;
	v6 =	vld.idx.msk [tilespmem:v33+s16+$0x0], $0xffff  }
0x23e: {  	v59 =	vld.idx.msk [tilespmem:v27+s15+$0x0], $0xffff  }
0x23f: {  	v27 =	vld.idx.msk [tilespmem:v52+s13+$0x0], $0xffff;
	v50 =	vadd.s32 $0x16, v46  }
0x240: {  	v52 =	vor.u32 v50, v54;
	v50 =	vld [tilespmem:$0x1F9F0]  }
0x241: {  	[tilespmem:$0x1F6A0] =	vst v13;
	v13 =	vld.idx.msk [tilespmem:v63+s16+$0x0], $0xffff  }
0x242: {  	v5 =	vsel vm0, v10, v5;
	[tilespmem:$0x1F690] =	vst v6;
	v6 =	vld [tilespmem:$0x1F990]  }
0x243: {  	v37 =	vcombine.low v37, v5;
	_ =	sdelay $0x1  }
0x244: {  	v33 =	vor.u32 v37, v55  }
0x245: {  	v58 =	vadd.s32 $0x15, v46;
	v8 =	vsel vm0, v50, v8  }
0x246: {  	v58 =	vor.u32 v58, v54;
	v0 =	vcombine.low v0, v8;
	[tilespmem:$0x1F6C0] =	vst v13;
	v13 =	vld [tilespmem:$0x1F9E0];
	v6 =	vsel vm0, v11, v6  }
0x247: {  	v14 =	vmul.f32 v14, v42;
	v42 =	vld [tilespmem:$0x1FA10];
	v38 =	vcombine.low v38, v6  }
0x248: {  	v48 =	vld.idx.msk [tilespmem:v53+s13+$0x0], $0xffff;
	v0 =	vor.u32 v0, v55  }
0x249: {  	v63 =	vor.u32 v38, v55;
	v38 =	vld.idx.msk [tilespmem:v33+s15+$0x0], $0xffff  }
0x24a: {  	v33 =	vld.idx.msk [tilespmem:v33+s16+$0x0], $0xffff  }
0x24b: {  	v12 =	vmul.f32 v12, v18;
	v53 =	vadd.s32 $0x13, v46;
	v58 =	vld.idx.msk [tilespmem:v58+s13+$0x0], $0xffff;
	v7 =	vsel vm0, v13, v7  }
0x24c: {  	v62 =	vor.u32 v53, v54;
	v53 =	vld [tilespmem:$0x1FA00];
	v60 =	vcombine.low v61, v7;
	v61 =	vadd.s32 $0x17, v46  }
0x24d: {  	v12 =	vmul.f32 v12, v21;
	v21 =	vld.idx.msk [tilespmem:v0+s15+$0x0], $0xffff;
	v51 =	vor.u32 v61, v54  }
0x24e: {  	v0 =	vld.idx.msk [tilespmem:v0+s16+$0x0], $0xffff  }
0x24f: {  	[tilespmem:$0x1F6D0] =	vst v33;
	v33 =	vld.idx.msk [tilespmem:v52+s13+$0x0], $0xffff  }
0x250: {  	v9 =	vmul.f32 v9, v57;
	[tilespmem:$0x1F6B0] =	vst v58;
	v37 =	vadd.s32 $0x18, v46;
	v58 =	vor.u32 v60, v55;
	v60 =	vld.idx.msk [tilespmem:v63+s15+$0x0], $0xffff  }
0x251: {  	v10 =	vsel vm0, v53, v10;
	v52 =	vor.u32 v37, v54;
	v61 =	vld.idx.msk [tilespmem:v63+s16+$0x0], $0xffff;
	v37 =	vadd.s32 $0x19, v46  }
0x252: {  	v1 =	vcombine.low v1, v10;
	v63 =	vld.idx.msk [tilespmem:v51+s13+$0x0], $0xffff;
	v51 =	vor.u32 v37, v54  }
0x253: {  	v9 =	vmul.f32 v9, v44;
	v11 =	vsel vm0, v42, v11  }
0x254: {  	v14 =	vmul.f32 v14, v23;
	v23 =	vld [tilespmem:$0x1FA30];
	v1 =	vor.u32 v1, v55;
	v2 =	vcombine.low v2, v11  }
0x255: {  	v9 =	vadd.f32 $0.0e+00, v9;
	[tilespmem:$0x1F740] =	vst v21;
	v21 =	vld [tilespmem:$0x1FA20]  }
0x256: {  	[tilespmem:$0x1F760] =	vst v0;
	v0 =	vor.u32 v2, v55;
	v44 =	vld.idx.msk [tilespmem:v58+s15+$0x0], $0xffff  }
0x257: {  	v12 =	vadd.f32 v12, v9;
	v9 =	vld.idx.msk [tilespmem:v51+s13+$0x0], $0xffff  }
0x258: {  	v18 =	vld.idx.msk [tilespmem:v58+s16+$0x0], $0xffff  }
0x259: {  	[tilespmem:$0x1F6E0] =	vst v60;
	v60 =	vld.idx.msk [tilespmem:v1+s15+$0x0], $0xffff  }
0x25a: {  	v19 =	vmul.f32 v19, v43;
	v1 =	vld.idx.msk [tilespmem:v1+s16+$0x0], $0xffff  }
0x25b: {  	v14 =	vadd.f32 $0.0e+00, v14;
	v58 =	vld.idx.msk [tilespmem:v0+s15+$0x0], $0xffff  }
0x25c: {  	v19 =	vmul.f32 v19, v29;
	v2 =	vsel vm0, v21, v13;
	v0 =	vld.idx.msk [tilespmem:v0+s16+$0x0], $0xffff;
	[tilespmem:$0x1F750] =	vst v9;
	v9 =	vadd.s32 $0x1B, v46  }
0x25d: {  	v31 =	vmul.f32 v30, v31;
	v3 =	vcombine.low v3, v2;
	v29 =	vor.u32 v9, v54;
	v9 =	vld [tilespmem:$0x1F510]  }
0x25e: {  	v14 =	vadd.f32 v19, v14  }
0x25f: {  	v19 =	vmul.f32 v31, v40;
	[tilespmem:$0x1F770] =	vst v1;
	v1 =	vor.u32 v3, v55;
	v3 =	vsel vm0, v23, v50  }
0x260: {  	v31 =	vmul.f32 v34, v45;
	v4 =	vcombine.low v4, v3;
	_ =	sdelay $0x1  }
0x261: {  	[tilespmem:$0x1F780] =	vst v0;
	v0 =	vor.u32 v4, v55;
	v4 =	vadd.f32 v19, v12;
	v19 =	vmul.f32 v31, v9;
	v9 =	vld [tilespmem:$0x1F520];
	_ =	sdelay $0x2  }
0x262: {  	v20 =	vmul.f32 v20, v39;
	_ =	sdelay $0x1  }
0x263: {  	v20 =	vmul.f32 v20, v9;
	v9 =	vld.idx.msk [tilespmem:v1+s15+$0x0], $0xffff;
	_ =	sdelay $0x4  }
0x264: {  	[tilespmem:$0x1F790] =	vst v9;
	v9 =	vld [tilespmem:$0x1F530]  }
0x265: {  	v30 =	vld [tilespmem:$0x1FA40];
	_ =	sdelay $0x1  }
0x266: {  	[tilespmem:$0x1F6F0] =	vst v63;
	v63 =	vld.idx.msk [tilespmem:v29+s13+$0x0], $0xffff  }
0x267: {  	v1 =	vld.idx.msk [tilespmem:v1+s16+$0x0], $0xffff  }
0x268: {  	v29 =	vmul.f32 v41, v9;
	v9 =	vld [tilespmem:$0x1F540]  }
0x269: {  	v45 =	vsel vm0, v30, v53  }
0x26a: {  	v5 =	vcombine.low v5, v45;
	_ =	sdelay $0x1  }
0x26b: {  	[tilespmem:$0x1F7A0] =	vst v1;
	v1 =	vor.u32 v5, v55;
	v5 =	vadd.f32 v19, v14;
	v14 =	vadd.s32 $0x1E, v46  }
0x26c: {  	v19 =	vmul.f32 v29, v9;
	v29 =	vor.u32 v14, v54;
	v14 =	vld.idx.msk [tilespmem:v0+s15+$0x0], $0xffff  }
0x26d: {  	v0 =	vld.idx.msk [tilespmem:v0+s16+$0x0], $0xffff;
	_ =	sdelay $0x2  }
0x26e: {  	v9 =	vld [tilespmem:$0x1F550];
	_ =	sdelay $0x1  }
0x26f: {  	[tilespmem:$0x1F7B0] =	vst v0;
	v0 =	vld [tilespmem:$0x1F560];
	_ =	sdelay $0x2  }
0x270: {  	[tilespmem:$0x1F730] =	vst v18;
	v18 =	vld.idx.msk [tilespmem:v52+s13+$0x0], $0xffff;
	v52 =	vmul.f32 v49, v9  }
0x271: {  	v9 =	vld [tilespmem:$0x1F580]  }
0x272: {  	v34 =	vmul.f32 v52, v0;
	v0 =	vld [tilespmem:$0x1F570];
	_ =	sdelay $0x1  }
0x273: {  	v39 =	vld [tilespmem:$0x1FA50];
	v15 =	vadd.s32 $0xA, v46  }
0x274: {  	v15 =	vor.u32 v15, v54;
	_ =	sdelay $0x1  }
0x275: {  	v53 =	vmul.f32 v9, v0;
	v0 =	vld [tilespmem:$0x1F590];
	_ =	sdelay $0x1  }
0x276: {  	v31 =	vsel vm0, v39, v42  }
0x277: {  	v16 =	vld.idx.msk [tilespmem:v15+s13+$0x0], $0xffff;
	v6 =	vcombine.low v6, v31;
	_ =	sdelay $0x1  }
0x278: {  	v6 =	vor.u32 v6, v55;
	v57 =	vmul.f32 v53, v0;
	v0 =	vld [tilespmem:$0x1F5A0];
	_ =	sdelay $0x2  }
0x279: {  	v17 =	vmul.f32 v16, v17;
	_ =	sdelay $0x1  }
0x27a: {  	v41 =	vmul.f32 v17, v0;
	v0 =	vld.idx.msk [tilespmem:v6+s15+$0x0], $0xffff;
	_ =	sdelay $0x4  }
0x27b: {  	[tilespmem:$0x1F7C0] =	vst v0;
	v0 =	vld [tilespmem:$0x1F5B0];
	_ =	sdelay $0x1  }
0x27c: {  	v40 =	vld [tilespmem:$0x1FA60];
	_ =	sdelay $0x2  }
0x27d: {  	v22 =	vmul.f32 v22, v0;
	v0 =	vld.idx.msk [tilespmem:v6+s16+$0x0], $0xffff;
	_ =	sdelay $0x1  }
0x27e: {  	v49 =	vsel vm0, v40, v21;
	v21 =	vld [tilespmem:$0x1FAA0]  }
0x27f: {  	v15 =	vadd.s32 $0xC, v46  }
0x280: {  	v15 =	vor.u32 v15, v54;
	v4 =	vadd.f32 v20, v4;
	v20 =	vld.idx.msk [tilespmem:v1+s15+$0x0], $0xffff  }
0x281: {  	v7 =	vcombine.low v7, v49;
	[tilespmem:$0x1F7D0] =	vst v0;
	v0 =	vld [tilespmem:$0x1F5C0]  }
0x282: {  	[tilespmem:$0x1F700] =	vst v61;
	v61 =	vld.idx.msk [tilespmem:v1+s16+$0x0], $0xffff  }
0x283: {  	v1 =	vor.u32 v7, v55;
	v7 =	vsel vm0, v21, v23;
	v23 =	vld [tilespmem:$0x1FAB0];
	_ =	sdelay $0x1  }
0x284: {  	v15 =	vld.idx.msk [tilespmem:v15+s13+$0x0], $0xffff  }
0x285: {  	v8 =	vcombine.low v8, v7;
	v22 =	vmul.f32 v22, v0;
	v0 =	vld [tilespmem:$0x1F5D0]  }
0x286: {  	v4 =	vadd.f32 v34, v4  }
0x287: {  	v6 =	vor.u32 v8, v55;
	v8 =	vsel vm0, v23, v30;
	v30 =	vld [tilespmem:$0x1FAC0]  }
0x288: {  	v53 =	vadd.f32 v41, v4;
	v4 =	vld [tilespmem:$0x1F5E0]  }
0x289: {  	v5 =	vadd.f32 v19, v5  }
0x28a: {  	v15 =	vmul.f32 v15, v0;
	v0 =	vld.idx.msk [tilespmem:v1+s16+$0x0], $0xffff  }
0x28b: {  	v5 =	vadd.f32 v57, v5  }
0x28c: {  	v17 =	vld.idx.msk [tilespmem:v1+s15+$0x0], $0xffff;
	v10 =	vcombine.low v10, v8;
	v1 =	vsel vm0, v30, v39  }
0x28d: {  	v22 =	vadd.f32 v22, v5;
	v5 =	vcombine.low v11, v1;
	v11 =	vmul.f32 v15, v4;
	v4 =	vld [tilespmem:$0x1F5F0];
	_ =	sdelay $0x1  }
0x28e: {  	[tilespmem:$0x1F7E0] =	vst v0;
	v0 =	vor.u32 v10, v55;
	v10 =	vadd.s32 $0x22, v46  }
0x28f: {  	v57 =	vor.u32 v10, v54;
	v10 =	vld [tilespmem:$0x1F600];
	_ =	sdelay $0x1  }
0x290: {  	v15 =	vmul.f32 v24, v4;
	v4 =	vld.idx.msk [tilespmem:v6+s15+$0x0], $0xffff;
	_ =	sdelay $0x2  }
0x291: {  	v12 =	vadd.s32 $0x1D, v46;
	v15 =	vmul.f32 v15, v10;
	v10 =	vld [tilespmem:$0x1F610]  }
0x292: {  	v12 =	vor.u32 v12, v54  }
0x293: {  	[tilespmem:$0x1F7F0] =	vst v4;
	v4 =	vld.idx.msk [tilespmem:v6+s16+$0x0], $0xffff;
	v6 =	vor.u32 v5, v55  }
0x294: {  	v19 =	vld.idx.msk [tilespmem:v29+s13+$0x0], $0xffff;
	v29 =	vor.u32 $0x20, v46;
	v24 =	vmul.f32 v25, v28  }
0x295: {  	v16 =	vor.u32 v29, v54  }
0x296: {  	v26 =	vmul.f32 v26, v35;
	v47 =	vld.idx.msk [tilespmem:v47+s13+$0x0], $0xffff;
	v11 =	vadd.f32 v11, v53;
	v25 =	vmul.f32 v24, v10  }
0x297: {  	v13 =	vld.idx.msk [tilespmem:v12+s13+$0x0], $0xffff  }
0x298: {  	v28 =	vadd.f32 v25, v11;
	v11 =	vmul.f32 v26, v56;
	v56 =	vld.idx.msk [tilespmem:v6+s15+$0x0], $0xffff  }
0x299: {  	v6 =	vld.idx.msk [tilespmem:v6+s16+$0x0], $0xffff  }
0x29a: {  	v9 =	vld.idx.msk [tilespmem:v16+s13+$0x0], $0xffff  }
0x29b: {  	v16 =	vld [tilespmem:$0x1F620]  }
0x29c: {  	v12 =	vadd.s32 $0x1F, v46;
	v29 =	vld.idx.msk [tilespmem:v0+s15+$0x0], $0xffff  }
0x29d: {  	v12 =	vor.u32 v12, v54;
	v5 =	vld [tilespmem:$0x1FAD0]  }
0x29e: {  	[tilespmem:$0x1F820] =	vst v6;
	v6 =	vld [tilespmem:$0x1F630]  }
0x29f: {  	v0 =	vld.idx.msk [tilespmem:v0+s16+$0x0], $0xffff  }
0x2a0: {  	v10 =	vld [tilespmem:$0x1FAE0]  }
0x2a1: {  	v25 =	vmul.f32 v47, v16  }
0x2a2: {  	v51 =	vld.idx.msk [tilespmem:v12+s13+$0x0], $0xffff;
	[tilespmem:$0x1F800] =	vst v4;
	v4 =	vsel vm0, v5, v40  }
0x2a3: {  	v12 =	vadd.s32 $0x21, v46;
	v2 =	vcombine.low v2, v4;
	v39 =	vmul.f32 v25, v6;
	v6 =	vld [tilespmem:$0x1F640]  }
0x2a4: {  	v12 =	vor.u32 v12, v54  }
0x2a5: {  	[tilespmem:$0x1F810] =	vst v0;
	v0 =	vor.u32 v2, v55;
	v2 =	vsel vm0, v10, v21  }
0x2a6: {  	v32 =	vmul.f32 v48, v32;
	v3 =	vcombine.low v3, v2;
	_ =	sdelay $0x1  }
0x2a7: {  	v3 =	vor.u32 v3, v55;
	v32 =	vmul.f32 v32, v6;
	v6 =	vld [tilespmem:$0x1F650]  }
0x2a8: {  	v52 =	vld.idx.msk [tilespmem:v12+s13+$0x0], $0xffff  }
0x2a9: {  	v12 =	vadd.s32 $0x23, v46;
	v21 =	vld [tilespmem:$0x1FAF0]  }
0x2aa: {  	v27 =	vmul.f32 v27, v59;
	[tilespmem:$0x1F710] =	vst v44;
	v12 =	vor.u32 v12, v54;
	v44 =	vld.idx.msk [tilespmem:v0+s15+$0x0], $0xffff  }
0x2ab: {  	v0 =	vld.idx.msk [tilespmem:v0+s16+$0x0], $0xffff  }
0x2ac: {  	v27 =	vmul.f32 v27, v6;
	v6 =	vld.idx.msk [tilespmem:v3+s15+$0x0], $0xffff  }
0x2ad: {  	v15 =	vadd.f32 v15, v22  }
0x2ae: {  	v62 =	vld.idx.msk [tilespmem:v62+s13+$0x0], $0xffff;
	v41 =	vsel vm0, v21, v23  }
0x2af: {  	v34 =	vld.idx.msk [tilespmem:v12+s13+$0x0], $0xffff;
	v15 =	vadd.f32 v11, v15;
	v11 =	vadd.s32 $0x25, v46;
	v12 =	vcombine.low v45, v41  }
0x2b0: {  	v40 =	vor.u32 v11, v54;
	v11 =	vld [tilespmem:$0x1FB00];
	[tilespmem:$0x1F830] =	vst v0  }
0x2b1: {  	v0 =	vor.u32 v12, v55;
	[tilespmem:$0x1F840] =	vst v6;
	v6 =	vld [tilespmem:$0x1F660];
	_ =	sdelay $0x2  }
0x2b2: {  	v62 =	vmul.f32 v62, v36;
	v3 =	vld.idx.msk [tilespmem:v3+s16+$0x0], $0xffff  }
0x2b3: {  	v35 =	vld.idx.msk [tilespmem:v57+s13+$0x0], $0xffff  }
0x2b4: {  	v59 =	vsel vm0, v11, v30;
	v57 =	vmul.f32 v62, v6;
	v6 =	vld.idx.msk [tilespmem:v0+s15+$0x0], $0xffff  }
0x2b5: {  	v31 =	vcombine.low v31, v59;
	_ =	sdelay $0x1  }
0x2b6: {  	[tilespmem:$0x1F850] =	vst v3;
	v3 =	vor.u32 v31, v55;
	v31 =	vadd.f32 v32, v15;
	v15 =	vadd.s32 $0x27, v46  }
0x2b7: {  	v28 =	vadd.f32 v39, v28;
	v39 =	vor.u32 v15, v54;
	v15 =	vld [tilespmem:$0x1F680]  }
0x2b8: {  	[tilespmem:$0x1F860] =	vst v6;
	v6 =	vld [tilespmem:$0x1F670];
	_ =	sdelay $0x4  }
0x2b9: {  	v43 =	vmul.f32 v15, v6;
	v15 =	vld [tilespmem:$0x1FB20]  }
0x2ba: {  	v12 =	vadd.s32 $0x26, v46  }
0x2bb: {  	v42 =	vor.u32 v12, v54;
	v12 =	vld [tilespmem:$0x1FB10];
	_ =	sdelay $0x1  }
0x2bc: {  	v0 =	vld.idx.msk [tilespmem:v0+s16+$0x0], $0xffff  }
0x2bd: {  	v6 =	vsel vm0, v15, v10;
	v10 =	vld [tilespmem:$0x1F690];
	_ =	sdelay $0x1  }
0x2be: {  	v5 =	vsel vm0, v12, v5  }
0x2bf: {  	v53 =	vcombine.low v49, v5  }
0x2c0: {  	v16 =	vld [tilespmem:$0x1F6B0]  }
0x2c1: {  	[tilespmem:$0x1F870] =	vst v0;
	v0 =	vor.u32 v53, v55;
	v53 =	vmul.f32 v43, v10;
	v10 =	vld [tilespmem:$0x1F6A0];
	_ =	sdelay $0x2  }
0x2c2: {  	v22 =	vadd.s32 $0x24, v46  }
0x2c3: {  	v26 =	vor.u32 v22, v54;
	v22 =	vld [tilespmem:$0x1FB40]  }
0x2c4: {  	v47 =	vadd.s32 $0x28, v46;
	v31 =	vadd.f32 v57, v31;
	v57 =	vmul.f32 v16, v10;
	v16 =	vld [tilespmem:$0x1F6C0]  }
0x2c5: {  	v32 =	vor.u32 v47, v54;
	v47 =	vld.idx.msk [tilespmem:v3+s15+$0x0], $0xffff  }
0x2c6: {  	v3 =	vld.idx.msk [tilespmem:v3+s16+$0x0], $0xffff  }
0x2c7: {  	v48 =	vld.idx.msk [tilespmem:v39+s13+$0x0], $0xffff  }
0x2c8: {  	v28 =	vadd.f32 v27, v28;
	v10 =	vld [tilespmem:$0x1FB30]  }
0x2c9: {  	v39 =	vmul.f32 v57, v16;
	v16 =	vld [tilespmem:$0x1F6D0]  }
0x2ca: {  	v28 =	vadd.f32 v53, v28;
	v53 =	vld.idx.msk [tilespmem:v0+s15+$0x0], $0xffff  }
0x2cb: {  	v7 =	vcombine.low v7, v6;
	v0 =	vld.idx.msk [tilespmem:v0+s16+$0x0], $0xffff  }
0x2cc: {  	v33 =	vmul.f32 v33, v38  }
0x2cd: {  	[tilespmem:$0x1F880] =	vst v3;
	v3 =	vor.u32 v7, v55;
	v7 =	vsel vm0, v10, v21;
	v21 =	vld [tilespmem:$0x1F6F0]  }
0x2ce: {  	v8 =	vcombine.low v8, v7;
	v33 =	vmul.f32 v33, v16;
	v16 =	vld [tilespmem:$0x1F6E0];
	_ =	sdelay $0x1  }
0x2cf: {  	[tilespmem:$0x1F890] =	vst v0;
	v0 =	vor.u32 v8, v55;
	v8 =	vsel vm0, v22, v11;
	v11 =	vld [tilespmem:$0x1F700]  }
0x2d0: {  	[tilespmem:$0x1F720] =	vst v18;
	v18 =	vadd.s32 $0x1A, v46  }
0x2d1: {  	v18 =	vor.u32 v18, v54  }
0x2d2: {  	v38 =	vmul.f32 v21, v16;
	_ =	sdelay $0x1  }
0x2d3: {  	v23 =	vadd.f32 v39, v31;
	v1 =	vcombine.low v1, v8;
	v39 =	vmul.f32 v38, v11;
	v11 =	vld.idx.msk [tilespmem:v3+s15+$0x0], $0xffff;
	_ =	sdelay $0x1  }
0x2d4: {  	v37 =	vld.idx.msk [tilespmem:v18+s13+$0x0], $0xffff;
	v1 =	vor.u32 v1, v55;
	_ =	sdelay $0x1  }
0x2d5: {  	v16 =	vld [tilespmem:$0x1F720]  }
0x2d6: {  	v18 =	vadd.s32 $0x1C, v46;
	[tilespmem:$0x1F8A0] =	vst v11;
	v11 =	vld [tilespmem:$0x1F710]  }
0x2d7: {  	v18 =	vor.u32 v18, v54;
	v24 =	vld [tilespmem:$0x1FB50]  }
0x2d8: {  	v60 =	vmul.f32 v37, v60;
	v37 =	vld.idx.msk [tilespmem:v1+s15+$0x0], $0xffff  }
0x2d9: {  	v1 =	vld.idx.msk [tilespmem:v1+s16+$0x0], $0xffff  }
0x2da: {  	v3 =	vld.idx.msk [tilespmem:v3+s16+$0x0], $0xffff  }
0x2db: {  	v62 =	vadd.s32 $0x29, v46;
	v21 =	vmul.f32 v16, v11;
	v11 =	vld [tilespmem:$0x1F730]  }
0x2dc: {  	v18 =	vld.idx.msk [tilespmem:v18+s13+$0x0], $0xffff;
	v62 =	vor.u32 v62, v54  }
0x2dd: {  	v50 =	vld.idx.msk [tilespmem:v42+s13+$0x0], $0xffff  }
0x2de: {  	[tilespmem:$0x1F8D0] =	vst v1;
	v1 =	vld [tilespmem:$0x1F780]  }
0x2df: {  	[tilespmem:$0x1F8B0] =	vst v3;
	v3 =	vsel vm0, v24, v12;
	v12 =	vld [tilespmem:$0x1F750]  }
0x2e0: {  	v21 =	vmul.f32 v21, v11;
	v11 =	vld [tilespmem:$0x1F740]  }
0x2e1: {  	v42 =	vld.idx.msk [tilespmem:v62+s13+$0x0], $0xffff  }
0x2e2: {  	v58 =	vmul.f32 v63, v58;
	v28 =	vadd.f32 v33, v28;
	v33 =	vld.idx.msk [tilespmem:v0+s15+$0x0], $0xffff  }
0x2e3: {  	v0 =	vld.idx.msk [tilespmem:v0+s16+$0x0], $0xffff  }
0x2e4: {  	v62 =	vmul.f32 v58, v1;
	v1 =	vld [tilespmem:$0x1F790]  }
0x2e5: {  	v30 =	vmul.f32 v12, v11;
	v11 =	vld [tilespmem:$0x1F760]  }
0x2e6: {  	v12 =	vld [tilespmem:$0x1FB60];
	_ =	sdelay $0x2  }
0x2e7: {  	v4 =	vcombine.low v4, v3;
	v18 =	vmul.f32 v18, v1;
	v1 =	vld [tilespmem:$0x1F7A0]  }
0x2e8: {  	v30 =	vmul.f32 v30, v11;
	v11 =	vld [tilespmem:$0x1F770]  }
0x2e9: {  	v31 =	vadd.s32 $0x2A, v46;
	[tilespmem:$0x1F8C0] =	vst v0;
	v0 =	vor.u32 v4, v55;
	v4 =	vsel vm0, v12, v15;
	v15 =	vld [tilespmem:$0x1FB70]  }
0x2ea: {  	v43 =	vor.u32 v31, v54  }
0x2eb: {  	v36 =	vld.idx.msk [tilespmem:v40+s13+$0x0], $0xffff  }
0x2ec: {  	v40 =	vadd.s32 $0x2B, v46;
	v45 =	vld.idx.msk [tilespmem:v26+s13+$0x0], $0xffff;
	v2 =	vcombine.low v2, v4  }
0x2ed: {  	v49 =	vld.idx.msk [tilespmem:v32+s13+$0x0], $0xffff;
	v23 =	vadd.f32 v39, v23;
	v39 =	vor.u32 v40, v54;
	v18 =	vmul.f32 v18, v1  }
0x2ee: {  	v1 =	vld [tilespmem:$0x1F7B0];
	v63 =	vor.u32 v2, v55;
	v40 =	vmul.f32 v60, v11;
	v11 =	vsel vm0, v15, v10  }
0x2ef: {  	v31 =	vld.idx.msk [tilespmem:v43+s13+$0x0], $0xffff;
	v28 =	vadd.f32 v21, v28;
	v60 =	vcombine.low v41, v11  }
0x2f0: {  	v27 =	vld.idx.msk [tilespmem:v0+s15+$0x0], $0xffff  }
0x2f1: {  	v13 =	vmul.f32 v13, v14;
	v40 =	vadd.f32 v40, v28;
	v28 =	vld.idx.msk [tilespmem:v0+s16+$0x0], $0xffff;
	v0 =	vor.u32 v60, v55  }
0x2f2: {  	v10 =	vld [tilespmem:$0x1FB80]  }
0x2f3: {  	v14 =	vadd.s32 $0x2E, v46;
	v13 =	vmul.f32 v13, v1;
	v2 =	vadd.f32 v30, v23;
	v1 =	vld.idx.msk [tilespmem:v63+s16+$0x0], $0xffff  }
0x2f4: {  	v38 =	vor.u32 v14, v54;
	v14 =	vld [tilespmem:$0x1FB90]  }
0x2f5: {  	v57 =	vadd.s32 $0x2C, v46;
	v41 =	vadd.f32 v62, v2;
	v62 =	vld [tilespmem:$0x1FBA0]  }
0x2f6: {  	v43 =	vor.u32 v57, v54;
	v25 =	vld.idx.msk [tilespmem:v0+s15+$0x0], $0xffff  }
0x2f7: {  	v0 =	vld.idx.msk [tilespmem:v0+s16+$0x0], $0xffff  }
0x2f8: {  	v20 =	vmul.f32 v19, v20;
	v16 =	vsel vm0, v10, v22;
	[tilespmem:$0x1F8E0] =	vst v1;
	v1 =	vld [tilespmem:$0x1F7C0]  }
0x2f9: {  	v26 =	vld.idx.msk [tilespmem:v63+s15+$0x0], $0xffff;
	v63 =	vsel vm0, v14, v24;
	v32 =	vcombine.low v59, v16  }
0x2fa: {  	v20 =	vmul.f32 v20, v61;
	v30 =	vld.idx.msk [tilespmem:v39+s13+$0x0], $0xffff;
	v5 =	vcombine.low v5, v63;
	v61 =	vsel vm0, v62, v12  }
0x2fb: {  	v39 =	vld.idx.msk [tilespmem:v43+s13+$0x0], $0xffff;
	v43 =	vor.u32 v32, v55;
	v32 =	vcombine.low v6, v61;
	v6 =	vor.u32 $0x30, v46  }
0x2fc: {  	v59 =	vor.u32 v6, v54;
	v6 =	vld [tilespmem:$0x1FBD0]  }
0x2fd: {  	[tilespmem:$0x1F8F0] =	vst v0;
	v0 =	vor.u32 v5, v55;
	v5 =	vmul.f32 v51, v1;
	v1 =	vld [tilespmem:$0x1FC60];
	_ =	sdelay $0x4  }
0x2fe: {  	v18 =	vadd.f32 v18, v40;
	v40 =	vadd.f32 v13, v41;
	v13 =	vsel vm0, v1, v6;
	v1 =	vld [tilespmem:$0x1FBC0];
	_ =	sdelay $0x2  }
0x2ff: {  	v24 =	vld.idx.msk [tilespmem:v43+s15+$0x0], $0xffff  }
0x300: {  	v60 =	vld.idx.msk [tilespmem:v43+s16+$0x0], $0xffff  }
0x301: {  	v43 =	vor.u32 v32, v55;
	v32 =	vcombine.low v1, v13;
	v1 =	vld [tilespmem:$0x1F7D0];
	_ =	sdelay $0x4  }
0x302: {  	v18 =	vadd.f32 v20, v18;
	v20 =	vmul.f32 v5, v1;
	v1 =	vld [tilespmem:$0x1F7E0]  }
0x303: {  	v23 =	vadd.s32 $0x2D, v46  }
0x304: {  	v58 =	vor.u32 v23, v54;
	v23 =	vld.idx.msk [tilespmem:v38+s13+$0x0], $0xffff  }
0x305: {  	v38 =	vmul.f32 v9, v17;
	v2 =	vld [tilespmem:$0x1F900]  }
0x306: {  	v5 =	vld [tilespmem:$0x1FC10]  }
0x307: {  	v19 =	vadd.s32 $0x2F, v46;
	v46 =	vmul.f32 v38, v1;
	v1 =	vld [tilespmem:$0x1FC80];
	_ =	sdelay $0x3  }
0x308: {  	v14 =	vsel vm0, v2, v14;
	v2 =	vld [tilespmem:$0x1F800]  }
0x309: {  	v17 =	vsel vm0, v1, v5;
	v1 =	vld [tilespmem:$0x1F7F0]  }
0x30a: {  	v21 =	vld.idx.msk [tilespmem:v0+s15+$0x0], $0xffff  }
0x30b: {  	v57 =	vld.idx.msk [tilespmem:v0+s16+$0x0], $0xffff  }
0x30c: {  	v0 =	vld [tilespmem:$0x1FC00];
	_ =	sdelay $0x1  }
0x30d: {  	v38 =	vmul.f32 v52, v1;
	_ =	sdelay $0x1  }
0x30e: {  	v20 =	vadd.f32 v20, v40;
	v40 =	vmul.f32 v38, v2;
	v2 =	vld [tilespmem:$0x1F810]  }
0x30f: {  	v0 =	vcombine.low v0, v17  }
0x310: {  	v12 =	vld [tilespmem:$0x1FC20]  }
0x311: {  	v29 =	vmul.f32 v35, v29;
	v1 =	vor.u32 v0, v54;
	_ =	sdelay $0x1  }
0x312: {  	v29 =	vmul.f32 v29, v2;
	v2 =	vld [tilespmem:$0x1F910]  }
0x313: {  	v9 =	vld [tilespmem:$0x1FBE0]  }
0x314: {  	v41 =	vor.u32 v19, v54;
	v19 =	vsel vm0, v12, v10;
	v10 =	vld [tilespmem:$0x1FC50]  }
0x315: {  	v51 =	vor.u32 v32, v54;
	v32 =	vld.idx.msk [tilespmem:v1+s13+$0x0], $0xffff  }
0x316: {  	v1 =	vld [tilespmem:$0x1FA80]  }
0x317: {  	v20 =	vadd.f32 v40, v20;
	v40 =	vsel vm0, v2, v62;
	v2 =	vld [tilespmem:$0x1F820]  }
0x318: {  	v0 =	vld [tilespmem:$0x1FCA0]  }
0x319: {  	v18 =	vadd.f32 v46, v18  }
0x31a: {  	v34 =	vmul.f32 v34, v56;
	v15 =	vsel vm0, v9, v15  }
0x31b: {  	v7 =	vcombine.low v7, v15;
	v52 =	vld.idx.msk [tilespmem:v59+s13+$0x0], $0xffff;
	v18 =	vadd.f32 v29, v18  }
0x31c: {  	v29 =	vmul.f32 v34, v2;
	v34 =	vmul.f32 v45, v44;
	v45 =	vor.u32 v1, v54;
	v1 =	vld [tilespmem:$0x1FBB0]  }
0x31d: {  	v59 =	vsel vm0, v0, v10;
	v0 =	vld [tilespmem:$0x1FC40]  }
0x31e: {  	v7 =	vor.u32 v7, v55;
	_ =	sdelay $0x1  }
0x31f: {  	v8 =	vcombine.low v8, v19  }
0x320: {  	v62 =	vsel vm0, v6, v1;
	v1 =	vld [tilespmem:$0x1FC70]  }
0x321: {  	v22 =	vld.idx.msk [tilespmem:v41+s13+$0x0], $0xffff;
	v8 =	vor.u32 v8, v55;
	v0 =	vcombine.low v0, v59  }
0x322: {  	v41 =	vld.idx.msk [tilespmem:v7+s16+$0x0], $0xffff  }
0x323: {  	v46 =	vld.idx.msk [tilespmem:v51+s13+$0x0], $0xffff;
	v0 =	vor.u32 v0, v54  }
0x324: {  	v51 =	vld.idx.msk [tilespmem:v7+s15+$0x0], $0xffff  }
0x325: {  	v56 =	vcombine.low v62, v1;
	v1 =	vld [tilespmem:$0x1F940]  }
0x326: {  	v38 =	vld.idx.msk [tilespmem:v8+s16+$0x0], $0xffff  }
0x327: {  	v44 =	vld.idx.msk [tilespmem:v8+s15+$0x0], $0xffff  }
0x328: {  	v8 =	vld.idx.msk [tilespmem:v0+s13+$0x0], $0xffff  }
0x329: {  	v0 =	vld [tilespmem:$0x1F840]  }
0x32a: {  	v7 =	vsel vm0, v1, v9;
	v1 =	vld [tilespmem:$0x1F830];
	_ =	sdelay $0x3  }
0x32b: {  	v62 =	vmul.f32 v36, v0;
	v0 =	vld [tilespmem:$0x1FBF0]  }
0x32c: {  	v20 =	vadd.f32 v29, v20;
	v29 =	vmul.f32 v34, v1;
	v1 =	vld [tilespmem:$0x1FC90];
	_ =	sdelay $0x3  }
0x32d: {  	v0 =	vsel vm0, v5, v0  }
0x32e: {  	v0 =	vcombine.low v0, v1;
	v1 =	vld [tilespmem:$0x1F950];
	_ =	sdelay $0x4  }
0x32f: {  	v2 =	vsel vm0, v1, v12;
	v1 =	vld [tilespmem:$0x1F850];
	_ =	sdelay $0x4  }
0x330: {  	v18 =	vadd.f32 v29, v18;
	v29 =	vmul.f32 v62, v1;
	v1 =	vld [tilespmem:$0x1F860];
	_ =	sdelay $0x4  }
0x331: {  	v62 =	vmul.f32 v50, v1;
	v1 =	vor.u32 v0, v54;
	v0 =	vld [tilespmem:$0x1FC30]  }
0x332: {  	v5 =	vld [tilespmem:$0x1FCB0];
	_ =	sdelay $0x1  }
0x333: {  	v3 =	vcombine.low v3, v14;
	_ =	sdelay $0x1  }
0x334: {  	v47 =	vmul.f32 v48, v47;
	v48 =	vld [tilespmem:$0x1F920];
	v3 =	vor.u32 v3, v55;
	v0 =	vsel vm0, v10, v0  }
0x335: {  	v0 =	vcombine.low v0, v5;
	v5 =	vld [tilespmem:$0x1F870]  }
0x336: {  	v58 =	vld.idx.msk [tilespmem:v58+s13+$0x0], $0xffff  }
0x337: {  	v35 =	vld.idx.msk [tilespmem:v43+s15+$0x0], $0xffff  }
0x338: {  	v43 =	vld.idx.msk [tilespmem:v43+s16+$0x0], $0xffff  }
0x339: {  	v36 =	vor.u32 v56, v54;
	v56 =	vld.idx.msk [tilespmem:v3+s15+$0x0], $0xffff  }
0x33a: {  	v11 =	vcombine.low v11, v7;
	v20 =	vadd.f32 v29, v20;
	v29 =	vmul.f32 v62, v5;
	v5 =	vld [tilespmem:$0x1F880]  }
0x33b: {  	v3 =	vld.idx.msk [tilespmem:v3+s16+$0x0], $0xffff  }
0x33c: {  	v11 =	vor.u32 v11, v55;
	v34 =	vld.idx.msk [tilespmem:v45+s13+$0x0], $0xffff;
	v45 =	vcombine.low v63, v48  }
0x33d: {  	v63 =	vld [tilespmem:$0x1FA90]  }
0x33e: {  	v45 =	vor.u32 v45, v55;
	v62 =	vld [tilespmem:$0x1FA70]  }
0x33f: {  	v47 =	vmul.f32 v47, v5;
	v5 =	vld [tilespmem:$0x1FCC0]  }
0x340: {  	v36 =	vld.idx.msk [tilespmem:v36+s13+$0x0], $0xffff  }
0x341: {  	v48 =	vld.idx.msk [tilespmem:v11+s15+$0x0], $0xffff  }
0x342: {  	v11 =	vld.idx.msk [tilespmem:v11+s16+$0x0], $0xffff  }
0x343: {  	v49 =	vmul.f32 v49, v53;
	v30 =	vmul.f32 v30, v37;
	v37 =	vld.idx.msk [tilespmem:v45+s15+$0x0], $0xffff;
	v63 =	vsel vm0, v63, v62  }
0x344: {  	v4 =	vcombine.low v4, v40;
	v53 =	vcombine.low v63, v5;
	v5 =	vld [tilespmem:$0x1F890]  }
0x345: {  	v12 =	vld [tilespmem:$0x1F8D0]  }
0x346: {  	v27 =	vmul.f32 v39, v27;
	v4 =	vor.u32 v4, v55;
	v39 =	vld.idx.msk [tilespmem:v45+s16+$0x0], $0xffff  }
0x347: {  	v62 =	vld [tilespmem:$0x1FF10]  }
0x348: {  	v18 =	vadd.f32 v29, v18;
	v29 =	vld [tilespmem:$0x1F930]  }
0x349: {  	v20 =	vadd.f32 v47, v20;
	v47 =	vmul.f32 v49, v5;
	v5 =	vld [tilespmem:$0x1F8A0]  }
0x34a: {  	v30 =	vmul.f32 v30, v12;
	v12 =	vld [tilespmem:$0x1FCD0]  }
0x34b: {  	v50 =	vld.idx.msk [tilespmem:v4+s15+$0x0], $0xffff;
	v0 =	vor.u32 v0, v54  }
0x34c: {  	v13 =	vcombine.low v13, v62;
	v62 =	vld [tilespmem:$0x1FD60]  }
0x34d: {  	v4 =	vld.idx.msk [tilespmem:v4+s16+$0x0], $0xffff;
	v29 =	vcombine.low v61, v29  }
0x34e: {  	v42 =	vmul.f32 v42, v5;
	v5 =	vld [tilespmem:$0x1F8B0]  }
0x34f: {  	v1 =	vld.idx.msk [tilespmem:v1+s13+$0x0], $0xffff;
	v29 =	vor.u32 v29, v55  }
0x350: {  	v0 =	vld.idx.msk [tilespmem:v0+s13+$0x0], $0xffff  }
0x351: {  	v9 =	vcombine.low v16, v2;
	v6 =	vcombine.low v15, v62;
	v15 =	vld [tilespmem:$0x1FCE0]  }
0x352: {  	v63 =	vld [tilespmem:$0x1FF20]  }
0x353: {  	v9 =	vor.u32 v9, v55;
	v61 =	vmul.f32 v42, v5;
	v5 =	vld [tilespmem:$0x1F8C0]  }
0x354: {  	v27 =	vmul.f32 v27, v28;
	v28 =	vld.idx.msk [tilespmem:v29+s15+$0x0], $0xffff  }
0x355: {  	v31 =	vmul.f32 v31, v33;
	v42 =	vld [tilespmem:$0x1FD80]  }
0x356: {  	v20 =	vadd.f32 v61, v20;
	v61 =	vcombine.low v59, v12;
	v12 =	vcombine.low v14, v15;
	v14 =	vld [tilespmem:$0x1F8E0]  }
0x357: {  	v29 =	vld.idx.msk [tilespmem:v29+s16+$0x0], $0xffff  }
0x358: {  	v13 =	vor.u32 v13, v54;
	v49 =	vld.idx.msk [tilespmem:v9+s15+$0x0], $0xffff;
	v18 =	vadd.f32 v47, v18;
	v31 =	vmul.f32 v31, v5  }
0x359: {  	v26 =	vmul.f32 v58, v26;
	v9 =	vld.idx.msk [tilespmem:v9+s16+$0x0], $0xffff  }
0x35a: {  	v62 =	vld [tilespmem:$0x1FDD0];
	v10 =	vcombine.low v19, v42;
	v18 =	vadd.f32 v31, v18  }
0x35b: {  	v53 =	vor.u32 v53, v54;
	v19 =	vmul.f32 v23, v25;
	v23 =	vmul.f32 v26, v14;
	v14 =	vld [tilespmem:$0x1F8F0]  }
0x35c: {  	v6 =	vor.u32 v6, v55;
	v18 =	vadd.f32 v27, v18;
	v27 =	vor.u32 v61, v54;
	v61 =	vld [tilespmem:$0x1FED0]  }
0x35d: {  	v13 =	vld.idx.msk [tilespmem:v13+s13+$0x0], $0xffff;
	v5 =	vcombine.low v17, v63  }
0x35e: {  	v15 =	vld [tilespmem:$0x1FE00];
	v20 =	vadd.f32 v30, v20  }
0x35f: {  	v63 =	vld [tilespmem:$0x1FE20];
	v5 =	vor.u32 v5, v54  }
0x360: {  	v31 =	vld.idx.msk [tilespmem:v53+s13+$0x0], $0xffff;
	v20 =	vadd.f32 v23, v20;
	v23 =	vcombine.low v40, v62;
	v19 =	vmul.f32 v19, v14  }
0x361: {  	v26 =	vld.idx.msk [tilespmem:v6+s15+$0x0], $0xffff;
	v30 =	vor.u32 v61, v54  }
0x362: {  	v6 =	vld.idx.msk [tilespmem:v6+s16+$0x0], $0xffff;
	v18 =	vadd.f32 v19, v18;
	v19 =	vor.u32 v23, v55  }
0x363: {  	v62 =	vld [tilespmem:$0x1FEE0]  }
0x364: {  	v2 =	vcombine.low v2, v63;
	v63 =	vld [tilespmem:$0x1FEF0]  }
0x365: {  	v22 =	vmul.f32 v22, v24;
	v8 =	vmul.f32 v8, v44;
	v10 =	vor.u32 v10, v55;
	v5 =	vld.idx.msk [tilespmem:v5+s13+$0x0], $0xffff  }
0x366: {  	v1 =	vmul.f32 v1, v48;
	v7 =	vcombine.low v7, v15;
	v16 =	vld.idx.msk [tilespmem:v30+s13+$0x0], $0xffff  }
0x367: {  	v22 =	vmul.f32 v22, v60;
	v24 =	vmul.f32 v46, v35;
	v30 =	vld.idx.msk [tilespmem:v19+s15+$0x0], $0xffff  }
0x368: {  	v8 =	vmul.f32 v8, v38;
	v1 =	vmul.f32 v1, v11;
	v7 =	vor.u32 v7, v55;
	v15 =	vld.idx.msk [tilespmem:v19+s16+$0x0], $0xffff  }
0x369: {  	v0 =	vmul.f32 v0, v49;
	v12 =	vor.u32 v12, v55;
	v17 =	vmul.f32 v52, v21;
	v19 =	vld [tilespmem:$0x1FF00]  }
0x36a: {  	v21 =	vmul.f32 v24, v43;
	v24 =	vmul.f32 v34, v56;
	v20 =	vadd.f32 v22, v20;
	v25 =	vld.idx.msk [tilespmem:v10+s15+$0x0], $0xffff  }
0x36b: {  	v17 =	vmul.f32 v17, v57;
	v10 =	vld.idx.msk [tilespmem:v10+s16+$0x0], $0xffff;
	v14 =	vmul.f32 v32, v51;
	v2 =	vor.u32 v2, v55  }
0x36c: {  	v20 =	vadd.f32 v21, v20;
	v22 =	vld.idx.msk [tilespmem:v27+s13+$0x0], $0xffff;
	v23 =	vor.u32 v62, v54;
	v27 =	vmul.f32 v36, v50  }
0x36d: {  	v14 =	vmul.f32 v14, v41;
	v11 =	vld.idx.msk [tilespmem:v7+s15+$0x0], $0xffff;
	v21 =	vor.u32 v63, v54;
	v17 =	vadd.f32 v17, v18  }
0x36e: {  	v8 =	vadd.f32 v8, v20;
	v18 =	vld.idx.msk [tilespmem:v12+s15+$0x0], $0xffff;
	v4 =	vmul.f32 v27, v4;
	v19 =	vor.u32 v19, v54  }
0x36f: {  	v13 =	vmul.f32 v13, v28;
	v3 =	vmul.f32 v24, v3;
	v12 =	vld.idx.msk [tilespmem:v12+s16+$0x0], $0xffff;
	v14 =	vadd.f32 v14, v17  }
0x370: {  	v0 =	vmul.f32 v0, v9;
	v5 =	vmul.f32 v5, v26;
	v4 =	vadd.f32 v4, v8;
	v8 =	vld.idx.msk [tilespmem:v2+s15+$0x0], $0xffff  }
0x371: {  	v9 =	vmul.f32 v13, v29;
	v17 =	vld.idx.msk [tilespmem:v23+s13+$0x0], $0xffff;
	v3 =	vadd.f32 v3, v14;
	v14 =	vmul.f32 v31, v37  }
0x372: {  	v20 =	vld.idx.msk [tilespmem:v21+s13+$0x0], $0xffff;
	v0 =	vadd.f32 v0, v4;
	v4 =	vmul.f32 v5, v6;
	v5 =	vmul.f32 v22, v25  }
0x373: {  	v1 =	vadd.f32 v1, v3;
	v3 =	vmul.f32 v14, v39;
	v13 =	vld.idx.msk [tilespmem:v19+s13+$0x0], $0xffff  }
0x374: {  	v2 =	vld.idx.msk [tilespmem:v2+s16+$0x0], $0xffff;
	v0 =	vadd.f32 v9, v0;
	v5 =	vmul.f32 v5, v10  }
0x375: {  	v6 =	vld.idx.msk [tilespmem:v7+s16+$0x0], $0xffff;
	v1 =	vadd.f32 v3, v1;
	v3 =	vmul.f32 v16, v18  }
0x376: {  	v7 =	vmul.f32 v17, v30;
	v0 =	vadd.f32 v5, v0  }
0x377: {  	v5 =	vmul.f32 v20, v11;
	v1 =	vadd.f32 v4, v1;
	v3 =	vmul.f32 v3, v12  }
0x378: {  	v4 =	vmul.f32 v7, v15;
	v7 =	vmul.f32 v13, v8  }
0x379: {  	v1 =	vadd.f32 v3, v1  }
0x37a: {  	v0 =	vadd.f32 v4, v0;
	v3 =	vmul.f32 v5, v6;
	v2 =	vmul.f32 v7, v2;
	_ =	sdelay $0x1  }
0x37b: {  	v58 =	vld [tilespmem:$0x1FEB0];
	v1 =	vadd.f32 v3, v1;
	v0 =	vadd.f32 v2, v0  }
0x37c: {  	v35 =	vld [tilespmem:$0x1FDE0]  }
0x37d: {  	v48 =	vld [tilespmem:$0x1FE70];
	v0 =	vadd.f32 v0, v1  }
0x37e: {  	v49 =	vld [tilespmem:$0x1FFF0]  }
0x37f: {  	v28 =	vld [tilespmem:$0x1FDC0];
	v0 =	vsub.f32 $0.0e+00, v0  }
0x380: {  	v52 =	vld [tilespmem:$0x1FE90]  }
0x381: {  	v56 =	vld [tilespmem:$0x1FEC0];
	v0 =	vmul.f32 $1.442695020e+00, v0  }
0x382: {  	v53 =	vld [tilespmem:$0x1FEA0]  }
0x383: {  	v24 =	vld [tilespmem:$0x1FD70];
	(erf) = vpow2.f32 v0  }
0x384: {  	v40 =	vld [tilespmem:$0x1FE40]  }
0x385: {  	v50 =	vld [tilespmem:$0x1FE80]  }
0x386: {  	v27 =	vld [tilespmem:$0x1FE60]  }
0x387: {  	v26 =	vld [tilespmem:$0x1FDB0]  }
0x388: {  	v37 =	vld [tilespmem:$0x1FFD0]  }
0x389: {  	v25 =	vld [tilespmem:$0x1FD90]  }
0x38a: {  	v22 =	vld [tilespmem:$0x1FD50]  }
0x38b: {  	v39 =	vld [tilespmem:$0x1FFE0]  }
0x38c: {  	v10 =	vld [tilespmem:$0x1FF80];
	v0 =	vpop (erf)  }
0x38d: {  	v16 =	vld [tilespmem:$0x1FD30];
	v0 =	vadd.f32 $1.000000000e+00, v0  }
0x38e: {  	v30 =	vld [tilespmem:$0x1FFC0]  }
0x38f: {  	v17 =	vld [tilespmem:$0x1FD40];
	(erf) = vrcp.f32 v0  }
0x390: {  	v11 =	vld [tilespmem:$0x1FF90]  }
0x391: {  	v20 =	vld [tilespmem:$0x1FE30]  }
0x392: {  	v15 =	vld [tilespmem:$0x1FFB0]  }
0x393: {  	v4 =	vld [tilespmem:$0x1FF40]  }
0x394: {  	p0 =	sne.s32 s19, $0x1F0;
	v6 =	vld [tilespmem:$0x1FF60]  }
.Ltmp1:
0x395: {  	v5 =	vld [tilespmem:$0x1FF50];
	(pc) =	sbr.rel @p0 .LBB2_4-.Ltmp1, $4  }
0x396: {  	v3 =	vld [tilespmem:$0x1FF30]  }
0x397: {  	v13 =	vld [tilespmem:$0x1FFA0]  }
0x398: {  	v8 =	vld [tilespmem:$0x1FF70];
	v0 =	vpop (erf)  }
0x399: {  	s20 =	sadd.s32 $0x10, s20;
	s19 =	sadd.s32 $0x10, s19;
	v7 =	vld [tilespmem:$0x1FE50];
	v2 =	vlaneseq.u32;
	[tilespmem:s21+$0x0] =	vst v0;
	s21 =	sadd.s32 $0x10, s21  }
0x39a: {  	s0 =	rddreg [dreg:$0xa];
	s1 =	simm.s32 $0x18600  }
0x39b: {  	[hbm4b:s0+s2] =	stream.linear.scatter [tilespmem:s1], [sflag:$0x2], $0x200, $0x38;
	[tilespmem:$0x18800] =	vst v63  }
0x39c: {  	_ =	swait.ge [sflag:s10], $0x200  }
0x39d: {  	s30 =	rddreg [dreg:$0xc]  }
0x39e: {  	s31 =	rddreg [dreg:$0xb];
	s1 =	sadd.s32 $0x1, s30  }
0x39f: {  	p0 =	sne.s32 s1, s31  }
.Ltmp2:
0x3a0: {  	_ = 	snop;
	(pc) =	sbr.rel @p0 .LBB2_1-.Ltmp2, $3  }
0x3a1: {  	_ =	sdelay $0x1  }
0x3a2: {  	[sflag:s10] =	ssyncset.done $0x0  }
0x3a3: {  	[sflag:s10] =	ssyncadd.s32 $0xFFFFFE00  }
0x3a4: {  	_ =	sfence.sel $0x180000  }
0x3a5: {  	[bflag:$0x0] =	sbarrier.arrive $0xFFFF  }
0x3a6: {  	_ =	strace $0x90000047  }
0x3a7: {  	s0 =	stileid.u32;
	[bflag:$0x2] =	sbarrier.arrive $0xFFFF  }
0x3a8: {  	p0 =	sne.s32 s0, $0x0;
	s0 =	rddreg [dreg:$0x6]  }
0x3a9: {  	s0 =	sadd.s32 @!p0 $0x100000, s0  }
0x3aa: {  	[sflag:s0] =	ssyncadd.tile.s32 @!p0 $0x1;
	_ =	shalt  }
.Lfunc_end2:
_tile_overlayer_lowered:
.L_overlay_start_2:
0x3ab: {  	(tag) =	ssettag $0x2  }
0x3ac: {  	s0 =	rddreg [dreg:$0x0];
	s2 =	stileid.u32  }
0x3ad: {  	s1 =	rddreg [dreg:$0x1];
	p0 =	sne.s32 s2, $0x0  }
0x3ae: {  	s3 =	rddreg [dreg:$0x2];
	[bflag:$0x3] =	sbarrier.arrive $0xFFFF;
	s2 =	simm.s32 @!p0 $0x1C02  }
0x3af: {  	[timem:s3], [sflag:s2] =	dma.local @!p0 [hbm:s0], s1  }
0x3b0: {  	s0 =	simm.s32 @!p0 $0x2  }
0x3b1: {  	_ =	swait.ge @!p0 [sflag:s0], s1  }
0x3b2: {  	s1 =	ssub.s32 @!p0 $0x0, s1;
	[sflag:s0] =	ssyncset.done @!p0 $0x0  }
0x3b3: {  	[sflag:s0] =	ssyncadd.s32 @!p0 s1  }
0x3b4: {  	[bflag:$0x3] =	sbarrier.arrive $0xFFFF  }
0x3b5: {  	_ =	shalt  }

</sc_bundles>
